<compile_context>
chip_gen: v7x
topology: tpu7x:2x2x1
jax: 0.10.2.dev20260603
libtpu: 0.0.44.dev20260713+nightly
codegen_flags: <defaults>
</compile_context>

<pallas_src>
import jax
import jax.numpy as jnp
from jax import lax
from jax.experimental import pallas as pl
from jax.experimental.pallas import tpu as pltpu
from jax.experimental.pallas import tpu_sc as plsc

NN = 10000
NP2 = 10240
DD = 128
CC = 64
NEG_SLOPE = 0.2

ER = 330000
NC, NS, LANES = 2, 16, 16
NW = NC * NS
KE = 128
NCH = 81
BW = NCH * KE
EPAD = BW * NW
RPS = NP2 // NS

_sc_mesh = plsc.VectorSubcoreMesh(core_axis_name="c", subcore_axis_name="s")
_sc_params = pltpu.CompilerParams(needs_layout_passes=False)



def _mm_kernel(x_ref, w_ref, o_ref):
    o_ref[...] = jnp.dot(x_ref[...], w_ref[...],
                         preferred_element_type=jnp.float32)


def tc_matmul(x, w):
    return pl.pallas_call(
        _mm_kernel,
        out_shape=jax.ShapeDtypeStruct((x.shape[0], w.shape[1]), jnp.float32),
    )(x, w)


def _dis_kernel(d0_ref, d1_ref, xw_ref, o_ref, xo_ref):
    d = d0_ref[...][:NN] + d1_ref[...][:NN]
    dis = jnp.where(d > 0, lax.rsqrt(d), 0.0)
    o_ref[...] = dis
    xo_ref[...] = xw_ref[...] * dis[:, None]


def tc_dis(deg0, deg1, xw1r):
    return pl.pallas_call(
        _dis_kernel,
        out_shape=[jax.ShapeDtypeStruct((NN,), jnp.float32),
                   jax.ShapeDtypeStruct((NN, DD), jnp.float32)],
    )(deg0, deg1, xw1r)


def _post_gcn_prep_kernel(a0_ref, a1_ref, dis_ref, b_ref, w_ref,
                          asrc_ref, adst_ref, o_ref, as_ref, ad_ref, u_ref):
    acc = (a0_ref[...] + a1_ref[...]) * dis_ref[...][:, None]
    h = jnp.maximum(acc + b_ref[...][None, :], 0.0)
    xw = jnp.dot(h, w_ref[...], preferred_element_type=jnp.float32)
    o_ref[...] = xw
    a_s = jnp.sum(xw * asrc_ref[...][None, :], axis=1)
    a_d = jnp.sum(xw * adst_ref[...][None, :], axis=1)
    as_ref[...] = a_s
    ad_ref[...] = a_d
    e_ub = jnp.max(a_s) + a_d
    u_ref[...] = jnp.where(e_ub >= 0, e_ub, NEG_SLOPE * e_ub)


def tc_post_gcn_prep(acc0, acc1, dis, b, w, a_src, a_dst):
    return pl.pallas_call(
        _post_gcn_prep_kernel,
        out_shape=[jax.ShapeDtypeStruct((NN, w.shape[1]), jnp.float32)]
        + [jax.ShapeDtypeStruct((NN,), jnp.float32)] * 3,
    )(acc0, acc1, dis, b, w, a_src, a_dst)


def _post_gat_prep_kernel(a0_ref, a1_ref, s0_ref, s1_ref, b_ref, w_ref,
                          dis_ref, o_ref):
    s = (s0_ref[...][:NN] + s1_ref[...][:NN])[:, None] + 1e-16
    h = jnp.maximum((a0_ref[...] + a1_ref[...]) / s + b_ref[...][None, :], 0.0)
    xw = jnp.dot(h, w_ref[...], preferred_element_type=jnp.float32)
    o_ref[...] = xw * dis_ref[...][:, None]


def tc_post_gat_prep(acc0, acc1, s0, s1, b, w, dis):
    return pl.pallas_call(
        _post_gat_prep_kernel,
        out_shape=jax.ShapeDtypeStruct((NN, w.shape[1]), jnp.float32),
    )(acc0, acc1, s0, s1, b, w, dis)


def _final_kernel(a0_ref, a1_ref, s0_ref, s1_ref, b_ref, w_ref, ob_ref,
                  h_ref, z_ref):
    s = (s0_ref[...][:NN] + s1_ref[...][:NN])[:, None] + 1e-16
    h = jnp.maximum((a0_ref[...] + a1_ref[...]) / s + b_ref[...][None, :], 0.0)
    h_ref[...] = h
    z_ref[...] = (jnp.dot(h, w_ref[...], preferred_element_type=jnp.float32)
                  + ob_ref[...][None, :])


def tc_final(acc0, acc1, s0, s1, b, w, ob):
    return pl.pallas_call(
        _final_kernel,
        out_shape=[jax.ShapeDtypeStruct((NN, DD), jnp.float32),
                   jax.ShapeDtypeStruct((NN, CC), jnp.float32)],
    )(acc0, acc1, s0, s1, b, w, ob)



def _edge_mask(eb, j):
    ids = eb + j * LANES + lax.iota(jnp.int32, LANES)
    return ids < ER


def _deg_body(dst_hbm, z1_hbm, out0, out1, didx, ones_v, deg_sh, sem):
    c = lax.axis_index("c")
    s = lax.axis_index("s")
    wid = c * NS + s
    pltpu.sync_copy(z1_hbm, deg_sh.at[pl.ds(s * RPS, RPS)])
    for j in range(KE // LANES):
        ones_v[pl.ds(j * LANES, LANES)] = jnp.full((LANES,), 1.0, jnp.float32)
    plsc.subcore_barrier()

    def chunk(i, carry):
        eb = wid * BW + i * KE
        pltpu.sync_copy(dst_hbm.at[pl.ds(eb, KE)], didx)
        pltpu.sync_copy(ones_v, deg_sh.at[didx], add=True)
        return carry

    lax.fori_loop(0, NCH, chunk, 0)
    plsc.subcore_barrier()
    sl = pl.ds(s * RPS, RPS)

    @pl.when(c == 0)
    def _():
        pltpu.sync_copy(deg_sh.at[sl], out0.at[sl])

    @pl.when(c == 1)
    def _():
        pltpu.sync_copy(deg_sh.at[sl], out1.at[sl])


def sc_degree(dst_p, z1):
    f = pl.kernel(
        _deg_body,
        out_type=[jax.ShapeDtypeStruct((NP2,), jnp.float32)] * 2,
        mesh=_sc_mesh,
        compiler_params=_sc_params,
        scratch_types=[
            pltpu.VMEM((KE,), jnp.int32),
            pltpu.VMEM((KE,), jnp.float32),
            pltpu.VMEM_SHARED((NP2,), jnp.float32),
            pltpu.SemaphoreType.DMA,
        ],
    )
    return f(dst_p, z1)


def _gcn_body(src_hbm, dst_hbm, xw_hbm, z2_hbm, out0, out1,
              sidx, didx, rows, acc_sh, sem):
    c = lax.axis_index("c")
    s = lax.axis_index("s")
    wid = c * NS + s
    pltpu.sync_copy(z2_hbm, acc_sh.at[pl.ds(s * RPS, RPS)])
    plsc.subcore_barrier()

    def chunk(i, carry):
        eb = wid * BW + i * KE
        pltpu.sync_copy(src_hbm.at[pl.ds(eb, KE)], sidx)
        g = pltpu.async_copy(xw_hbm.at[sidx], rows, sem)
        pltpu.sync_copy(dst_hbm.at[pl.ds(eb, KE)], didx)
        g.wait()
        pltpu.sync_copy(rows, acc_sh.at[didx], add=True)
        return carry

    lax.fori_loop(0, NCH, chunk, 0)
    plsc.subcore_barrier()
    sl = pl.ds(s * RPS, RPS)

    @pl.when(c == 0)
    def _():
        pltpu.sync_copy(acc_sh.at[sl], out0.at[sl])

    @pl.when(c == 1)
    def _():
        pltpu.sync_copy(acc_sh.at[sl], out1.at[sl])


def sc_gcn_pass(src_p, dst_p, xw, z2):
    f = pl.kernel(
        _gcn_body,
        out_type=[jax.ShapeDtypeStruct((NP2, DD), jnp.float32)] * 2,
        mesh=_sc_mesh,
        compiler_params=_sc_params,
        scratch_types=[
            pltpu.VMEM((KE,), jnp.int32),
            pltpu.VMEM((KE,), jnp.int32),
            pltpu.VMEM((KE, DD), jnp.float32),
            pltpu.VMEM_SHARED((NP2, DD), jnp.float32),
            pltpu.SemaphoreType.DMA,
        ],
    )
    return f(src_p, dst_p, xw, z2)


def _gat_body(src_hbm, dst_hbm, as_hbm, ad_hbm, u_hbm, xw_hbm, z2_hbm, z1_hbm,
              out0, out1, so0, so1,
              as_v, ad_v, u_v, sidx, didx, rows, wv, acc_sh, s_sh, sem):
    c = lax.axis_index("c")
    s = lax.axis_index("s")
    wid = c * NS + s
    pltpu.sync_copy(z2_hbm, acc_sh.at[pl.ds(s * RPS, RPS)])
    pltpu.sync_copy(z1_hbm, s_sh.at[pl.ds(s * RPS, RPS)])
    pltpu.sync_copy(as_hbm, as_v)
    pltpu.sync_copy(ad_hbm, ad_v)
    pltpu.sync_copy(u_hbm, u_v)
    plsc.subcore_barrier()

    def chunk(i, carry):
        eb = wid * BW + i * KE
        pltpu.sync_copy(src_hbm.at[pl.ds(eb, KE)], sidx)
        g = pltpu.async_copy(xw_hbm.at[sidx], rows, sem)
        pltpu.sync_copy(dst_hbm.at[pl.ds(eb, KE)], didx)

        def grp(j, carry2):
            sl = pl.ds(j * LANES, LANES)
            sv = sidx[sl]
            dv = didx[sl]
            e = plsc.load_gather(as_v, [sv]) + plsc.load_gather(ad_v, [dv])
            e = jnp.where(e >= 0, e, NEG_SLOPE * e)
            ex = jnp.exp(e - plsc.load_gather(u_v, [dv]))
            ex = jnp.where(_edge_mask(eb, j), ex, 0.0)
            wv[sl] = ex
            return carry2

        lax.fori_loop(0, KE // LANES, grp, 0)
        g.wait()

        def scale(e, carry2):
            w = plsc.load_gather(wv, [jnp.full((LANES,), e, jnp.int32)])
            for jj in range(DD // LANES):
                sl = pl.ds(jj * LANES, LANES)
                rows[e, sl] = rows[e, sl] * w
            return carry2

        lax.fori_loop(0, KE, scale, 0, unroll=2)
        pltpu.sync_copy(rows, acc_sh.at[didx], add=True)
        pltpu.sync_copy(wv, s_sh.at[didx], add=True)
        return carry

    lax.fori_loop(0, NCH, chunk, 0)
    plsc.subcore_barrier()
    sl = pl.ds(s * RPS, RPS)

    @pl.when(c == 0)
    def _():
        pltpu.sync_copy(acc_sh.at[sl], out0.at[sl])
        pltpu.sync_copy(s_sh.at[sl], so0.at[sl])

    @pl.when(c == 1)
    def _():
        pltpu.sync_copy(acc_sh.at[sl], out1.at[sl])
        pltpu.sync_copy(s_sh.at[sl], so1.at[sl])


def sc_gat_pass(src_p, dst_p, a_s, a_d, u, xw, z2, z1):
    f = pl.kernel(
        _gat_body,
        out_type=[jax.ShapeDtypeStruct((NP2, DD), jnp.float32)] * 2
        + [jax.ShapeDtypeStruct((NP2,), jnp.float32)] * 2,
        mesh=_sc_mesh,
        compiler_params=_sc_params,
        scratch_types=[
            pltpu.VMEM((NN,), jnp.float32),
            pltpu.VMEM((NN,), jnp.float32),
            pltpu.VMEM((NN,), jnp.float32),
            pltpu.VMEM((KE,), jnp.int32),
            pltpu.VMEM((KE,), jnp.int32),
            pltpu.VMEM((KE, DD), jnp.float32),
            pltpu.VMEM((KE,), jnp.float32),
            pltpu.VMEM_SHARED((NP2, DD), jnp.float32),
            pltpu.VMEM_SHARED((NP2,), jnp.float32),
            pltpu.SemaphoreType.DMA,
        ],
    )
    return f(src_p, dst_p, a_s, a_d, u, xw, z2, z1)



def kernel(x, edge_index, gcn1_W, gcn1_b, gat1_W, gat1_att_src, gat1_att_dst,
           gat1_b, gcn2_W, gcn2_b, gat2_W, gat2_att_src, gat2_att_dst,
           gat2_b, out_W, out_b):
    loops = jnp.arange(NN, dtype=jnp.int32)
    spad = jnp.zeros((EPAD - ER,), jnp.int32)
    dpad = NN + (jnp.arange(EPAD - ER, dtype=jnp.int32) % (NP2 - NN))
    src_p = jnp.concatenate([edge_index[0].astype(jnp.int32), loops, spad])
    dst_p = jnp.concatenate([edge_index[1].astype(jnp.int32), loops, dpad])
    z1 = jnp.zeros((RPS,), jnp.float32)
    z2 = jnp.zeros((RPS, DD), jnp.float32)

    xw1r = tc_matmul(x, gcn1_W)
    deg0, deg1 = sc_degree(dst_p, z1)
    dis, xw1 = tc_dis(deg0, deg1, xw1r)

    a1_0, a1_1 = sc_gcn_pass(src_p, dst_p, xw1, z2)

    xw2, as2, ad2, u2 = tc_post_gcn_prep(a1_0[:NN], a1_1[:NN], dis, gcn1_b,
                                         gat1_W, gat1_att_src, gat1_att_dst)
    a2_0, a2_1, s2_0, s2_1 = sc_gat_pass(src_p, dst_p, as2, ad2, u2, xw2,
                                         z2, z1)

    xw3 = tc_post_gat_prep(a2_0[:NN], a2_1[:NN], s2_0, s2_1, gat1_b, gcn2_W,
                           dis)
    a3_0, a3_1 = sc_gcn_pass(src_p, dst_p, xw3, z2)

    xw4, as4, ad4, u4 = tc_post_gcn_prep(a3_0[:NN], a3_1[:NN], dis, gcn2_b,
                                         gat2_W, gat2_att_src, gat2_att_dst)
    a4_0, a4_1, s4_0, s4_1 = sc_gat_pass(src_p, dst_p, as4, ad4, u4, xw4,
                                         z2, z1)

    h, z = tc_final(a4_0[:NN], a4_1[:NN], s4_0, s4_1, gat2_b, out_W, out_b)
    return (h, z)

# --- scband reference (transcript-rebuilt; emitter-appended) ---
"""Pipeline reference for scband-gnn-comp-51402168598782 (READ-ONLY COPY).

The authoritative reference and input builder live on the scoring server;
editing this copy changes nothing except your own understanding.
"""

import jax, jax.numpy as jnp
import numpy as np

N = 10000
E = 320000
D = 128
H = 128
C = 64


def gcn_conv(x, src, dst, W, b):
    n = x.shape[0]
    xw = x @ W
    deg = jnp.zeros((n,), x.dtype).at[dst].add(1.0)
    dis = jnp.where(deg > 0, 1.0 / jnp.sqrt(deg), 0.0)
    norm = dis[src] * dis[dst]
    out = jnp.zeros_like(xw).at[dst].add(norm[:, None] * xw[src])
    return out + b


def gat_conv(x, src, dst, W, a_src, a_dst, b):
    n = x.shape[0]
    xw = x @ W
    alpha_s = xw @ a_src
    alpha_d = xw @ a_dst
    e = jax.nn.leaky_relu(alpha_s[src] + alpha_d[dst], negative_slope=0.2)
    m = jax.ops.segment_max(e, dst, num_segments=n)
    ex = jnp.exp(e - m[dst])
    s = jax.ops.segment_sum(ex, dst, num_segments=n)
    alpha = ex / (s[dst] + 1e-16)
    out = jnp.zeros_like(xw).at[dst].add(alpha[:, None] * xw[src])
    return out + b


def setup_inputs(seed: int = 0) -> dict:
    key = jax.random.key(seed)
    ks = [jax.random.fold_in(key, i) for i in range(20)]
    inp = {}
    inp['x'] = jax.random.normal(ks[0], (N, D), dtype=jnp.float32)
    inp['edge_index'] = jax.random.randint(ks[1], (2, E), 0, N, dtype=jnp.int64 if jax.config.jax_enable_x64 else jnp.int32)
    inp['gcn1_W'] = jax.random.normal(ks[2], (D, H), dtype=jnp.float32) * (1.0 / np.sqrt(D))
    inp['gcn1_b'] = jnp.zeros((H,), dtype=jnp.float32)
    inp['gat1_W'] = jax.random.normal(ks[3], (H, H), dtype=jnp.float32) * (1.0 / np.sqrt(H))
    inp['gat1_att_src'] = jax.random.normal(ks[4], (H,), dtype=jnp.float32) * 0.1
    inp['gat1_att_dst'] = jax.random.normal(ks[5], (H,), dtype=jnp.float32) * 0.1
    inp['gat1_b'] = jnp.zeros((H,), dtype=jnp.float32)
    inp['gcn2_W'] = jax.random.normal(ks[6], (H, H), dtype=jnp.float32) * (1.0 / np.sqrt(H))
    inp['gcn2_b'] = jnp.zeros((H,), dtype=jnp.float32)
    inp['gat2_W'] = jax.random.normal(ks[7], (H, H), dtype=jnp.float32) * (1.0 / np.sqrt(H))
    inp['gat2_att_src'] = jax.random.normal(ks[8], (H,), dtype=jnp.float32) * 0.1
    inp['gat2_att_dst'] = jax.random.normal(ks[9], (H,), dtype=jnp.float32) * 0.1
    inp['gat2_b'] = jnp.zeros((H,), dtype=jnp.float32)
    inp['out_W'] = jax.random.normal(ks[10], (H, C), dtype=jnp.float32) * (1.0 / np.sqrt(H))
    inp['out_b'] = jnp.zeros((C,), dtype=jnp.float32)
    return inp


def reference(x, edge_index, gcn1_W, gcn1_b, gat1_W, gat1_att_src, gat1_att_dst, gat1_b, gcn2_W, gcn2_b, gat2_W, gat2_att_src, gat2_att_dst, gat2_b, out_W, out_b):
    n = x.shape[0]
    loops = jnp.arange(n, dtype=edge_index.dtype)
    src = jnp.concatenate([edge_index[0], loops])
    dst = jnp.concatenate([edge_index[1], loops])
    h = jax.nn.relu(gcn_conv(x, src, dst, gcn1_W, gcn1_b))
    h = jax.nn.relu(gat_conv(h, src, dst, gat1_W, gat1_att_src, gat1_att_dst, gat1_b))
    h = jax.nn.relu(gcn_conv(h, src, dst, gcn2_W, gcn2_b))
    h = jax.nn.relu(gat_conv(h, src, dst, gat2_W, gat2_att_src, gat2_att_dst, gat2_b))
    z = h @ out_W + out_b
    return (h, z)

if __name__ == "__main__":
    import jax
    _d = setup_inputs()
    print(jax.jit(kernel)(*tuple(_d.values())))

</pallas_src>

<mosaic_0001>
#map = affine_map<(d0, d1) -> (0)>
module attributes {stable_mosaic.version = 14 : i64} {
  func.func @_deg_body(%arg0: i32, %arg1: i32, %arg2: memref<331776xi32, #tpu.memory_space<hbm>>, %arg3: memref<640xf32, #tpu.memory_space<hbm>>, %arg4: memref<10240xf32, #tpu.memory_space<hbm>>, %arg5: memref<10240xf32, #tpu.memory_space<hbm>>, %arg6: memref<128xi32, #tpu.memory_space<vmem>>, %arg7: memref<128xf32, #tpu.memory_space<vmem>>, %arg8: memref<10240xf32, #tpu.memory_space<vmem_shared>>, %arg9: memref<!tpu.dma_semaphore, #tpu.memory_space<semaphore_mem>>) attributes {dimension_semantics = [#tpu.dimension_semantics<core_parallel>, #tpu.dimension_semantics<subcore_parallel>], iteration_bounds = array<i64: 2, 16>, scalar_prefetch = 0 : i64, scratch_operands = 4 : i64, tpu.core_type = #tpu.core_type<sc_vector_subcore>, window_params = [{transform_indices = #map}, {transform_indices = #map}, {transform_indices = #map}, {transform_indices = #map}]} {
    %mul3A = arith.constant 16 : i32
    %mul3A_0 = arith.muli %arg0, %mul3A : i32
    %add3A = arith.addi %mul3A_0, %arg1 : i32
    %mul3A_1 = arith.constant 640 : i32
    %mul3A_2 = arith.muli %arg1, %mul3A_1 : i32
    "tpu.region"() ({
      %run_scoped3A = tpu.sem_alloc : memref<!tpu.dma_semaphore, #tpu.memory_space<semaphore_mem>>
      %dma_start3A = tpu.memref_slice %arg8[%mul3A_2] : memref<10240xf32, #tpu.memory_space<vmem_shared>> -> memref<640xf32, #tpu.memory_space<vmem_shared>>
      tpu.enqueue_dma source(%arg3 : memref<640xf32, #tpu.memory_space<hbm>>) target(%dma_start3A : memref<640xf32, #tpu.memory_space<vmem_shared>>) target_semaphore(%run_scoped3A : memref<!tpu.dma_semaphore, #tpu.memory_space<semaphore_mem>>)
      %dma_wait3A = tpu.memref_slice %arg8[%mul3A_2] : memref<10240xf32, #tpu.memory_space<vmem_shared>> -> memref<640xf32, #tpu.memory_space<vmem_shared>>
      tpu.wait_dma2 semaphore(%run_scoped3A : memref<!tpu.dma_semaphore, #tpu.memory_space<semaphore_mem>>) src(%arg3 : memref<640xf32, #tpu.memory_space<hbm>>) dst(%dma_wait3A : memref<640xf32, #tpu.memory_space<vmem_shared>>)
      tpu.yield
    }) : () -> ()
    %broadcast_in_dim3A = arith.constant 1.000000e+00 : f32
    %broadcast_in_dim3A_3 = vector.broadcast %broadcast_in_dim3A : f32 to vector<16xf32>
    %swap3A = arith.constant 0 : index
    %swap3A_4 = tpu.vector_load %arg7[%swap3A] {strides = array<i32>} : memref<128xf32, #tpu.memory_space<vmem>>, vector<16xf32>,
    tpu.vector_store %arg7[%swap3A], %broadcast_in_dim3A_3 {strides = array<i32>} : memref<128xf32, #tpu.memory_space<vmem>>, vector<16xf32>,
    %broadcast_in_dim3A_5 = arith.constant 1.000000e+00 : f32
    %broadcast_in_dim3A_6 = vector.broadcast %broadcast_in_dim3A_5 : f32 to vector<16xf32>
    %swap3A_7 = arith.constant 16 : index
    %swap3A_8 = tpu.vector_load %arg7[%swap3A_7] {strides = array<i32>} : memref<128xf32, #tpu.memory_space<vmem>>, vector<16xf32>,
    tpu.vector_store %arg7[%swap3A_7], %broadcast_in_dim3A_6 {strides = array<i32>} : memref<128xf32, #tpu.memory_space<vmem>>, vector<16xf32>,
    %broadcast_in_dim3A_9 = arith.constant 1.000000e+00 : f32
    %broadcast_in_dim3A_10 = vector.broadcast %broadcast_in_dim3A_9 : f32 to vector<16xf32>
    %swap3A_11 = arith.constant 32 : index
    %swap3A_12 = tpu.vector_load %arg7[%swap3A_11] {strides = array<i32>} : memref<128xf32, #tpu.memory_space<vmem>>, vector<16xf32>,
    tpu.vector_store %arg7[%swap3A_11], %broadcast_in_dim3A_10 {strides = array<i32>} : memref<128xf32, #tpu.memory_space<vmem>>, vector<16xf32>,
    %broadcast_in_dim3A_13 = arith.constant 1.000000e+00 : f32
    %broadcast_in_dim3A_14 = vector.broadcast %broadcast_in_dim3A_13 : f32 to vector<16xf32>
    %swap3A_15 = arith.constant 48 : index
    %swap3A_16 = tpu.vector_load %arg7[%swap3A_15] {strides = array<i32>} : memref<128xf32, #tpu.memory_space<vmem>>, vector<16xf32>,
    tpu.vector_store %arg7[%swap3A_15], %broadcast_in_dim3A_14 {strides = array<i32>} : memref<128xf32, #tpu.memory_space<vmem>>, vector<16xf32>,
    %broadcast_in_dim3A_17 = arith.constant 1.000000e+00 : f32
    %broadcast_in_dim3A_18 = vector.broadcast %broadcast_in_dim3A_17 : f32 to vector<16xf32>
    %swap3A_19 = arith.constant 64 : index
    %swap3A_20 = tpu.vector_load %arg7[%swap3A_19] {strides = array<i32>} : memref<128xf32, #tpu.memory_space<vmem>>, vector<16xf32>,
    tpu.vector_store %arg7[%swap3A_19], %broadcast_in_dim3A_18 {strides = array<i32>} : memref<128xf32, #tpu.memory_space<vmem>>, vector<16xf32>,
    %broadcast_in_dim3A_21 = arith.constant 1.000000e+00 : f32
    %broadcast_in_dim3A_22 = vector.broadcast %broadcast_in_dim3A_21 : f32 to vector<16xf32>
    %swap3A_23 = arith.constant 80 : index
    %swap3A_24 = tpu.vector_load %arg7[%swap3A_23] {strides = array<i32>} : memref<128xf32, #tpu.memory_space<vmem>>, vector<16xf32>,
    tpu.vector_store %arg7[%swap3A_23], %broadcast_in_dim3A_22 {strides = array<i32>} : memref<128xf32, #tpu.memory_space<vmem>>, vector<16xf32>,
    %broadcast_in_dim3A_25 = arith.constant 1.000000e+00 : f32
    %broadcast_in_dim3A_26 = vector.broadcast %broadcast_in_dim3A_25 : f32 to vector<16xf32>
    %swap3A_27 = arith.constant 96 : index
    %swap3A_28 = tpu.vector_load %arg7[%swap3A_27] {strides = array<i32>} : memref<128xf32, #tpu.memory_space<vmem>>, vector<16xf32>,
    tpu.vector_store %arg7[%swap3A_27], %broadcast_in_dim3A_26 {strides = array<i32>} : memref<128xf32, #tpu.memory_space<vmem>>, vector<16xf32>,
    %broadcast_in_dim3A_29 = arith.constant 1.000000e+00 : f32
    %broadcast_in_dim3A_30 = vector.broadcast %broadcast_in_dim3A_29 : f32 to vector<16xf32>
    %swap3A_31 = arith.constant 112 : index
    %swap3A_32 = tpu.vector_load %arg7[%swap3A_31] {strides = array<i32>} : memref<128xf32, #tpu.memory_space<vmem>>, vector<16xf32>,
    tpu.vector_store %arg7[%swap3A_31], %broadcast_in_dim3A_30 {strides = array<i32>} : memref<128xf32, #tpu.memory_space<vmem>>, vector<16xf32>,
    %barrier3A = arith.constant 0 : index
    tpu.barrier barrier_id(%barrier3A)
    %scan3A = arith.constant 0 : i32
    %scan3A_33 = arith.constant 0 : i32
    %scan3A_34 = arith.constant 81 : i32
    %scan3A_35 = arith.addi %scan3A_33, %scan3A_34 : i32
    %scan3A_36 = arith.constant 1 : i32
    scf.for %scan3A_48 = %scan3A_33 to %scan3A_35 step %scan3A_36  : i32 {
      %mul3A_49 = arith.constant 10368 : i32
      %mul3A_50 = arith.muli %add3A, %mul3A_49 : i32
      %mul3A_51 = arith.constant 128 : i32
      %mul3A_52 = arith.muli %scan3A_48, %mul3A_51 : i32
      %add3A_53 = arith.addi %mul3A_50, %mul3A_52 : i32
      "tpu.region"() ({
        %run_scoped3A = tpu.sem_alloc : memref<!tpu.dma_semaphore, #tpu.memory_space<semaphore_mem>>
        %dma_start3A = tpu.memref_slice %arg2[%add3A_53] : memref<331776xi32, #tpu.memory_space<hbm>> -> memref<128xi32, #tpu.memory_space<hbm>>
        %dma_start3A_54 = tpu.memref_slice %arg2[%add3A_53] : memref<331776xi32, #tpu.memory_space<hbm>> -> memref<128xi32, #tpu.memory_space<hbm>>
        tpu.enqueue_dma source(%dma_start3A_54 : memref<128xi32, #tpu.memory_space<hbm>>) target(%arg6 : memref<128xi32, #tpu.memory_space<vmem>>) target_semaphore(%run_scoped3A : memref<!tpu.dma_semaphore, #tpu.memory_space<semaphore_mem>>)
        %dma_wait3A = tpu.memref_slice %arg2[%add3A_53] : memref<331776xi32, #tpu.memory_space<hbm>> -> memref<128xi32, #tpu.memory_space<hbm>>
        %dma_wait3A_55 = tpu.memref_slice %arg2[%add3A_53] : memref<331776xi32, #tpu.memory_space<hbm>> -> memref<128xi32, #tpu.memory_space<hbm>>
        tpu.wait_dma2 semaphore(%run_scoped3A : memref<!tpu.dma_semaphore, #tpu.memory_space<semaphore_mem>>) src(%dma_wait3A_55 : memref<128xi32, #tpu.memory_space<hbm>>) dst(%arg6 : memref<128xi32, #tpu.memory_space<vmem>>)
        tpu.yield
      }) : () -> ()
      "tpu.region"() ({
        %run_scoped3A = tpu.sem_alloc : memref<!tpu.dma_semaphore, #tpu.memory_space<semaphore_mem>>
        %dma_start3A = arith.constant 0 : i32
        %dma_start3A_54 = tpu.memref_slice %arg8[%dma_start3A] : memref<10240xf32, #tpu.memory_space<vmem_shared>> -> memref<10240xf32, #tpu.memory_space<vmem_shared>>
        tpu.enqueue_indirect_dma source(%arg7 : memref<128xf32, #tpu.memory_space<vmem>>) target(%dma_start3A_54 : memref<10240xf32, #tpu.memory_space<vmem_shared>>) offsets(%arg6 : memref<128xi32, #tpu.memory_space<vmem>>) semaphore(%run_scoped3A : memref<!tpu.dma_semaphore, #tpu.memory_space<semaphore_mem>>) {add = true}
        %dma_wait3A = arith.constant 0 : i32
        %dma_wait3A_55 = tpu.memref_slice %arg8[%dma_wait3A] : memref<10240xf32, #tpu.memory_space<vmem_shared>> -> memref<10240xf32, #tpu.memory_space<vmem_shared>>
        tpu.wait_indirect_dma semaphore(%run_scoped3A : memref<!tpu.dma_semaphore, #tpu.memory_space<semaphore_mem>>) src(%arg7 : memref<128xf32, #tpu.memory_space<vmem>>) dst(%dma_wait3A_55 : memref<10240xf32, #tpu.memory_space<vmem_shared>>)
        tpu.yield
      }) : () -> ()
    }
    %scan3A_37 = arith.constant 81 : i32
    %barrier3A_38 = arith.constant 0 : index
    tpu.barrier barrier_id(%barrier3A_38)
    %mul3A_39 = arith.constant 640 : i32
    %mul3A_40 = arith.muli %arg1, %mul3A_39 : i32
    %eq3A = arith.constant 0 : i32
    %eq3A_41 = arith.cmpi eq, %arg0, %eq3A : i32
    %convert_element_type3A = arith.extui %eq3A_41 : i1 to i32
    %cond3A = arith.constant 0 : i32
    %cond3A_42 = arith.cmpi ne, %convert_element_type3A, %cond3A : i32
    scf.if %cond3A_42 {
      "tpu.region"() ({
        %run_scoped3A = tpu.sem_alloc : memref<!tpu.dma_semaphore, #tpu.memory_space<semaphore_mem>>
        %dma_start3A = tpu.memref_slice %arg4[%mul3A_40] : memref<10240xf32, #tpu.memory_space<hbm>> -> memref<640xf32, #tpu.memory_space<hbm>>
        %dma_start3A_48 = tpu.memref_slice %arg8[%mul3A_40] : memref<10240xf32, #tpu.memory_space<vmem_shared>> -> memref<640xf32, #tpu.memory_space<vmem_shared>>
        tpu.enqueue_dma source(%dma_start3A_48 : memref<640xf32, #tpu.memory_space<vmem_shared>>) target(%dma_start3A : memref<640xf32, #tpu.memory_space<hbm>>) target_semaphore(%run_scoped3A : memref<!tpu.dma_semaphore, #tpu.memory_space<semaphore_mem>>)
        %dma_wait3A = tpu.memref_slice %arg4[%mul3A_40] : memref<10240xf32, #tpu.memory_space<hbm>> -> memref<640xf32, #tpu.memory_space<hbm>>
        %dma_wait3A_49 = tpu.memref_slice %arg8[%mul3A_40] : memref<10240xf32, #tpu.memory_space<vmem_shared>> -> memref<640xf32, #tpu.memory_space<vmem_shared>>
        tpu.wait_dma2 semaphore(%run_scoped3A : memref<!tpu.dma_semaphore, #tpu.memory_space<semaphore_mem>>) src(%dma_wait3A_49 : memref<640xf32, #tpu.memory_space<vmem_shared>>) dst(%dma_wait3A : memref<640xf32, #tpu.memory_space<hbm>>)
        tpu.yield
      }) : () -> ()
    } else {
    }
    %eq3A_43 = arith.constant 1 : i32
    %eq3A_44 = arith.cmpi eq, %arg0, %eq3A_43 : i32
    %convert_element_type3A_45 = arith.extui %eq3A_44 : i1 to i32
    %cond3A_46 = arith.constant 0 : i32
    %cond3A_47 = arith.cmpi ne, %convert_element_type3A_45, %cond3A_46 : i32
    scf.if %cond3A_47 {
      "tpu.region"() ({
        %run_scoped3A = tpu.sem_alloc : memref<!tpu.dma_semaphore, #tpu.memory_space<semaphore_mem>>
        %dma_start3A = tpu.memref_slice %arg5[%mul3A_40] : memref<10240xf32, #tpu.memory_space<hbm>> -> memref<640xf32, #tpu.memory_space<hbm>>
        %dma_start3A_48 = tpu.memref_slice %arg8[%mul3A_40] : memref<10240xf32, #tpu.memory_space<vmem_shared>> -> memref<640xf32, #tpu.memory_space<vmem_shared>>
        tpu.enqueue_dma source(%dma_start3A_48 : memref<640xf32, #tpu.memory_space<vmem_shared>>) target(%dma_start3A : memref<640xf32, #tpu.memory_space<hbm>>) target_semaphore(%run_scoped3A : memref<!tpu.dma_semaphore, #tpu.memory_space<semaphore_mem>>)
        %dma_wait3A = tpu.memref_slice %arg5[%mul3A_40] : memref<10240xf32, #tpu.memory_space<hbm>> -> memref<640xf32, #tpu.memory_space<hbm>>
        %dma_wait3A_49 = tpu.memref_slice %arg8[%mul3A_40] : memref<10240xf32, #tpu.memory_space<vmem_shared>> -> memref<640xf32, #tpu.memory_space<vmem_shared>>
        tpu.wait_dma2 semaphore(%run_scoped3A : memref<!tpu.dma_semaphore, #tpu.memory_space<semaphore_mem>>) src(%dma_wait3A_49 : memref<640xf32, #tpu.memory_space<vmem_shared>>) dst(%dma_wait3A : memref<640xf32, #tpu.memory_space<hbm>>)
        tpu.yield
      }) : () -> ()
    } else {
    }
    return
  }
}

#map = affine_map<(d0, d1) -> (0)>
#map1 = affine_map<(d0, d1) -> (0, 0)>
module attributes {stable_mosaic.version = 14 : i64} {
  func.func @_gcn_body(%arg0: i32, %arg1: i32, %arg2: memref<331776xi32, #tpu.memory_space<hbm>>, %arg3: memref<331776xi32, #tpu.memory_space<hbm>>, %arg4: memref<10000x128xf32, #tpu.memory_space<hbm>>, %arg5: memref<640x128xf32, #tpu.memory_space<hbm>>, %arg6: memref<10240x128xf32, #tpu.memory_space<hbm>>, %arg7: memref<10240x128xf32, #tpu.memory_space<hbm>>, %arg8: memref<128xi32, #tpu.memory_space<vmem>>, %arg9: memref<128xi32, #tpu.memory_space<vmem>>, %arg10: memref<128x128xf32, #tpu.memory_space<vmem>>, %arg11: memref<10240x128xf32, #tpu.memory_space<vmem_shared>>, %arg12: memref<!tpu.dma_semaphore, #tpu.memory_space<semaphore_mem>>) attributes {dimension_semantics = [#tpu.dimension_semantics<core_parallel>, #tpu.dimension_semantics<subcore_parallel>], iteration_bounds = array<i64: 2, 16>, scalar_prefetch = 0 : i64, scratch_operands = 5 : i64, tpu.core_type = #tpu.core_type<sc_vector_subcore>, window_params = [{transform_indices = #map}, {transform_indices = #map}, {transform_indices = #map1}, {transform_indices = #map1}, {transform_indices = #map1}, {transform_indices = #map1}]} {
    %mul3A = arith.constant 16 : i32
    %mul3A_0 = arith.muli %arg0, %mul3A : i32
    %add3A = arith.addi %mul3A_0, %arg1 : i32
    %mul3A_1 = arith.constant 640 : i32
    %mul3A_2 = arith.muli %arg1, %mul3A_1 : i32
    "tpu.region"() ({
      %run_scoped3A = tpu.sem_alloc : memref<!tpu.dma_semaphore, #tpu.memory_space<semaphore_mem>>
      %dma_start3A = arith.constant 0 : i32
      %dma_start3A_18 = tpu.memref_slice %arg11[%mul3A_2, %dma_start3A] : memref<10240x128xf32, #tpu.memory_space<vmem_shared>> -> memref<640x128xf32, #tpu.memory_space<vmem_shared>>
      tpu.enqueue_dma source(%arg5 : memref<640x128xf32, #tpu.memory_space<hbm>>) target(%dma_start3A_18 : memref<640x128xf32, #tpu.memory_space<vmem_shared>>) target_semaphore(%run_scoped3A : memref<!tpu.dma_semaphore, #tpu.memory_space<semaphore_mem>>)
      %dma_wait3A = arith.constant 0 : i32
      %dma_wait3A_19 = tpu.memref_slice %arg11[%mul3A_2, %dma_wait3A] : memref<10240x128xf32, #tpu.memory_space<vmem_shared>> -> memref<640x128xf32, #tpu.memory_space<vmem_shared>>
      tpu.wait_dma2 semaphore(%run_scoped3A : memref<!tpu.dma_semaphore, #tpu.memory_space<semaphore_mem>>) src(%arg5 : memref<640x128xf32, #tpu.memory_space<hbm>>) dst(%dma_wait3A_19 : memref<640x128xf32, #tpu.memory_space<vmem_shared>>)
      tpu.yield
    }) : () -> ()
    %barrier3A = arith.constant 0 : index
    tpu.barrier barrier_id(%barrier3A)
    %scan3A = arith.constant 0 : i32
    %scan3A_3 = arith.constant 0 : i32
    %scan3A_4 = arith.constant 81 : i32
    %scan3A_5 = arith.addi %scan3A_3, %scan3A_4 : i32
    %scan3A_6 = arith.constant 1 : i32
    scf.for %scan3A_18 = %scan3A_3 to %scan3A_5 step %scan3A_6  : i32 {
      %mul3A_19 = arith.constant 10368 : i32
      %mul3A_20 = arith.muli %add3A, %mul3A_19 : i32
      %mul3A_21 = arith.constant 128 : i32
      %mul3A_22 = arith.muli %scan3A_18, %mul3A_21 : i32
      %add3A_23 = arith.addi %mul3A_20, %mul3A_22 : i32
      "tpu.region"() ({
        %run_scoped3A = tpu.sem_alloc : memref<!tpu.dma_semaphore, #tpu.memory_space<semaphore_mem>>
        %dma_start3A_28 = tpu.memref_slice %arg2[%add3A_23] : memref<331776xi32, #tpu.memory_space<hbm>> -> memref<128xi32, #tpu.memory_space<hbm>>
        %dma_start3A_29 = tpu.memref_slice %arg2[%add3A_23] : memref<331776xi32, #tpu.memory_space<hbm>> -> memref<128xi32, #tpu.memory_space<hbm>>
        tpu.enqueue_dma source(%dma_start3A_29 : memref<128xi32, #tpu.memory_space<hbm>>) target(%arg8 : memref<128xi32, #tpu.memory_space<vmem>>) target_semaphore(%run_scoped3A : memref<!tpu.dma_semaphore, #tpu.memory_space<semaphore_mem>>)
        %dma_wait3A_30 = tpu.memref_slice %arg2[%add3A_23] : memref<331776xi32, #tpu.memory_space<hbm>> -> memref<128xi32, #tpu.memory_space<hbm>>
        %dma_wait3A_31 = tpu.memref_slice %arg2[%add3A_23] : memref<331776xi32, #tpu.memory_space<hbm>> -> memref<128xi32, #tpu.memory_space<hbm>>
        tpu.wait_dma2 semaphore(%run_scoped3A : memref<!tpu.dma_semaphore, #tpu.memory_space<semaphore_mem>>) src(%dma_wait3A_31 : memref<128xi32, #tpu.memory_space<hbm>>) dst(%arg8 : memref<128xi32, #tpu.memory_space<vmem>>)
        tpu.yield
      }) : () -> ()
      %dma_start3A = arith.constant 0 : i32
      %dma_start3A_24 = arith.constant 0 : i32
      %dma_start3A_25 = tpu.memref_slice %arg4[%dma_start3A, %dma_start3A_24] : memref<10000x128xf32, #tpu.memory_space<hbm>> -> memref<10000x128xf32, #tpu.memory_space<hbm>>
      tpu.enqueue_indirect_dma source(%dma_start3A_25 : memref<10000x128xf32, #tpu.memory_space<hbm>>) target(%arg10 : memref<128x128xf32, #tpu.memory_space<vmem>>) offsets(%arg8 : memref<128xi32, #tpu.memory_space<vmem>>) semaphore(%arg12 : memref<!tpu.dma_semaphore, #tpu.memory_space<semaphore_mem>>)
      "tpu.region"() ({
        %run_scoped3A = tpu.sem_alloc : memref<!tpu.dma_semaphore, #tpu.memory_space<semaphore_mem>>
        %dma_start3A_28 = tpu.memref_slice %arg3[%add3A_23] : memref<331776xi32, #tpu.memory_space<hbm>> -> memref<128xi32, #tpu.memory_space<hbm>>
        %dma_start3A_29 = tpu.memref_slice %arg3[%add3A_23] : memref<331776xi32, #tpu.memory_space<hbm>> -> memref<128xi32, #tpu.memory_space<hbm>>
        tpu.enqueue_dma source(%dma_start3A_29 : memref<128xi32, #tpu.memory_space<hbm>>) target(%arg9 : memref<128xi32, #tpu.memory_space<vmem>>) target_semaphore(%run_scoped3A : memref<!tpu.dma_semaphore, #tpu.memory_space<semaphore_mem>>)
        %dma_wait3A_30 = tpu.memref_slice %arg3[%add3A_23] : memref<331776xi32, #tpu.memory_space<hbm>> -> memref<128xi32, #tpu.memory_space<hbm>>
        %dma_wait3A_31 = tpu.memref_slice %arg3[%add3A_23] : memref<331776xi32, #tpu.memory_space<hbm>> -> memref<128xi32, #tpu.memory_space<hbm>>
        tpu.wait_dma2 semaphore(%run_scoped3A : memref<!tpu.dma_semaphore, #tpu.memory_space<semaphore_mem>>) src(%dma_wait3A_31 : memref<128xi32, #tpu.memory_space<hbm>>) dst(%arg9 : memref<128xi32, #tpu.memory_space<vmem>>)
        tpu.yield
      }) : () -> ()
      %dma_wait3A = arith.constant 0 : i32
      %dma_wait3A_26 = arith.constant 0 : i32
      %dma_wait3A_27 = tpu.memref_slice %arg4[%dma_wait3A, %dma_wait3A_26] : memref<10000x128xf32, #tpu.memory_space<hbm>> -> memref<10000x128xf32, #tpu.memory_space<hbm>>
      tpu.wait_indirect_dma semaphore(%arg12 : memref<!tpu.dma_semaphore, #tpu.memory_space<semaphore_mem>>) src(%dma_wait3A_27 : memref<10000x128xf32, #tpu.memory_space<hbm>>) dst(%arg10 : memref<128x128xf32, #tpu.memory_space<vmem>>)
      "tpu.region"() ({
        %run_scoped3A = tpu.sem_alloc : memref<!tpu.dma_semaphore, #tpu.memory_space<semaphore_mem>>
        %dma_start3A_28 = arith.constant 0 : i32
        %dma_start3A_29 = arith.constant 0 : i32
        %dma_start3A_30 = tpu.memref_slice %arg11[%dma_start3A_28, %dma_start3A_29] : memref<10240x128xf32, #tpu.memory_space<vmem_shared>> -> memref<10240x128xf32, #tpu.memory_space<vmem_shared>>
        tpu.enqueue_indirect_dma source(%arg10 : memref<128x128xf32, #tpu.memory_space<vmem>>) target(%dma_start3A_30 : memref<10240x128xf32, #tpu.memory_space<vmem_shared>>) offsets(%arg9 : memref<128xi32, #tpu.memory_space<vmem>>) semaphore(%run_scoped3A : memref<!tpu.dma_semaphore, #tpu.memory_space<semaphore_mem>>) {add = true}
        %dma_wait3A_31 = arith.constant 0 : i32
        %dma_wait3A_32 = arith.constant 0 : i32
        %dma_wait3A_33 = tpu.memref_slice %arg11[%dma_wait3A_31, %dma_wait3A_32] : memref<10240x128xf32, #tpu.memory_space<vmem_shared>> -> memref<10240x128xf32, #tpu.memory_space<vmem_shared>>
        tpu.wait_indirect_dma semaphore(%run_scoped3A : memref<!tpu.dma_semaphore, #tpu.memory_space<semaphore_mem>>) src(%arg10 : memref<128x128xf32, #tpu.memory_space<vmem>>) dst(%dma_wait3A_33 : memref<10240x128xf32, #tpu.memory_space<vmem_shared>>)
        tpu.yield
      }) : () -> ()
    }
    %scan3A_7 = arith.constant 81 : i32
    %barrier3A_8 = arith.constant 0 : index
    tpu.barrier barrier_id(%barrier3A_8)
    %mul3A_9 = arith.constant 640 : i32
    %mul3A_10 = arith.muli %arg1, %mul3A_9 : i32
    %eq3A = arith.constant 0 : i32
    %eq3A_11 = arith.cmpi eq, %arg0, %eq3A : i32
    %convert_element_type3A = arith.extui %eq3A_11 : i1 to i32
    %cond3A = arith.constant 0 : i32
    %cond3A_12 = arith.cmpi ne, %convert_element_type3A, %cond3A : i32
    scf.if %cond3A_12 {
      "tpu.region"() ({
        %run_scoped3A = tpu.sem_alloc : memref<!tpu.dma_semaphore, #tpu.memory_space<semaphore_mem>>
        %dma_start3A = arith.constant 0 : i32
        %dma_start3A_18 = tpu.memref_slice %arg6[%mul3A_10, %dma_start3A] : memref<10240x128xf32, #tpu.memory_space<hbm>> -> memref<640x128xf32, #tpu.memory_space<hbm>>
        %dma_start3A_19 = arith.constant 0 : i32
        %dma_start3A_20 = tpu.memref_slice %arg11[%mul3A_10, %dma_start3A_19] : memref<10240x128xf32, #tpu.memory_space<vmem_shared>> -> memref<640x128xf32, #tpu.memory_space<vmem_shared>>
        tpu.enqueue_dma source(%dma_start3A_20 : memref<640x128xf32, #tpu.memory_space<vmem_shared>>) target(%dma_start3A_18 : memref<640x128xf32, #tpu.memory_space<hbm>>) target_semaphore(%run_scoped3A : memref<!tpu.dma_semaphore, #tpu.memory_space<semaphore_mem>>)
        %dma_wait3A = arith.constant 0 : i32
        %dma_wait3A_21 = tpu.memref_slice %arg6[%mul3A_10, %dma_wait3A] : memref<10240x128xf32, #tpu.memory_space<hbm>> -> memref<640x128xf32, #tpu.memory_space<hbm>>
        %dma_wait3A_22 = arith.constant 0 : i32
        %dma_wait3A_23 = tpu.memref_slice %arg11[%mul3A_10, %dma_wait3A_22] : memref<10240x128xf32, #tpu.memory_space<vmem_shared>> -> memref<640x128xf32, #tpu.memory_space<vmem_shared>>
        tpu.wait_dma2 semaphore(%run_scoped3A : memref<!tpu.dma_semaphore, #tpu.memory_space<semaphore_mem>>) src(%dma_wait3A_23 : memref<640x128xf32, #tpu.memory_space<vmem_shared>>) dst(%dma_wait3A_21 : memref<640x128xf32, #tpu.memory_space<hbm>>)
        tpu.yield
      }) : () -> ()
    } else {
    }
    %eq3A_13 = arith.constant 1 : i32
    %eq3A_14 = arith.cmpi eq, %arg0, %eq3A_13 : i32
    %convert_element_type3A_15 = arith.extui %eq3A_14 : i1 to i32
    %cond3A_16 = arith.constant 0 : i32
    %cond3A_17 = arith.cmpi ne, %convert_element_type3A_15, %cond3A_16 : i32
    scf.if %cond3A_17 {
      "tpu.region"() ({
        %run_scoped3A = tpu.sem_alloc : memref<!tpu.dma_semaphore, #tpu.memory_space<semaphore_mem>>
        %dma_start3A = arith.constant 0 : i32
        %dma_start3A_18 = tpu.memref_slice %arg7[%mul3A_10, %dma_start3A] : memref<10240x128xf32, #tpu.memory_space<hbm>> -> memref<640x128xf32, #tpu.memory_space<hbm>>
        %dma_start3A_19 = arith.constant 0 : i32
        %dma_start3A_20 = tpu.memref_slice %arg11[%mul3A_10, %dma_start3A_19] : memref<10240x128xf32, #tpu.memory_space<vmem_shared>> -> memref<640x128xf32, #tpu.memory_space<vmem_shared>>
        tpu.enqueue_dma source(%dma_start3A_20 : memref<640x128xf32, #tpu.memory_space<vmem_shared>>) target(%dma_start3A_18 : memref<640x128xf32, #tpu.memory_space<hbm>>) target_semaphore(%run_scoped3A : memref<!tpu.dma_semaphore, #tpu.memory_space<semaphore_mem>>)
        %dma_wait3A = arith.constant 0 : i32
        %dma_wait3A_21 = tpu.memref_slice %arg7[%mul3A_10, %dma_wait3A] : memref<10240x128xf32, #tpu.memory_space<hbm>> -> memref<640x128xf32, #tpu.memory_space<hbm>>
        %dma_wait3A_22 = arith.constant 0 : i32
        %dma_wait3A_23 = tpu.memref_slice %arg11[%mul3A_10, %dma_wait3A_22] : memref<10240x128xf32, #tpu.memory_space<vmem_shared>> -> memref<640x128xf32, #tpu.memory_space<vmem_shared>>
        tpu.wait_dma2 semaphore(%run_scoped3A : memref<!tpu.dma_semaphore, #tpu.memory_space<semaphore_mem>>) src(%dma_wait3A_23 : memref<640x128xf32, #tpu.memory_space<vmem_shared>>) dst(%dma_wait3A_21 : memref<640x128xf32, #tpu.memory_space<hbm>>)
        tpu.yield
      }) : () -> ()
    } else {
    }
    return
  }
}

#map = affine_map<(d0, d1) -> (0)>
#map1 = affine_map<(d0, d1) -> (0, 0)>
module attributes {stable_mosaic.version = 14 : i64} {
  func.func @_gcn_body(%arg0: i32, %arg1: i32, %arg2: memref<331776xi32, #tpu.memory_space<hbm>>, %arg3: memref<331776xi32, #tpu.memory_space<hbm>>, %arg4: memref<10000x128xf32, #tpu.memory_space<hbm>>, %arg5: memref<640x128xf32, #tpu.memory_space<hbm>>, %arg6: memref<10240x128xf32, #tpu.memory_space<hbm>>, %arg7: memref<10240x128xf32, #tpu.memory_space<hbm>>, %arg8: memref<128xi32, #tpu.memory_space<vmem>>, %arg9: memref<128xi32, #tpu.memory_space<vmem>>, %arg10: memref<128x128xf32, #tpu.memory_space<vmem>>, %arg11: memref<10240x128xf32, #tpu.memory_space<vmem_shared>>, %arg12: memref<!tpu.dma_semaphore, #tpu.memory_space<semaphore_mem>>) attributes {dimension_semantics = [#tpu.dimension_semantics<core_parallel>, #tpu.dimension_semantics<subcore_parallel>], iteration_bounds = array<i64: 2, 16>, scalar_prefetch = 0 : i64, scratch_operands = 5 : i64, tpu.core_type = #tpu.core_type<sc_vector_subcore>, window_params = [{transform_indices = #map}, {transform_indices = #map}, {transform_indices = #map1}, {transform_indices = #map1}, {transform_indices = #map1}, {transform_indices = #map1}]} {
    %mul3A = arith.constant 16 : i32
    %mul3A_0 = arith.muli %arg0, %mul3A : i32
    %add3A = arith.addi %mul3A_0, %arg1 : i32
    %mul3A_1 = arith.constant 640 : i32
    %mul3A_2 = arith.muli %arg1, %mul3A_1 : i32
    "tpu.region"() ({
      %run_scoped3A = tpu.sem_alloc : memref<!tpu.dma_semaphore, #tpu.memory_space<semaphore_mem>>
      %dma_start3A = arith.constant 0 : i32
      %dma_start3A_18 = tpu.memref_slice %arg11[%mul3A_2, %dma_start3A] : memref<10240x128xf32, #tpu.memory_space<vmem_shared>> -> memref<640x128xf32, #tpu.memory_space<vmem_shared>>
      tpu.enqueue_dma source(%arg5 : memref<640x128xf32, #tpu.memory_space<hbm>>) target(%dma_start3A_18 : memref<640x128xf32, #tpu.memory_space<vmem_shared>>) target_semaphore(%run_scoped3A : memref<!tpu.dma_semaphore, #tpu.memory_space<semaphore_mem>>)
      %dma_wait3A = arith.constant 0 : i32
      %dma_wait3A_19 = tpu.memref_slice %arg11[%mul3A_2, %dma_wait3A] : memref<10240x128xf32, #tpu.memory_space<vmem_shared>> -> memref<640x128xf32, #tpu.memory_space<vmem_shared>>
      tpu.wait_dma2 semaphore(%run_scoped3A : memref<!tpu.dma_semaphore, #tpu.memory_space<semaphore_mem>>) src(%arg5 : memref<640x128xf32, #tpu.memory_space<hbm>>) dst(%dma_wait3A_19 : memref<640x128xf32, #tpu.memory_space<vmem_shared>>)
      tpu.yield
    }) : () -> ()
    %barrier3A = arith.constant 0 : index
    tpu.barrier barrier_id(%barrier3A)
    %scan3A = arith.constant 0 : i32
    %scan3A_3 = arith.constant 0 : i32
    %scan3A_4 = arith.constant 81 : i32
    %scan3A_5 = arith.addi %scan3A_3, %scan3A_4 : i32
    %scan3A_6 = arith.constant 1 : i32
    scf.for %scan3A_18 = %scan3A_3 to %scan3A_5 step %scan3A_6  : i32 {
      %mul3A_19 = arith.constant 10368 : i32
      %mul3A_20 = arith.muli %add3A, %mul3A_19 : i32
      %mul3A_21 = arith.constant 128 : i32
      %mul3A_22 = arith.muli %scan3A_18, %mul3A_21 : i32
      %add3A_23 = arith.addi %mul3A_20, %mul3A_22 : i32
      "tpu.region"() ({
        %run_scoped3A = tpu.sem_alloc : memref<!tpu.dma_semaphore, #tpu.memory_space<semaphore_mem>>
        %dma_start3A_28 = tpu.memref_slice %arg2[%add3A_23] : memref<331776xi32, #tpu.memory_space<hbm>> -> memref<128xi32, #tpu.memory_space<hbm>>
        %dma_start3A_29 = tpu.memref_slice %arg2[%add3A_23] : memref<331776xi32, #tpu.memory_space<hbm>> -> memref<128xi32, #tpu.memory_space<hbm>>
        tpu.enqueue_dma source(%dma_start3A_29 : memref<128xi32, #tpu.memory_space<hbm>>) target(%arg8 : memref<128xi32, #tpu.memory_space<vmem>>) target_semaphore(%run_scoped3A : memref<!tpu.dma_semaphore, #tpu.memory_space<semaphore_mem>>)
        %dma_wait3A_30 = tpu.memref_slice %arg2[%add3A_23] : memref<331776xi32, #tpu.memory_space<hbm>> -> memref<128xi32, #tpu.memory_space<hbm>>
        %dma_wait3A_31 = tpu.memref_slice %arg2[%add3A_23] : memref<331776xi32, #tpu.memory_space<hbm>> -> memref<128xi32, #tpu.memory_space<hbm>>
        tpu.wait_dma2 semaphore(%run_scoped3A : memref<!tpu.dma_semaphore, #tpu.memory_space<semaphore_mem>>) src(%dma_wait3A_31 : memref<128xi32, #tpu.memory_space<hbm>>) dst(%arg8 : memref<128xi32, #tpu.memory_space<vmem>>)
        tpu.yield
      }) : () -> ()
      %dma_start3A = arith.constant 0 : i32
      %dma_start3A_24 = arith.constant 0 : i32
      %dma_start3A_25 = tpu.memref_slice %arg4[%dma_start3A, %dma_start3A_24] : memref<10000x128xf32, #tpu.memory_space<hbm>> -> memref<10000x128xf32, #tpu.memory_space<hbm>>
      tpu.enqueue_indirect_dma source(%dma_start3A_25 : memref<10000x128xf32, #tpu.memory_space<hbm>>) target(%arg10 : memref<128x128xf32, #tpu.memory_space<vmem>>) offsets(%arg8 : memref<128xi32, #tpu.memory_space<vmem>>) semaphore(%arg12 : memref<!tpu.dma_semaphore, #tpu.memory_space<semaphore_mem>>)
      "tpu.region"() ({
        %run_scoped3A = tpu.sem_alloc : memref<!tpu.dma_semaphore, #tpu.memory_space<semaphore_mem>>
        %dma_start3A_28 = tpu.memref_slice %arg3[%add3A_23] : memref<331776xi32, #tpu.memory_space<hbm>> -> memref<128xi32, #tpu.memory_space<hbm>>
        %dma_start3A_29 = tpu.memref_slice %arg3[%add3A_23] : memref<331776xi32, #tpu.memory_space<hbm>> -> memref<128xi32, #tpu.memory_space<hbm>>
        tpu.enqueue_dma source(%dma_start3A_29 : memref<128xi32, #tpu.memory_space<hbm>>) target(%arg9 : memref<128xi32, #tpu.memory_space<vmem>>) target_semaphore(%run_scoped3A : memref<!tpu.dma_semaphore, #tpu.memory_space<semaphore_mem>>)
        %dma_wait3A_30 = tpu.memref_slice %arg3[%add3A_23] : memref<331776xi32, #tpu.memory_space<hbm>> -> memref<128xi32, #tpu.memory_space<hbm>>
        %dma_wait3A_31 = tpu.memref_slice %arg3[%add3A_23] : memref<331776xi32, #tpu.memory_space<hbm>> -> memref<128xi32, #tpu.memory_space<hbm>>
        tpu.wait_dma2 semaphore(%run_scoped3A : memref<!tpu.dma_semaphore, #tpu.memory_space<semaphore_mem>>) src(%dma_wait3A_31 : memref<128xi32, #tpu.memory_space<hbm>>) dst(%arg9 : memref<128xi32, #tpu.memory_space<vmem>>)
        tpu.yield
      }) : () -> ()
      %dma_wait3A = arith.constant 0 : i32
      %dma_wait3A_26 = arith.constant 0 : i32
      %dma_wait3A_27 = tpu.memref_slice %arg4[%dma_wait3A, %dma_wait3A_26] : memref<10000x128xf32, #tpu.memory_space<hbm>> -> memref<10000x128xf32, #tpu.memory_space<hbm>>
      tpu.wait_indirect_dma semaphore(%arg12 : memref<!tpu.dma_semaphore, #tpu.memory_space<semaphore_mem>>) src(%dma_wait3A_27 : memref<10000x128xf32, #tpu.memory_space<hbm>>) dst(%arg10 : memref<128x128xf32, #tpu.memory_space<vmem>>)
      "tpu.region"() ({
        %run_scoped3A = tpu.sem_alloc : memref<!tpu.dma_semaphore, #tpu.memory_space<semaphore_mem>>
        %dma_start3A_28 = arith.constant 0 : i32
        %dma_start3A_29 = arith.constant 0 : i32
        %dma_start3A_30 = tpu.memref_slice %arg11[%dma_start3A_28, %dma_start3A_29] : memref<10240x128xf32, #tpu.memory_space<vmem_shared>> -> memref<10240x128xf32, #tpu.memory_space<vmem_shared>>
        tpu.enqueue_indirect_dma source(%arg10 : memref<128x128xf32, #tpu.memory_space<vmem>>) target(%dma_start3A_30 : memref<10240x128xf32, #tpu.memory_space<vmem_shared>>) offsets(%arg9 : memref<128xi32, #tpu.memory_space<vmem>>) semaphore(%run_scoped3A : memref<!tpu.dma_semaphore, #tpu.memory_space<semaphore_mem>>) {add = true}
        %dma_wait3A_31 = arith.constant 0 : i32
        %dma_wait3A_32 = arith.constant 0 : i32
        %dma_wait3A_33 = tpu.memref_slice %arg11[%dma_wait3A_31, %dma_wait3A_32] : memref<10240x128xf32, #tpu.memory_space<vmem_shared>> -> memref<10240x128xf32, #tpu.memory_space<vmem_shared>>
        tpu.wait_indirect_dma semaphore(%run_scoped3A : memref<!tpu.dma_semaphore, #tpu.memory_space<semaphore_mem>>) src(%arg10 : memref<128x128xf32, #tpu.memory_space<vmem>>) dst(%dma_wait3A_33 : memref<10240x128xf32, #tpu.memory_space<vmem_shared>>)
        tpu.yield
      }) : () -> ()
    }
    %scan3A_7 = arith.constant 81 : i32
    %barrier3A_8 = arith.constant 0 : index
    tpu.barrier barrier_id(%barrier3A_8)
    %mul3A_9 = arith.constant 640 : i32
    %mul3A_10 = arith.muli %arg1, %mul3A_9 : i32
    %eq3A = arith.constant 0 : i32
    %eq3A_11 = arith.cmpi eq, %arg0, %eq3A : i32
    %convert_element_type3A = arith.extui %eq3A_11 : i1 to i32
    %cond3A = arith.constant 0 : i32
    %cond3A_12 = arith.cmpi ne, %convert_element_type3A, %cond3A : i32
    scf.if %cond3A_12 {
      "tpu.region"() ({
        %run_scoped3A = tpu.sem_alloc : memref<!tpu.dma_semaphore, #tpu.memory_space<semaphore_mem>>
        %dma_start3A = arith.constant 0 : i32
        %dma_start3A_18 = tpu.memref_slice %arg6[%mul3A_10, %dma_start3A] : memref<10240x128xf32, #tpu.memory_space<hbm>> -> memref<640x128xf32, #tpu.memory_space<hbm>>
        %dma_start3A_19 = arith.constant 0 : i32
        %dma_start3A_20 = tpu.memref_slice %arg11[%mul3A_10, %dma_start3A_19] : memref<10240x128xf32, #tpu.memory_space<vmem_shared>> -> memref<640x128xf32, #tpu.memory_space<vmem_shared>>
        tpu.enqueue_dma source(%dma_start3A_20 : memref<640x128xf32, #tpu.memory_space<vmem_shared>>) target(%dma_start3A_18 : memref<640x128xf32, #tpu.memory_space<hbm>>) target_semaphore(%run_scoped3A : memref<!tpu.dma_semaphore, #tpu.memory_space<semaphore_mem>>)
        %dma_wait3A = arith.constant 0 : i32
        %dma_wait3A_21 = tpu.memref_slice %arg6[%mul3A_10, %dma_wait3A] : memref<10240x128xf32, #tpu.memory_space<hbm>> -> memref<640x128xf32, #tpu.memory_space<hbm>>
        %dma_wait3A_22 = arith.constant 0 : i32
        %dma_wait3A_23 = tpu.memref_slice %arg11[%mul3A_10, %dma_wait3A_22] : memref<10240x128xf32, #tpu.memory_space<vmem_shared>> -> memref<640x128xf32, #tpu.memory_space<vmem_shared>>
        tpu.wait_dma2 semaphore(%run_scoped3A : memref<!tpu.dma_semaphore, #tpu.memory_space<semaphore_mem>>) src(%dma_wait3A_23 : memref<640x128xf32, #tpu.memory_space<vmem_shared>>) dst(%dma_wait3A_21 : memref<640x128xf32, #tpu.memory_space<hbm>>)
        tpu.yield
      }) : () -> ()
    } else {
    }
    %eq3A_13 = arith.constant 1 : i32
    %eq3A_14 = arith.cmpi eq, %arg0, %eq3A_13 : i32
    %convert_element_type3A_15 = arith.extui %eq3A_14 : i1 to i32
    %cond3A_16 = arith.constant 0 : i32
    %cond3A_17 = arith.cmpi ne, %convert_element_type3A_15, %cond3A_16 : i32
    scf.if %cond3A_17 {
      "tpu.region"() ({
        %run_scoped3A = tpu.sem_alloc : memref<!tpu.dma_semaphore, #tpu.memory_space<semaphore_mem>>
        %dma_start3A = arith.constant 0 : i32
        %dma_start3A_18 = tpu.memref_slice %arg7[%mul3A_10, %dma_start3A] : memref<10240x128xf32, #tpu.memory_space<hbm>> -> memref<640x128xf32, #tpu.memory_space<hbm>>
        %dma_start3A_19 = arith.constant 0 : i32
        %dma_start3A_20 = tpu.memref_slice %arg11[%mul3A_10, %dma_start3A_19] : memref<10240x128xf32, #tpu.memory_space<vmem_shared>> -> memref<640x128xf32, #tpu.memory_space<vmem_shared>>
        tpu.enqueue_dma source(%dma_start3A_20 : memref<640x128xf32, #tpu.memory_space<vmem_shared>>) target(%dma_start3A_18 : memref<640x128xf32, #tpu.memory_space<hbm>>) target_semaphore(%run_scoped3A : memref<!tpu.dma_semaphore, #tpu.memory_space<semaphore_mem>>)
        %dma_wait3A = arith.constant 0 : i32
        %dma_wait3A_21 = tpu.memref_slice %arg7[%mul3A_10, %dma_wait3A] : memref<10240x128xf32, #tpu.memory_space<hbm>> -> memref<640x128xf32, #tpu.memory_space<hbm>>
        %dma_wait3A_22 = arith.constant 0 : i32
        %dma_wait3A_23 = tpu.memref_slice %arg11[%mul3A_10, %dma_wait3A_22] : memref<10240x128xf32, #tpu.memory_space<vmem_shared>> -> memref<640x128xf32, #tpu.memory_space<vmem_shared>>
        tpu.wait_dma2 semaphore(%run_scoped3A : memref<!tpu.dma_semaphore, #tpu.memory_space<semaphore_mem>>) src(%dma_wait3A_23 : memref<640x128xf32, #tpu.memory_space<vmem_shared>>) dst(%dma_wait3A_21 : memref<640x128xf32, #tpu.memory_space<hbm>>)
        tpu.yield
      }) : () -> ()
    } else {
    }
    return
  }
}

#map = affine_map<(d0, d1) -> (0)>
#map1 = affine_map<(d0, d1) -> (0, 0)>
module attributes {stable_mosaic.version = 14 : i64} {
  func.func @_gat_body(%arg0: i32, %arg1: i32, %arg2: memref<331776xi32, #tpu.memory_space<hbm>>, %arg3: memref<331776xi32, #tpu.memory_space<hbm>>, %arg4: memref<10000xf32, #tpu.memory_space<hbm>>, %arg5: memref<10000xf32, #tpu.memory_space<hbm>>, %arg6: memref<10000xf32, #tpu.memory_space<hbm>>, %arg7: memref<10000x128xf32, #tpu.memory_space<hbm>>, %arg8: memref<640x128xf32, #tpu.memory_space<hbm>>, %arg9: memref<640xf32, #tpu.memory_space<hbm>>, %arg10: memref<10240x128xf32, #tpu.memory_space<hbm>>, %arg11: memref<10240x128xf32, #tpu.memory_space<hbm>>, %arg12: memref<10240xf32, #tpu.memory_space<hbm>>, %arg13: memref<10240xf32, #tpu.memory_space<hbm>>, %arg14: memref<10000xf32, #tpu.memory_space<vmem>>, %arg15: memref<10000xf32, #tpu.memory_space<vmem>>, %arg16: memref<10000xf32, #tpu.memory_space<vmem>>, %arg17: memref<128xi32, #tpu.memory_space<vmem>>, %arg18: memref<128xi32, #tpu.memory_space<vmem>>, %arg19: memref<128x128xf32, #tpu.memory_space<vmem>>, %arg20: memref<128xf32, #tpu.memory_space<vmem>>, %arg21: memref<10240x128xf32, #tpu.memory_space<vmem_shared>>, %arg22: memref<10240xf32, #tpu.memory_space<vmem_shared>>, %arg23: memref<!tpu.dma_semaphore, #tpu.memory_space<semaphore_mem>>) attributes {dimension_semantics = [#tpu.dimension_semantics<core_parallel>, #tpu.dimension_semantics<subcore_parallel>], iteration_bounds = array<i64: 2, 16>, scalar_prefetch = 0 : i64, scratch_operands = 10 : i64, tpu.core_type = #tpu.core_type<sc_vector_subcore>, window_params = [{transform_indices = #map}, {transform_indices = #map}, {transform_indices = #map}, {transform_indices = #map}, {transform_indices = #map}, {transform_indices = #map1}, {transform_indices = #map1}, {transform_indices = #map}, {transform_indices = #map1}, {transform_indices = #map1}, {transform_indices = #map}, {transform_indices = #map}]} {
    %mul3A = arith.constant 16 : i32
    %mul3A_0 = arith.muli %arg0, %mul3A : i32
    %add3A = arith.addi %mul3A_0, %arg1 : i32
    %mul3A_1 = arith.constant 640 : i32
    %mul3A_2 = arith.muli %arg1, %mul3A_1 : i32
    "tpu.region"() ({
      %run_scoped3A = tpu.sem_alloc : memref<!tpu.dma_semaphore, #tpu.memory_space<semaphore_mem>>
      %dma_start3A = arith.constant 0 : i32
      %dma_start3A_20 = tpu.memref_slice %arg21[%mul3A_2, %dma_start3A] : memref<10240x128xf32, #tpu.memory_space<vmem_shared>> -> memref<640x128xf32, #tpu.memory_space<vmem_shared>>
      tpu.enqueue_dma source(%arg8 : memref<640x128xf32, #tpu.memory_space<hbm>>) target(%dma_start3A_20 : memref<640x128xf32, #tpu.memory_space<vmem_shared>>) target_semaphore(%run_scoped3A : memref<!tpu.dma_semaphore, #tpu.memory_space<semaphore_mem>>)
      %dma_wait3A = arith.constant 0 : i32
      %dma_wait3A_21 = tpu.memref_slice %arg21[%mul3A_2, %dma_wait3A] : memref<10240x128xf32, #tpu.memory_space<vmem_shared>> -> memref<640x128xf32, #tpu.memory_space<vmem_shared>>
      tpu.wait_dma2 semaphore(%run_scoped3A : memref<!tpu.dma_semaphore, #tpu.memory_space<semaphore_mem>>) src(%arg8 : memref<640x128xf32, #tpu.memory_space<hbm>>) dst(%dma_wait3A_21 : memref<640x128xf32, #tpu.memory_space<vmem_shared>>)
      tpu.yield
    }) : () -> ()
    %mul3A_3 = arith.constant 640 : i32
    %mul3A_4 = arith.muli %arg1, %mul3A_3 : i32
    "tpu.region"() ({
      %run_scoped3A = tpu.sem_alloc : memref<!tpu.dma_semaphore, #tpu.memory_space<semaphore_mem>>
      %dma_start3A = tpu.memref_slice %arg22[%mul3A_4] : memref<10240xf32, #tpu.memory_space<vmem_shared>> -> memref<640xf32, #tpu.memory_space<vmem_shared>>
      tpu.enqueue_dma source(%arg9 : memref<640xf32, #tpu.memory_space<hbm>>) target(%dma_start3A : memref<640xf32, #tpu.memory_space<vmem_shared>>) target_semaphore(%run_scoped3A : memref<!tpu.dma_semaphore, #tpu.memory_space<semaphore_mem>>)
      %dma_wait3A = tpu.memref_slice %arg22[%mul3A_4] : memref<10240xf32, #tpu.memory_space<vmem_shared>> -> memref<640xf32, #tpu.memory_space<vmem_shared>>
      tpu.wait_dma2 semaphore(%run_scoped3A : memref<!tpu.dma_semaphore, #tpu.memory_space<semaphore_mem>>) src(%arg9 : memref<640xf32, #tpu.memory_space<hbm>>) dst(%dma_wait3A : memref<640xf32, #tpu.memory_space<vmem_shared>>)
      tpu.yield
    }) : () -> ()
    "tpu.region"() ({
      %run_scoped3A = tpu.sem_alloc : memref<!tpu.dma_semaphore, #tpu.memory_space<semaphore_mem>>
      tpu.enqueue_dma source(%arg4 : memref<10000xf32, #tpu.memory_space<hbm>>) target(%arg14 : memref<10000xf32, #tpu.memory_space<vmem>>) target_semaphore(%run_scoped3A : memref<!tpu.dma_semaphore, #tpu.memory_space<semaphore_mem>>)
      tpu.wait_dma2 semaphore(%run_scoped3A : memref<!tpu.dma_semaphore, #tpu.memory_space<semaphore_mem>>) src(%arg4 : memref<10000xf32, #tpu.memory_space<hbm>>) dst(%arg14 : memref<10000xf32, #tpu.memory_space<vmem>>)
      tpu.yield
    }) : () -> ()
    "tpu.region"() ({
      %run_scoped3A = tpu.sem_alloc : memref<!tpu.dma_semaphore, #tpu.memory_space<semaphore_mem>>
      tpu.enqueue_dma source(%arg5 : memref<10000xf32, #tpu.memory_space<hbm>>) target(%arg15 : memref<10000xf32, #tpu.memory_space<vmem>>) target_semaphore(%run_scoped3A : memref<!tpu.dma_semaphore, #tpu.memory_space<semaphore_mem>>)
      tpu.wait_dma2 semaphore(%run_scoped3A : memref<!tpu.dma_semaphore, #tpu.memory_space<semaphore_mem>>) src(%arg5 : memref<10000xf32, #tpu.memory_space<hbm>>) dst(%arg15 : memref<10000xf32, #tpu.memory_space<vmem>>)
      tpu.yield
    }) : () -> ()
    "tpu.region"() ({
      %run_scoped3A = tpu.sem_alloc : memref<!tpu.dma_semaphore, #tpu.memory_space<semaphore_mem>>
      tpu.enqueue_dma source(%arg6 : memref<10000xf32, #tpu.memory_space<hbm>>) target(%arg16 : memref<10000xf32, #tpu.memory_space<vmem>>) target_semaphore(%run_scoped3A : memref<!tpu.dma_semaphore, #tpu.memory_space<semaphore_mem>>)
      tpu.wait_dma2 semaphore(%run_scoped3A : memref<!tpu.dma_semaphore, #tpu.memory_space<semaphore_mem>>) src(%arg6 : memref<10000xf32, #tpu.memory_space<hbm>>) dst(%arg16 : memref<10000xf32, #tpu.memory_space<vmem>>)
      tpu.yield
    }) : () -> ()
    %barrier3A = arith.constant 0 : index
    tpu.barrier barrier_id(%barrier3A)
    %scan3A = arith.constant 0 : i32
    %scan3A_5 = arith.constant 0 : i32
    %scan3A_6 = arith.constant 81 : i32
    %scan3A_7 = arith.addi %scan3A_5, %scan3A_6 : i32
    %scan3A_8 = arith.constant 1 : i32
    scf.for %scan3A_20 = %scan3A_5 to %scan3A_7 step %scan3A_8  : i32 {
      %mul3A_21 = arith.constant 10368 : i32
      %mul3A_22 = arith.muli %add3A, %mul3A_21 : i32
      %mul3A_23 = arith.constant 128 : i32
      %mul3A_24 = arith.muli %scan3A_20, %mul3A_23 : i32
      %add3A_25 = arith.addi %mul3A_22, %mul3A_24 : i32
      "tpu.region"() ({
        %run_scoped3A = tpu.sem_alloc : memref<!tpu.dma_semaphore, #tpu.memory_space<semaphore_mem>>
        %dma_start3A_42 = tpu.memref_slice %arg2[%add3A_25] : memref<331776xi32, #tpu.memory_space<hbm>> -> memref<128xi32, #tpu.memory_space<hbm>>
        %dma_start3A_43 = tpu.memref_slice %arg2[%add3A_25] : memref<331776xi32, #tpu.memory_space<hbm>> -> memref<128xi32, #tpu.memory_space<hbm>>
        tpu.enqueue_dma source(%dma_start3A_43 : memref<128xi32, #tpu.memory_space<hbm>>) target(%arg17 : memref<128xi32, #tpu.memory_space<vmem>>) target_semaphore(%run_scoped3A : memref<!tpu.dma_semaphore, #tpu.memory_space<semaphore_mem>>)
        %dma_wait3A_44 = tpu.memref_slice %arg2[%add3A_25] : memref<331776xi32, #tpu.memory_space<hbm>> -> memref<128xi32, #tpu.memory_space<hbm>>
        %dma_wait3A_45 = tpu.memref_slice %arg2[%add3A_25] : memref<331776xi32, #tpu.memory_space<hbm>> -> memref<128xi32, #tpu.memory_space<hbm>>
        tpu.wait_dma2 semaphore(%run_scoped3A : memref<!tpu.dma_semaphore, #tpu.memory_space<semaphore_mem>>) src(%dma_wait3A_45 : memref<128xi32, #tpu.memory_space<hbm>>) dst(%arg17 : memref<128xi32, #tpu.memory_space<vmem>>)
        tpu.yield
      }) : () -> ()
      %dma_start3A = arith.constant 0 : i32
      %dma_start3A_26 = arith.constant 0 : i32
      %dma_start3A_27 = tpu.memref_slice %arg7[%dma_start3A, %dma_start3A_26] : memref<10000x128xf32, #tpu.memory_space<hbm>> -> memref<10000x128xf32, #tpu.memory_space<hbm>>
      tpu.enqueue_indirect_dma source(%dma_start3A_27 : memref<10000x128xf32, #tpu.memory_space<hbm>>) target(%arg19 : memref<128x128xf32, #tpu.memory_space<vmem>>) offsets(%arg17 : memref<128xi32, #tpu.memory_space<vmem>>) semaphore(%arg23 : memref<!tpu.dma_semaphore, #tpu.memory_space<semaphore_mem>>)
      "tpu.region"() ({
        %run_scoped3A = tpu.sem_alloc : memref<!tpu.dma_semaphore, #tpu.memory_space<semaphore_mem>>
        %dma_start3A_42 = tpu.memref_slice %arg3[%add3A_25] : memref<331776xi32, #tpu.memory_space<hbm>> -> memref<128xi32, #tpu.memory_space<hbm>>
        %dma_start3A_43 = tpu.memref_slice %arg3[%add3A_25] : memref<331776xi32, #tpu.memory_space<hbm>> -> memref<128xi32, #tpu.memory_space<hbm>>
        tpu.enqueue_dma source(%dma_start3A_43 : memref<128xi32, #tpu.memory_space<hbm>>) target(%arg18 : memref<128xi32, #tpu.memory_space<vmem>>) target_semaphore(%run_scoped3A : memref<!tpu.dma_semaphore, #tpu.memory_space<semaphore_mem>>)
        %dma_wait3A_44 = tpu.memref_slice %arg3[%add3A_25] : memref<331776xi32, #tpu.memory_space<hbm>> -> memref<128xi32, #tpu.memory_space<hbm>>
        %dma_wait3A_45 = tpu.memref_slice %arg3[%add3A_25] : memref<331776xi32, #tpu.memory_space<hbm>> -> memref<128xi32, #tpu.memory_space<hbm>>
        tpu.wait_dma2 semaphore(%run_scoped3A : memref<!tpu.dma_semaphore, #tpu.memory_space<semaphore_mem>>) src(%dma_wait3A_45 : memref<128xi32, #tpu.memory_space<hbm>>) dst(%arg18 : memref<128xi32, #tpu.memory_space<vmem>>)
        tpu.yield
      }) : () -> ()
      %scan3A_28 = arith.constant 0 : i32
      %scan3A_29 = arith.constant 0 : i32
      %scan3A_30 = arith.constant 8 : i32
      %scan3A_31 = arith.addi %scan3A_29, %scan3A_30 : i32
      %scan3A_32 = arith.constant 1 : i32
      scf.for %scan3A_42 = %scan3A_29 to %scan3A_31 step %scan3A_32  : i32 {
        %mul3A_43 = arith.constant 16 : i32
        %mul3A_44 = arith.muli %scan3A_42, %mul3A_43 : i32
        %get3A = arith.index_cast %mul3A_44 : i32 to index
        %get3A_45 = tpu.vector_load %arg17[%get3A] {strides = array<i32>} : memref<128xi32, #tpu.memory_space<vmem>>, vector<16xi32>,
        %get3A_46 = arith.index_cast %mul3A_44 : i32 to index
        %get3A_47 = tpu.vector_load %arg18[%get3A_46] {strides = array<i32>} : memref<128xi32, #tpu.memory_space<vmem>>, vector<16xi32>,
        %gather3A = tpu.vector_load_idx %arg14[%get3A_45] : memref<10000xf32, #tpu.memory_space<vmem>>[vector<16xi32>], vector<16xf32>,
        %gather3A_48 = tpu.vector_load_idx %arg15[%get3A_47] : memref<10000xf32, #tpu.memory_space<vmem>>[vector<16xi32>], vector<16xf32>,
        %add3A_49 = arith.addf %gather3A, %gather3A_48 : vector<16xf32>
        %ge3A = arith.constant 0.000000e+00 : f32
        %ge3A_50 = vector.broadcast %ge3A : f32 to vector<16xf32>
        %ge3A_51 = arith.cmpf oge, %add3A_49, %ge3A_50 : vector<16xf32>
        %mul3A_52 = arith.constant 2.000000e-01 : f32
        %mul3A_53 = vector.broadcast %mul3A_52 : f32 to vector<16xf32>
        %mul3A_54 = arith.mulf %mul3A_53, %add3A_49 : vector<16xf32>
        %select_n3A = arith.select %ge3A_51, %add3A_49, %mul3A_54 : vector<16xi1>, vector<16xf32>
        %gather3A_55 = tpu.vector_load_idx %arg16[%get3A_47] : memref<10000xf32, #tpu.memory_space<vmem>>[vector<16xi32>], vector<16xf32>,
        %sub3A = arith.subf %select_n3A, %gather3A_55 : vector<16xf32>
        %exp3A = math.exp %sub3A : vector<16xf32>
        %mul3A_56 = arith.constant 16 : i32
        %mul3A_57 = arith.muli %scan3A_42, %mul3A_56 : i32
        %add3A_58 = arith.addi %add3A_25, %mul3A_57 : i32
        %iota3A = tpu.iota {dimensions = array<i32: 0>} : vector<16xi32>
        %add3A_59 = vector.broadcast %add3A_58 : i32 to vector<16xi32>
        %add3A_60 = arith.addi %add3A_59, %iota3A : vector<16xi32>
        %lt3A = arith.constant 330000 : i32
        %lt3A_61 = vector.broadcast %lt3A : i32 to vector<16xi32>
        %lt3A_62 = arith.cmpi slt, %add3A_60, %lt3A_61 : vector<16xi32>
        %jit3A = arith.constant 0.000000e+00 : f32
        %broadcast_in_dim3A = vector.broadcast %jit3A : f32 to vector<16xf32>
        %select_n3A_63 = arith.select %lt3A_62, %exp3A, %broadcast_in_dim3A : vector<16xi1>, vector<16xf32>
        %swap3A = arith.index_cast %mul3A_44 : i32 to index
        %swap3A_64 = tpu.vector_load %arg20[%swap3A] {strides = array<i32>} : memref<128xf32, #tpu.memory_space<vmem>>, vector<16xf32>,
        tpu.vector_store %arg20[%swap3A], %select_n3A_63 {strides = array<i32>} : memref<128xf32, #tpu.memory_space<vmem>>, vector<16xf32>,
      }
      %scan3A_33 = arith.constant 8 : i32
      %dma_wait3A = arith.constant 0 : i32
      %dma_wait3A_34 = arith.constant 0 : i32
      %dma_wait3A_35 = tpu.memref_slice %arg7[%dma_wait3A, %dma_wait3A_34] : memref<10000x128xf32, #tpu.memory_space<hbm>> -> memref<10000x128xf32, #tpu.memory_space<hbm>>
      tpu.wait_indirect_dma semaphore(%arg23 : memref<!tpu.dma_semaphore, #tpu.memory_space<semaphore_mem>>) src(%dma_wait3A_35 : memref<10000x128xf32, #tpu.memory_space<hbm>>) dst(%arg19 : memref<128x128xf32, #tpu.memory_space<vmem>>)
      %scan3A_36 = arith.constant 0 : i32
      %scan3A_37 = arith.constant 0 : i32
      %scan3A_38 = arith.constant 128 : i32
      %scan3A_39 = arith.addi %scan3A_37, %scan3A_38 : i32
      %scan3A_40 = arith.constant 2 : i32
      scf.for %scan3A_42 = %scan3A_37 to %scan3A_39 step %scan3A_40  : i32 {
        %broadcast_in_dim3A = vector.broadcast %scan3A_42 : i32 to vector<16xi32>
        %gather3A = tpu.vector_load_idx %arg20[%broadcast_in_dim3A] : memref<128xf32, #tpu.memory_space<vmem>>[vector<16xi32>], vector<16xf32>,
        %get3A = arith.index_cast %scan3A_42 : i32 to index
        %get3A_43 = arith.constant 0 : index
        %get3A_44 = tpu.vector_load %arg19[%get3A, %get3A_43] {strides = array<i32>} : memref<128x128xf32, #tpu.memory_space<vmem>>, vector<16xf32>,
        %mul3A_45 = arith.mulf %get3A_44, %gather3A : vector<16xf32>
        %swap3A = arith.index_cast %scan3A_42 : i32 to index
        %swap3A_46 = arith.constant 0 : index
        %swap3A_47 = tpu.vector_load %arg19[%swap3A, %swap3A_46] {strides = array<i32>} : memref<128x128xf32, #tpu.memory_space<vmem>>, vector<16xf32>,
        tpu.vector_store %arg19[%swap3A, %swap3A_46], %mul3A_45 {strides = array<i32>} : memref<128x128xf32, #tpu.memory_space<vmem>>, vector<16xf32>,
        %get3A_48 = arith.index_cast %scan3A_42 : i32 to index
        %get3A_49 = arith.constant 16 : index
        %get3A_50 = tpu.vector_load %arg19[%get3A_48, %get3A_49] {strides = array<i32>} : memref<128x128xf32, #tpu.memory_space<vmem>>, vector<16xf32>,
        %mul3A_51 = arith.mulf %get3A_50, %gather3A : vector<16xf32>
        %swap3A_52 = arith.index_cast %scan3A_42 : i32 to index
        %swap3A_53 = arith.constant 16 : index
        %swap3A_54 = tpu.vector_load %arg19[%swap3A_52, %swap3A_53] {strides = array<i32>} : memref<128x128xf32, #tpu.memory_space<vmem>>, vector<16xf32>,
        tpu.vector_store %arg19[%swap3A_52, %swap3A_53], %mul3A_51 {strides = array<i32>} : memref<128x128xf32, #tpu.memory_space<vmem>>, vector<16xf32>,
        %get3A_55 = arith.index_cast %scan3A_42 : i32 to index
        %get3A_56 = arith.constant 32 : index
        %get3A_57 = tpu.vector_load %arg19[%get3A_55, %get3A_56] {strides = array<i32>} : memref<128x128xf32, #tpu.memory_space<vmem>>, vector<16xf32>,
        %mul3A_58 = arith.mulf %get3A_57, %gather3A : vector<16xf32>
        %swap3A_59 = arith.index_cast %scan3A_42 : i32 to index
        %swap3A_60 = arith.constant 32 : index
        %swap3A_61 = tpu.vector_load %arg19[%swap3A_59, %swap3A_60] {strides = array<i32>} : memref<128x128xf32, #tpu.memory_space<vmem>>, vector<16xf32>,
        tpu.vector_store %arg19[%swap3A_59, %swap3A_60], %mul3A_58 {strides = array<i32>} : memref<128x128xf32, #tpu.memory_space<vmem>>, vector<16xf32>,
        %get3A_62 = arith.index_cast %scan3A_42 : i32 to index
        %get3A_63 = arith.constant 48 : index
        %get3A_64 = tpu.vector_load %arg19[%get3A_62, %get3A_63] {strides = array<i32>} : memref<128x128xf32, #tpu.memory_space<vmem>>, vector<16xf32>,
        %mul3A_65 = arith.mulf %get3A_64, %gather3A : vector<16xf32>
        %swap3A_66 = arith.index_cast %scan3A_42 : i32 to index
        %swap3A_67 = arith.constant 48 : index
        %swap3A_68 = tpu.vector_load %arg19[%swap3A_66, %swap3A_67] {strides = array<i32>} : memref<128x128xf32, #tpu.memory_space<vmem>>, vector<16xf32>,
        tpu.vector_store %arg19[%swap3A_66, %swap3A_67], %mul3A_65 {strides = array<i32>} : memref<128x128xf32, #tpu.memory_space<vmem>>, vector<16xf32>,
        %get3A_69 = arith.index_cast %scan3A_42 : i32 to index
        %get3A_70 = arith.constant 64 : index
        %get3A_71 = tpu.vector_load %arg19[%get3A_69, %get3A_70] {strides = array<i32>} : memref<128x128xf32, #tpu.memory_space<vmem>>, vector<16xf32>,
        %mul3A_72 = arith.mulf %get3A_71, %gather3A : vector<16xf32>
        %swap3A_73 = arith.index_cast %scan3A_42 : i32 to index
        %swap3A_74 = arith.constant 64 : index
        %swap3A_75 = tpu.vector_load %arg19[%swap3A_73, %swap3A_74] {strides = array<i32>} : memref<128x128xf32, #tpu.memory_space<vmem>>, vector<16xf32>,
        tpu.vector_store %arg19[%swap3A_73, %swap3A_74], %mul3A_72 {strides = array<i32>} : memref<128x128xf32, #tpu.memory_space<vmem>>, vector<16xf32>,
        %get3A_76 = arith.index_cast %scan3A_42 : i32 to index
        %get3A_77 = arith.constant 80 : index
        %get3A_78 = tpu.vector_load %arg19[%get3A_76, %get3A_77] {strides = array<i32>} : memref<128x128xf32, #tpu.memory_space<vmem>>, vector<16xf32>,
        %mul3A_79 = arith.mulf %get3A_78, %gather3A : vector<16xf32>
        %swap3A_80 = arith.index_cast %scan3A_42 : i32 to index
        %swap3A_81 = arith.constant 80 : index
        %swap3A_82 = tpu.vector_load %arg19[%swap3A_80, %swap3A_81] {strides = array<i32>} : memref<128x128xf32, #tpu.memory_space<vmem>>, vector<16xf32>,
        tpu.vector_store %arg19[%swap3A_80, %swap3A_81], %mul3A_79 {strides = array<i32>} : memref<128x128xf32, #tpu.memory_space<vmem>>, vector<16xf32>,
        %get3A_83 = arith.index_cast %scan3A_42 : i32 to index
        %get3A_84 = arith.constant 96 : index
        %get3A_85 = tpu.vector_load %arg19[%get3A_83, %get3A_84] {strides = array<i32>} : memref<128x128xf32, #tpu.memory_space<vmem>>, vector<16xf32>,
        %mul3A_86 = arith.mulf %get3A_85, %gather3A : vector<16xf32>
        %swap3A_87 = arith.index_cast %scan3A_42 : i32 to index
        %swap3A_88 = arith.constant 96 : index
        %swap3A_89 = tpu.vector_load %arg19[%swap3A_87, %swap3A_88] {strides = array<i32>} : memref<128x128xf32, #tpu.memory_space<vmem>>, vector<16xf32>,
        tpu.vector_store %arg19[%swap3A_87, %swap3A_88], %mul3A_86 {strides = array<i32>} : memref<128x128xf32, #tpu.memory_space<vmem>>, vector<16xf32>,
        %get3A_90 = arith.index_cast %scan3A_42 : i32 to index
        %get3A_91 = arith.constant 112 : index
        %get3A_92 = tpu.vector_load %arg19[%get3A_90, %get3A_91] {strides = array<i32>} : memref<128x128xf32, #tpu.memory_space<vmem>>, vector<16xf32>,
        %mul3A_93 = arith.mulf %get3A_92, %gather3A : vector<16xf32>
        %swap3A_94 = arith.index_cast %scan3A_42 : i32 to index
        %swap3A_95 = arith.constant 112 : index
        %swap3A_96 = tpu.vector_load %arg19[%swap3A_94, %swap3A_95] {strides = array<i32>} : memref<128x128xf32, #tpu.memory_space<vmem>>, vector<16xf32>,
        tpu.vector_store %arg19[%swap3A_94, %swap3A_95], %mul3A_93 {strides = array<i32>} : memref<128x128xf32, #tpu.memory_space<vmem>>, vector<16xf32>,
        %scan3A_97 = arith.constant 1 : i32
        %scan3A_98 = arith.addi %scan3A_42, %scan3A_97 : i32
        %broadcast_in_dim3A_99 = vector.broadcast %scan3A_98 : i32 to vector<16xi32>
        %gather3A_100 = tpu.vector_load_idx %arg20[%broadcast_in_dim3A_99] : memref<128xf32, #tpu.memory_space<vmem>>[vector<16xi32>], vector<16xf32>,
        %get3A_101 = arith.index_cast %scan3A_98 : i32 to index
        %get3A_102 = arith.constant 0 : index
        %get3A_103 = tpu.vector_load %arg19[%get3A_101, %get3A_102] {strides = array<i32>} : memref<128x128xf32, #tpu.memory_space<vmem>>, vector<16xf32>,
        %mul3A_104 = arith.mulf %get3A_103, %gather3A_100 : vector<16xf32>
        %swap3A_105 = arith.index_cast %scan3A_98 : i32 to index
        %swap3A_106 = arith.constant 0 : index
        %swap3A_107 = tpu.vector_load %arg19[%swap3A_105, %swap3A_106] {strides = array<i32>} : memref<128x128xf32, #tpu.memory_space<vmem>>, vector<16xf32>,
        tpu.vector_store %arg19[%swap3A_105, %swap3A_106], %mul3A_104 {strides = array<i32>} : memref<128x128xf32, #tpu.memory_space<vmem>>, vector<16xf32>,
        %get3A_108 = arith.index_cast %scan3A_98 : i32 to index
        %get3A_109 = arith.constant 16 : index
        %get3A_110 = tpu.vector_load %arg19[%get3A_108, %get3A_109] {strides = array<i32>} : memref<128x128xf32, #tpu.memory_space<vmem>>, vector<16xf32>,
        %mul3A_111 = arith.mulf %get3A_110, %gather3A_100 : vector<16xf32>
        %swap3A_112 = arith.index_cast %scan3A_98 : i32 to index
        %swap3A_113 = arith.constant 16 : index
        %swap3A_114 = tpu.vector_load %arg19[%swap3A_112, %swap3A_113] {strides = array<i32>} : memref<128x128xf32, #tpu.memory_space<vmem>>, vector<16xf32>,
        tpu.vector_store %arg19[%swap3A_112, %swap3A_113], %mul3A_111 {strides = array<i32>} : memref<128x128xf32, #tpu.memory_space<vmem>>, vector<16xf32>,
        %get3A_115 = arith.index_cast %scan3A_98 : i32 to index
        %get3A_116 = arith.constant 32 : index
        %get3A_117 = tpu.vector_load %arg19[%get3A_115, %get3A_116] {strides = array<i32>} : memref<128x128xf32, #tpu.memory_space<vmem>>, vector<16xf32>,
        %mul3A_118 = arith.mulf %get3A_117, %gather3A_100 : vector<16xf32>
        %swap3A_119 = arith.index_cast %scan3A_98 : i32 to index
        %swap3A_120 = arith.constant 32 : index
        %swap3A_121 = tpu.vector_load %arg19[%swap3A_119, %swap3A_120] {strides = array<i32>} : memref<128x128xf32, #tpu.memory_space<vmem>>, vector<16xf32>,
        tpu.vector_store %arg19[%swap3A_119, %swap3A_120], %mul3A_118 {strides = array<i32>} : memref<128x128xf32, #tpu.memory_space<vmem>>, vector<16xf32>,
        %get3A_122 = arith.index_cast %scan3A_98 : i32 to index
        %get3A_123 = arith.constant 48 : index
        %get3A_124 = tpu.vector_load %arg19[%get3A_122, %get3A_123] {strides = array<i32>} : memref<128x128xf32, #tpu.memory_space<vmem>>, vector<16xf32>,
        %mul3A_125 = arith.mulf %get3A_124, %gather3A_100 : vector<16xf32>
        %swap3A_126 = arith.index_cast %scan3A_98 : i32 to index
        %swap3A_127 = arith.constant 48 : index
        %swap3A_128 = tpu.vector_load %arg19[%swap3A_126, %swap3A_127] {strides = array<i32>} : memref<128x128xf32, #tpu.memory_space<vmem>>, vector<16xf32>,
        tpu.vector_store %arg19[%swap3A_126, %swap3A_127], %mul3A_125 {strides = array<i32>} : memref<128x128xf32, #tpu.memory_space<vmem>>, vector<16xf32>,
        %get3A_129 = arith.index_cast %scan3A_98 : i32 to index
        %get3A_130 = arith.constant 64 : index
        %get3A_131 = tpu.vector_load %arg19[%get3A_129, %get3A_130] {strides = array<i32>} : memref<128x128xf32, #tpu.memory_space<vmem>>, vector<16xf32>,
        %mul3A_132 = arith.mulf %get3A_131, %gather3A_100 : vector<16xf32>
        %swap3A_133 = arith.index_cast %scan3A_98 : i32 to index
        %swap3A_134 = arith.constant 64 : index
        %swap3A_135 = tpu.vector_load %arg19[%swap3A_133, %swap3A_134] {strides = array<i32>} : memref<128x128xf32, #tpu.memory_space<vmem>>, vector<16xf32>,
        tpu.vector_store %arg19[%swap3A_133, %swap3A_134], %mul3A_132 {strides = array<i32>} : memref<128x128xf32, #tpu.memory_space<vmem>>, vector<16xf32>,
        %get3A_136 = arith.index_cast %scan3A_98 : i32 to index
        %get3A_137 = arith.constant 80 : index
        %get3A_138 = tpu.vector_load %arg19[%get3A_136, %get3A_137] {strides = array<i32>} : memref<128x128xf32, #tpu.memory_space<vmem>>, vector<16xf32>,
        %mul3A_139 = arith.mulf %get3A_138, %gather3A_100 : vector<16xf32>
        %swap3A_140 = arith.index_cast %scan3A_98 : i32 to index
        %swap3A_141 = arith.constant 80 : index
        %swap3A_142 = tpu.vector_load %arg19[%swap3A_140, %swap3A_141] {strides = array<i32>} : memref<128x128xf32, #tpu.memory_space<vmem>>, vector<16xf32>,
        tpu.vector_store %arg19[%swap3A_140, %swap3A_141], %mul3A_139 {strides = array<i32>} : memref<128x128xf32, #tpu.memory_space<vmem>>, vector<16xf32>,
        %get3A_143 = arith.index_cast %scan3A_98 : i32 to index
        %get3A_144 = arith.constant 96 : index
        %get3A_145 = tpu.vector_load %arg19[%get3A_143, %get3A_144] {strides = array<i32>} : memref<128x128xf32, #tpu.memory_space<vmem>>, vector<16xf32>,
        %mul3A_146 = arith.mulf %get3A_145, %gather3A_100 : vector<16xf32>
        %swap3A_147 = arith.index_cast %scan3A_98 : i32 to index
        %swap3A_148 = arith.constant 96 : index
        %swap3A_149 = tpu.vector_load %arg19[%swap3A_147, %swap3A_148] {strides = array<i32>} : memref<128x128xf32, #tpu.memory_space<vmem>>, vector<16xf32>,
        tpu.vector_store %arg19[%swap3A_147, %swap3A_148], %mul3A_146 {strides = array<i32>} : memref<128x128xf32, #tpu.memory_space<vmem>>, vector<16xf32>,
        %get3A_150 = arith.index_cast %scan3A_98 : i32 to index
        %get3A_151 = arith.constant 112 : index
        %get3A_152 = tpu.vector_load %arg19[%get3A_150, %get3A_151] {strides = array<i32>} : memref<128x128xf32, #tpu.memory_space<vmem>>, vector<16xf32>,
        %mul3A_153 = arith.mulf %get3A_152, %gather3A_100 : vector<16xf32>
        %swap3A_154 = arith.index_cast %scan3A_98 : i32 to index
        %swap3A_155 = arith.constant 112 : index
        %swap3A_156 = tpu.vector_load %arg19[%swap3A_154, %swap3A_155] {strides = array<i32>} : memref<128x128xf32, #tpu.memory_space<vmem>>, vector<16xf32>,
        tpu.vector_store %arg19[%swap3A_154, %swap3A_155], %mul3A_153 {strides = array<i32>} : memref<128x128xf32, #tpu.memory_space<vmem>>, vector<16xf32>,
      }
      %scan3A_41 = arith.constant 128 : i32
      "tpu.region"() ({
        %run_scoped3A = tpu.sem_alloc : memref<!tpu.dma_semaphore, #tpu.memory_space<semaphore_mem>>
        %dma_start3A_42 = arith.constant 0 : i32
        %dma_start3A_43 = arith.constant 0 : i32
        %dma_start3A_44 = tpu.memref_slice %arg21[%dma_start3A_42, %dma_start3A_43] : memref<10240x128xf32, #tpu.memory_space<vmem_shared>> -> memref<10240x128xf32, #tpu.memory_space<vmem_shared>>
        tpu.enqueue_indirect_dma source(%arg19 : memref<128x128xf32, #tpu.memory_space<vmem>>) target(%dma_start3A_44 : memref<10240x128xf32, #tpu.memory_space<vmem_shared>>) offsets(%arg18 : memref<128xi32, #tpu.memory_space<vmem>>) semaphore(%run_scoped3A : memref<!tpu.dma_semaphore, #tpu.memory_space<semaphore_mem>>) {add = true}
        %dma_wait3A_45 = arith.constant 0 : i32
        %dma_wait3A_46 = arith.constant 0 : i32
        %dma_wait3A_47 = tpu.memref_slice %arg21[%dma_wait3A_45, %dma_wait3A_46] : memref<10240x128xf32, #tpu.memory_space<vmem_shared>> -> memref<10240x128xf32, #tpu.memory_space<vmem_shared>>
        tpu.wait_indirect_dma semaphore(%run_scoped3A : memref<!tpu.dma_semaphore, #tpu.memory_space<semaphore_mem>>) src(%arg19 : memref<128x128xf32, #tpu.memory_space<vmem>>) dst(%dma_wait3A_47 : memref<10240x128xf32, #tpu.memory_space<vmem_shared>>)
        tpu.yield
      }) : () -> ()
      "tpu.region"() ({
        %run_scoped3A = tpu.sem_alloc : memref<!tpu.dma_semaphore, #tpu.memory_space<semaphore_mem>>
        %dma_start3A_42 = arith.constant 0 : i32
        %dma_start3A_43 = tpu.memref_slice %arg22[%dma_start3A_42] : memref<10240xf32, #tpu.memory_space<vmem_shared>> -> memref<10240xf32, #tpu.memory_space<vmem_shared>>
        tpu.enqueue_indirect_dma source(%arg20 : memref<128xf32, #tpu.memory_space<vmem>>) target(%dma_start3A_43 : memref<10240xf32, #tpu.memory_space<vmem_shared>>) offsets(%arg18 : memref<128xi32, #tpu.memory_space<vmem>>) semaphore(%run_scoped3A : memref<!tpu.dma_semaphore, #tpu.memory_space<semaphore_mem>>) {add = true}
        %dma_wait3A_44 = arith.constant 0 : i32
        %dma_wait3A_45 = tpu.memref_slice %arg22[%dma_wait3A_44] : memref<10240xf32, #tpu.memory_space<vmem_shared>> -> memref<10240xf32, #tpu.memory_space<vmem_shared>>
        tpu.wait_indirect_dma semaphore(%run_scoped3A : memref<!tpu.dma_semaphore, #tpu.memory_space<semaphore_mem>>) src(%arg20 : memref<128xf32, #tpu.memory_space<vmem>>) dst(%dma_wait3A_45 : memref<10240xf32, #tpu.memory_space<vmem_shared>>)
        tpu.yield
      }) : () -> ()
    }
    %scan3A_9 = arith.constant 81 : i32
    %barrier3A_10 = arith.constant 0 : index
    tpu.barrier barrier_id(%barrier3A_10)
    %mul3A_11 = arith.constant 640 : i32
    %mul3A_12 = arith.muli %arg1, %mul3A_11 : i32
    %eq3A = arith.constant 0 : i32
    %eq3A_13 = arith.cmpi eq, %arg0, %eq3A : i32
    %convert_element_type3A = arith.extui %eq3A_13 : i1 to i32
    %cond3A = arith.constant 0 : i32
    %cond3A_14 = arith.cmpi ne, %convert_element_type3A, %cond3A : i32
    scf.if %cond3A_14 {
      "tpu.region"() ({
        %run_scoped3A = tpu.sem_alloc : memref<!tpu.dma_semaphore, #tpu.memory_space<semaphore_mem>>
        %dma_start3A = arith.constant 0 : i32
        %dma_start3A_20 = tpu.memref_slice %arg10[%mul3A_12, %dma_start3A] : memref<10240x128xf32, #tpu.memory_space<hbm>> -> memref<640x128xf32, #tpu.memory_space<hbm>>
        %dma_start3A_21 = arith.constant 0 : i32
        %dma_start3A_22 = tpu.memref_slice %arg21[%mul3A_12, %dma_start3A_21] : memref<10240x128xf32, #tpu.memory_space<vmem_shared>> -> memref<640x128xf32, #tpu.memory_space<vmem_shared>>
        tpu.enqueue_dma source(%dma_start3A_22 : memref<640x128xf32, #tpu.memory_space<vmem_shared>>) target(%dma_start3A_20 : memref<640x128xf32, #tpu.memory_space<hbm>>) target_semaphore(%run_scoped3A : memref<!tpu.dma_semaphore, #tpu.memory_space<semaphore_mem>>)
        %dma_wait3A = arith.constant 0 : i32
        %dma_wait3A_23 = tpu.memref_slice %arg10[%mul3A_12, %dma_wait3A] : memref<10240x128xf32, #tpu.memory_space<hbm>> -> memref<640x128xf32, #tpu.memory_space<hbm>>
        %dma_wait3A_24 = arith.constant 0 : i32
        %dma_wait3A_25 = tpu.memref_slice %arg21[%mul3A_12, %dma_wait3A_24] : memref<10240x128xf32, #tpu.memory_space<vmem_shared>> -> memref<640x128xf32, #tpu.memory_space<vmem_shared>>
        tpu.wait_dma2 semaphore(%run_scoped3A : memref<!tpu.dma_semaphore, #tpu.memory_space<semaphore_mem>>) src(%dma_wait3A_25 : memref<640x128xf32, #tpu.memory_space<vmem_shared>>) dst(%dma_wait3A_23 : memref<640x128xf32, #tpu.memory_space<hbm>>)
        tpu.yield
      }) : () -> ()
      "tpu.region"() ({
        %run_scoped3A = tpu.sem_alloc : memref<!tpu.dma_semaphore, #tpu.memory_space<semaphore_mem>>
        %dma_start3A = tpu.memref_slice %arg12[%mul3A_12] : memref<10240xf32, #tpu.memory_space<hbm>> -> memref<640xf32, #tpu.memory_space<hbm>>
        %dma_start3A_20 = tpu.memref_slice %arg22[%mul3A_12] : memref<10240xf32, #tpu.memory_space<vmem_shared>> -> memref<640xf32, #tpu.memory_space<vmem_shared>>
        tpu.enqueue_dma source(%dma_start3A_20 : memref<640xf32, #tpu.memory_space<vmem_shared>>) target(%dma_start3A : memref<640xf32, #tpu.memory_space<hbm>>) target_semaphore(%run_scoped3A : memref<!tpu.dma_semaphore, #tpu.memory_space<semaphore_mem>>)
        %dma_wait3A = tpu.memref_slice %arg12[%mul3A_12] : memref<10240xf32, #tpu.memory_space<hbm>> -> memref<640xf32, #tpu.memory_space<hbm>>
        %dma_wait3A_21 = tpu.memref_slice %arg22[%mul3A_12] : memref<10240xf32, #tpu.memory_space<vmem_shared>> -> memref<640xf32, #tpu.memory_space<vmem_shared>>
        tpu.wait_dma2 semaphore(%run_scoped3A : memref<!tpu.dma_semaphore, #tpu.memory_space<semaphore_mem>>) src(%dma_wait3A_21 : memref<640xf32, #tpu.memory_space<vmem_shared>>) dst(%dma_wait3A : memref<640xf32, #tpu.memory_space<hbm>>)
        tpu.yield
      }) : () -> ()
    } else {
    }
    %eq3A_15 = arith.constant 1 : i32
    %eq3A_16 = arith.cmpi eq, %arg0, %eq3A_15 : i32
    %convert_element_type3A_17 = arith.extui %eq3A_16 : i1 to i32
    %cond3A_18 = arith.constant 0 : i32
    %cond3A_19 = arith.cmpi ne, %convert_element_type3A_17, %cond3A_18 : i32
    scf.if %cond3A_19 {
      "tpu.region"() ({
        %run_scoped3A = tpu.sem_alloc : memref<!tpu.dma_semaphore, #tpu.memory_space<semaphore_mem>>
        %dma_start3A = arith.constant 0 : i32
        %dma_start3A_20 = tpu.memref_slice %arg11[%mul3A_12, %dma_start3A] : memref<10240x128xf32, #tpu.memory_space<hbm>> -> memref<640x128xf32, #tpu.memory_space<hbm>>
        %dma_start3A_21 = arith.constant 0 : i32
        %dma_start3A_22 = tpu.memref_slice %arg21[%mul3A_12, %dma_start3A_21] : memref<10240x128xf32, #tpu.memory_space<vmem_shared>> -> memref<640x128xf32, #tpu.memory_space<vmem_shared>>
        tpu.enqueue_dma source(%dma_start3A_22 : memref<640x128xf32, #tpu.memory_space<vmem_shared>>) target(%dma_start3A_20 : memref<640x128xf32, #tpu.memory_space<hbm>>) target_semaphore(%run_scoped3A : memref<!tpu.dma_semaphore, #tpu.memory_space<semaphore_mem>>)
        %dma_wait3A = arith.constant 0 : i32
        %dma_wait3A_23 = tpu.memref_slice %arg11[%mul3A_12, %dma_wait3A] : memref<10240x128xf32, #tpu.memory_space<hbm>> -> memref<640x128xf32, #tpu.memory_space<hbm>>
        %dma_wait3A_24 = arith.constant 0 : i32
        %dma_wait3A_25 = tpu.memref_slice %arg21[%mul3A_12, %dma_wait3A_24] : memref<10240x128xf32, #tpu.memory_space<vmem_shared>> -> memref<640x128xf32, #tpu.memory_space<vmem_shared>>
        tpu.wait_dma2 semaphore(%run_scoped3A : memref<!tpu.dma_semaphore, #tpu.memory_space<semaphore_mem>>) src(%dma_wait3A_25 : memref<640x128xf32, #tpu.memory_space<vmem_shared>>) dst(%dma_wait3A_23 : memref<640x128xf32, #tpu.memory_space<hbm>>)
        tpu.yield
      }) : () -> ()
      "tpu.region"() ({
        %run_scoped3A = tpu.sem_alloc : memref<!tpu.dma_semaphore, #tpu.memory_space<semaphore_mem>>
        %dma_start3A = tpu.memref_slice %arg13[%mul3A_12] : memref<10240xf32, #tpu.memory_space<hbm>> -> memref<640xf32, #tpu.memory_space<hbm>>
        %dma_start3A_20 = tpu.memref_slice %arg22[%mul3A_12] : memref<10240xf32, #tpu.memory_space<vmem_shared>> -> memref<640xf32, #tpu.memory_space<vmem_shared>>
        tpu.enqueue_dma source(%dma_start3A_20 : memref<640xf32, #tpu.memory_space<vmem_shared>>) target(%dma_start3A : memref<640xf32, #tpu.memory_space<hbm>>) target_semaphore(%run_scoped3A : memref<!tpu.dma_semaphore, #tpu.memory_space<semaphore_mem>>)
        %dma_wait3A = tpu.memref_slice %arg13[%mul3A_12] : memref<10240xf32, #tpu.memory_space<hbm>> -> memref<640xf32, #tpu.memory_space<hbm>>
        %dma_wait3A_21 = tpu.memref_slice %arg22[%mul3A_12] : memref<10240xf32, #tpu.memory_space<vmem_shared>> -> memref<640xf32, #tpu.memory_space<vmem_shared>>
        tpu.wait_dma2 semaphore(%run_scoped3A : memref<!tpu.dma_semaphore, #tpu.memory_space<semaphore_mem>>) src(%dma_wait3A_21 : memref<640xf32, #tpu.memory_space<vmem_shared>>) dst(%dma_wait3A : memref<640xf32, #tpu.memory_space<hbm>>)
        tpu.yield
      }) : () -> ()
    } else {
    }
    return
  }
}

#map = affine_map<(d0, d1) -> (0)>
#map1 = affine_map<(d0, d1) -> (0, 0)>
module attributes {stable_mosaic.version = 14 : i64} {
  func.func @_gat_body(%arg0: i32, %arg1: i32, %arg2: memref<331776xi32, #tpu.memory_space<hbm>>, %arg3: memref<331776xi32, #tpu.memory_space<hbm>>, %arg4: memref<10000xf32, #tpu.memory_space<hbm>>, %arg5: memref<10000xf32, #tpu.memory_space<hbm>>, %arg6: memref<10000xf32, #tpu.memory_space<hbm>>, %arg7: memref<10000x128xf32, #tpu.memory_space<hbm>>, %arg8: memref<640x128xf32, #tpu.memory_space<hbm>>, %arg9: memref<640xf32, #tpu.memory_space<hbm>>, %arg10: memref<10240x128xf32, #tpu.memory_space<hbm>>, %arg11: memref<10240x128xf32, #tpu.memory_space<hbm>>, %arg12: memref<10240xf32, #tpu.memory_space<hbm>>, %arg13: memref<10240xf32, #tpu.memory_space<hbm>>, %arg14: memref<10000xf32, #tpu.memory_space<vmem>>, %arg15: memref<10000xf32, #tpu.memory_space<vmem>>, %arg16: memref<10000xf32, #tpu.memory_space<vmem>>, %arg17: memref<128xi32, #tpu.memory_space<vmem>>, %arg18: memref<128xi32, #tpu.memory_space<vmem>>, %arg19: memref<128x128xf32, #tpu.memory_space<vmem>>, %arg20: memref<128xf32, #tpu.memory_space<vmem>>, %arg21: memref<10240x128xf32, #tpu.memory_space<vmem_shared>>, %arg22: memref<10240xf32, #tpu.memory_space<vmem_shared>>, %arg23: memref<!tpu.dma_semaphore, #tpu.memory_space<semaphore_mem>>) attributes {dimension_semantics = [#tpu.dimension_semantics<core_parallel>, #tpu.dimension_semantics<subcore_parallel>], iteration_bounds = array<i64: 2, 16>, scalar_prefetch = 0 : i64, scratch_operands = 10 : i64, tpu.core_type = #tpu.core_type<sc_vector_subcore>, window_params = [{transform_indices = #map}, {transform_indices = #map}, {transform_indices = #map}, {transform_indices = #map}, {transform_indices = #map}, {transform_indices = #map1}, {transform_indices = #map1}, {transform_indices = #map}, {transform_indices = #map1}, {transform_indices = #map1}, {transform_indices = #map}, {transform_indices = #map}]} {
    %mul3A = arith.constant 16 : i32
    %mul3A_0 = arith.muli %arg0, %mul3A : i32
    %add3A = arith.addi %mul3A_0, %arg1 : i32
    %mul3A_1 = arith.constant 640 : i32
    %mul3A_2 = arith.muli %arg1, %mul3A_1 : i32
    "tpu.region"() ({
      %run_scoped3A = tpu.sem_alloc : memref<!tpu.dma_semaphore, #tpu.memory_space<semaphore_mem>>
      %dma_start3A = arith.constant 0 : i32
      %dma_start3A_20 = tpu.memref_slice %arg21[%mul3A_2, %dma_start3A] : memref<10240x128xf32, #tpu.memory_space<vmem_shared>> -> memref<640x128xf32, #tpu.memory_space<vmem_shared>>
      tpu.enqueue_dma source(%arg8 : memref<640x128xf32, #tpu.memory_space<hbm>>) target(%dma_start3A_20 : memref<640x128xf32, #tpu.memory_space<vmem_shared>>) target_semaphore(%run_scoped3A : memref<!tpu.dma_semaphore, #tpu.memory_space<semaphore_mem>>)
      %dma_wait3A = arith.constant 0 : i32
      %dma_wait3A_21 = tpu.memref_slice %arg21[%mul3A_2, %dma_wait3A] : memref<10240x128xf32, #tpu.memory_space<vmem_shared>> -> memref<640x128xf32, #tpu.memory_space<vmem_shared>>
      tpu.wait_dma2 semaphore(%run_scoped3A : memref<!tpu.dma_semaphore, #tpu.memory_space<semaphore_mem>>) src(%arg8 : memref<640x128xf32, #tpu.memory_space<hbm>>) dst(%dma_wait3A_21 : memref<640x128xf32, #tpu.memory_space<vmem_shared>>)
      tpu.yield
    }) : () -> ()
    %mul3A_3 = arith.constant 640 : i32
    %mul3A_4 = arith.muli %arg1, %mul3A_3 : i32
    "tpu.region"() ({
      %run_scoped3A = tpu.sem_alloc : memref<!tpu.dma_semaphore, #tpu.memory_space<semaphore_mem>>
      %dma_start3A = tpu.memref_slice %arg22[%mul3A_4] : memref<10240xf32, #tpu.memory_space<vmem_shared>> -> memref<640xf32, #tpu.memory_space<vmem_shared>>
      tpu.enqueue_dma source(%arg9 : memref<640xf32, #tpu.memory_space<hbm>>) target(%dma_start3A : memref<640xf32, #tpu.memory_space<vmem_shared>>) target_semaphore(%run_scoped3A : memref<!tpu.dma_semaphore, #tpu.memory_space<semaphore_mem>>)
      %dma_wait3A = tpu.memref_slice %arg22[%mul3A_4] : memref<10240xf32, #tpu.memory_space<vmem_shared>> -> memref<640xf32, #tpu.memory_space<vmem_shared>>
      tpu.wait_dma2 semaphore(%run_scoped3A : memref<!tpu.dma_semaphore, #tpu.memory_space<semaphore_mem>>) src(%arg9 : memref<640xf32, #tpu.memory_space<hbm>>) dst(%dma_wait3A : memref<640xf32, #tpu.memory_space<vmem_shared>>)
      tpu.yield
    }) : () -> ()
    "tpu.region"() ({
      %run_scoped3A = tpu.sem_alloc : memref<!tpu.dma_semaphore, #tpu.memory_space<semaphore_mem>>
      tpu.enqueue_dma source(%arg4 : memref<10000xf32, #tpu.memory_space<hbm>>) target(%arg14 : memref<10000xf32, #tpu.memory_space<vmem>>) target_semaphore(%run_scoped3A : memref<!tpu.dma_semaphore, #tpu.memory_space<semaphore_mem>>)
      tpu.wait_dma2 semaphore(%run_scoped3A : memref<!tpu.dma_semaphore, #tpu.memory_space<semaphore_mem>>) src(%arg4 : memref<10000xf32, #tpu.memory_space<hbm>>) dst(%arg14 : memref<10000xf32, #tpu.memory_space<vmem>>)
      tpu.yield
    }) : () -> ()
    "tpu.region"() ({
      %run_scoped3A = tpu.sem_alloc : memref<!tpu.dma_semaphore, #tpu.memory_space<semaphore_mem>>
      tpu.enqueue_dma source(%arg5 : memref<10000xf32, #tpu.memory_space<hbm>>) target(%arg15 : memref<10000xf32, #tpu.memory_space<vmem>>) target_semaphore(%run_scoped3A : memref<!tpu.dma_semaphore, #tpu.memory_space<semaphore_mem>>)
      tpu.wait_dma2 semaphore(%run_scoped3A : memref<!tpu.dma_semaphore, #tpu.memory_space<semaphore_mem>>) src(%arg5 : memref<10000xf32, #tpu.memory_space<hbm>>) dst(%arg15 : memref<10000xf32, #tpu.memory_space<vmem>>)
      tpu.yield
    }) : () -> ()
    "tpu.region"() ({
      %run_scoped3A = tpu.sem_alloc : memref<!tpu.dma_semaphore, #tpu.memory_space<semaphore_mem>>
      tpu.enqueue_dma source(%arg6 : memref<10000xf32, #tpu.memory_space<hbm>>) target(%arg16 : memref<10000xf32, #tpu.memory_space<vmem>>) target_semaphore(%run_scoped3A : memref<!tpu.dma_semaphore, #tpu.memory_space<semaphore_mem>>)
      tpu.wait_dma2 semaphore(%run_scoped3A : memref<!tpu.dma_semaphore, #tpu.memory_space<semaphore_mem>>) src(%arg6 : memref<10000xf32, #tpu.memory_space<hbm>>) dst(%arg16 : memref<10000xf32, #tpu.memory_space<vmem>>)
      tpu.yield
    }) : () -> ()
    %barrier3A = arith.constant 0 : index
    tpu.barrier barrier_id(%barrier3A)
    %scan3A = arith.constant 0 : i32
    %scan3A_5 = arith.constant 0 : i32
    %scan3A_6 = arith.constant 81 : i32
    %scan3A_7 = arith.addi %scan3A_5, %scan3A_6 : i32
    %scan3A_8 = arith.constant 1 : i32
    scf.for %scan3A_20 = %scan3A_5 to %scan3A_7 step %scan3A_8  : i32 {
      %mul3A_21 = arith.constant 10368 : i32
      %mul3A_22 = arith.muli %add3A, %mul3A_21 : i32
      %mul3A_23 = arith.constant 128 : i32
      %mul3A_24 = arith.muli %scan3A_20, %mul3A_23 : i32
      %add3A_25 = arith.addi %mul3A_22, %mul3A_24 : i32
      "tpu.region"() ({
        %run_scoped3A = tpu.sem_alloc : memref<!tpu.dma_semaphore, #tpu.memory_space<semaphore_mem>>
        %dma_start3A_42 = tpu.memref_slice %arg2[%add3A_25] : memref<331776xi32, #tpu.memory_space<hbm>> -> memref<128xi32, #tpu.memory_space<hbm>>
        %dma_start3A_43 = tpu.memref_slice %arg2[%add3A_25] : memref<331776xi32, #tpu.memory_space<hbm>> -> memref<128xi32, #tpu.memory_space<hbm>>
        tpu.enqueue_dma source(%dma_start3A_43 : memref<128xi32, #tpu.memory_space<hbm>>) target(%arg17 : memref<128xi32, #tpu.memory_space<vmem>>) target_semaphore(%run_scoped3A : memref<!tpu.dma_semaphore, #tpu.memory_space<semaphore_mem>>)
        %dma_wait3A_44 = tpu.memref_slice %arg2[%add3A_25] : memref<331776xi32, #tpu.memory_space<hbm>> -> memref<128xi32, #tpu.memory_space<hbm>>
        %dma_wait3A_45 = tpu.memref_slice %arg2[%add3A_25] : memref<331776xi32, #tpu.memory_space<hbm>> -> memref<128xi32, #tpu.memory_space<hbm>>
        tpu.wait_dma2 semaphore(%run_scoped3A : memref<!tpu.dma_semaphore, #tpu.memory_space<semaphore_mem>>) src(%dma_wait3A_45 : memref<128xi32, #tpu.memory_space<hbm>>) dst(%arg17 : memref<128xi32, #tpu.memory_space<vmem>>)
        tpu.yield
      }) : () -> ()
      %dma_start3A = arith.constant 0 : i32
      %dma_start3A_26 = arith.constant 0 : i32
      %dma_start3A_27 = tpu.memref_slice %arg7[%dma_start3A, %dma_start3A_26] : memref<10000x128xf32, #tpu.memory_space<hbm>> -> memref<10000x128xf32, #tpu.memory_space<hbm>>
      tpu.enqueue_indirect_dma source(%dma_start3A_27 : memref<10000x128xf32, #tpu.memory_space<hbm>>) target(%arg19 : memref<128x128xf32, #tpu.memory_space<vmem>>) offsets(%arg17 : memref<128xi32, #tpu.memory_space<vmem>>) semaphore(%arg23 : memref<!tpu.dma_semaphore, #tpu.memory_space<semaphore_mem>>)
      "tpu.region"() ({
        %run_scoped3A = tpu.sem_alloc : memref<!tpu.dma_semaphore, #tpu.memory_space<semaphore_mem>>
        %dma_start3A_42 = tpu.memref_slice %arg3[%add3A_25] : memref<331776xi32, #tpu.memory_space<hbm>> -> memref<128xi32, #tpu.memory_space<hbm>>
        %dma_start3A_43 = tpu.memref_slice %arg3[%add3A_25] : memref<331776xi32, #tpu.memory_space<hbm>> -> memref<128xi32, #tpu.memory_space<hbm>>
        tpu.enqueue_dma source(%dma_start3A_43 : memref<128xi32, #tpu.memory_space<hbm>>) target(%arg18 : memref<128xi32, #tpu.memory_space<vmem>>) target_semaphore(%run_scoped3A : memref<!tpu.dma_semaphore, #tpu.memory_space<semaphore_mem>>)
        %dma_wait3A_44 = tpu.memref_slice %arg3[%add3A_25] : memref<331776xi32, #tpu.memory_space<hbm>> -> memref<128xi32, #tpu.memory_space<hbm>>
        %dma_wait3A_45 = tpu.memref_slice %arg3[%add3A_25] : memref<331776xi32, #tpu.memory_space<hbm>> -> memref<128xi32, #tpu.memory_space<hbm>>
        tpu.wait_dma2 semaphore(%run_scoped3A : memref<!tpu.dma_semaphore, #tpu.memory_space<semaphore_mem>>) src(%dma_wait3A_45 : memref<128xi32, #tpu.memory_space<hbm>>) dst(%arg18 : memref<128xi32, #tpu.memory_space<vmem>>)
        tpu.yield
      }) : () -> ()
      %scan3A_28 = arith.constant 0 : i32
      %scan3A_29 = arith.constant 0 : i32
      %scan3A_30 = arith.constant 8 : i32
      %scan3A_31 = arith.addi %scan3A_29, %scan3A_30 : i32
      %scan3A_32 = arith.constant 1 : i32
      scf.for %scan3A_42 = %scan3A_29 to %scan3A_31 step %scan3A_32  : i32 {
        %mul3A_43 = arith.constant 16 : i32
        %mul3A_44 = arith.muli %scan3A_42, %mul3A_43 : i32
        %get3A = arith.index_cast %mul3A_44 : i32 to index
        %get3A_45 = tpu.vector_load %arg17[%get3A] {strides = array<i32>} : memref<128xi32, #tpu.memory_space<vmem>>, vector<16xi32>,
        %get3A_46 = arith.index_cast %mul3A_44 : i32 to index
        %get3A_47 = tpu.vector_load %arg18[%get3A_46] {strides = array<i32>} : memref<128xi32, #tpu.memory_space<vmem>>, vector<16xi32>,
        %gather3A = tpu.vector_load_idx %arg14[%get3A_45] : memref<10000xf32, #tpu.memory_space<vmem>>[vector<16xi32>], vector<16xf32>,
        %gather3A_48 = tpu.vector_load_idx %arg15[%get3A_47] : memref<10000xf32, #tpu.memory_space<vmem>>[vector<16xi32>], vector<16xf32>,
        %add3A_49 = arith.addf %gather3A, %gather3A_48 : vector<16xf32>
        %ge3A = arith.constant 0.000000e+00 : f32
        %ge3A_50 = vector.broadcast %ge3A : f32 to vector<16xf32>
        %ge3A_51 = arith.cmpf oge, %add3A_49, %ge3A_50 : vector<16xf32>
        %mul3A_52 = arith.constant 2.000000e-01 : f32
        %mul3A_53 = vector.broadcast %mul3A_52 : f32 to vector<16xf32>
        %mul3A_54 = arith.mulf %mul3A_53, %add3A_49 : vector<16xf32>
        %select_n3A = arith.select %ge3A_51, %add3A_49, %mul3A_54 : vector<16xi1>, vector<16xf32>
        %gather3A_55 = tpu.vector_load_idx %arg16[%get3A_47] : memref<10000xf32, #tpu.memory_space<vmem>>[vector<16xi32>], vector<16xf32>,
        %sub3A = arith.subf %select_n3A, %gather3A_55 : vector<16xf32>
        %exp3A = math.exp %sub3A : vector<16xf32>
        %mul3A_56 = arith.constant 16 : i32
        %mul3A_57 = arith.muli %scan3A_42, %mul3A_56 : i32
        %add3A_58 = arith.addi %add3A_25, %mul3A_57 : i32
        %iota3A = tpu.iota {dimensions = array<i32: 0>} : vector<16xi32>
        %add3A_59 = vector.broadcast %add3A_58 : i32 to vector<16xi32>
        %add3A_60 = arith.addi %add3A_59, %iota3A : vector<16xi32>
        %lt3A = arith.constant 330000 : i32
        %lt3A_61 = vector.broadcast %lt3A : i32 to vector<16xi32>
        %lt3A_62 = arith.cmpi slt, %add3A_60, %lt3A_61 : vector<16xi32>
        %jit3A = arith.constant 0.000000e+00 : f32
        %broadcast_in_dim3A = vector.broadcast %jit3A : f32 to vector<16xf32>
        %select_n3A_63 = arith.select %lt3A_62, %exp3A, %broadcast_in_dim3A : vector<16xi1>, vector<16xf32>
        %swap3A = arith.index_cast %mul3A_44 : i32 to index
        %swap3A_64 = tpu.vector_load %arg20[%swap3A] {strides = array<i32>} : memref<128xf32, #tpu.memory_space<vmem>>, vector<16xf32>,
        tpu.vector_store %arg20[%swap3A], %select_n3A_63 {strides = array<i32>} : memref<128xf32, #tpu.memory_space<vmem>>, vector<16xf32>,
      }
      %scan3A_33 = arith.constant 8 : i32
      %dma_wait3A = arith.constant 0 : i32
      %dma_wait3A_34 = arith.constant 0 : i32
      %dma_wait3A_35 = tpu.memref_slice %arg7[%dma_wait3A, %dma_wait3A_34] : memref<10000x128xf32, #tpu.memory_space<hbm>> -> memref<10000x128xf32, #tpu.memory_space<hbm>>
      tpu.wait_indirect_dma semaphore(%arg23 : memref<!tpu.dma_semaphore, #tpu.memory_space<semaphore_mem>>) src(%dma_wait3A_35 : memref<10000x128xf32, #tpu.memory_space<hbm>>) dst(%arg19 : memref<128x128xf32, #tpu.memory_space<vmem>>)
      %scan3A_36 = arith.constant 0 : i32
      %scan3A_37 = arith.constant 0 : i32
      %scan3A_38 = arith.constant 128 : i32
      %scan3A_39 = arith.addi %scan3A_37, %scan3A_38 : i32
      %scan3A_40 = arith.constant 2 : i32
      scf.for %scan3A_42 = %scan3A_37 to %scan3A_39 step %scan3A_40  : i32 {
        %broadcast_in_dim3A = vector.broadcast %scan3A_42 : i32 to vector<16xi32>
        %gather3A = tpu.vector_load_idx %arg20[%broadcast_in_dim3A] : memref<128xf32, #tpu.memory_space<vmem>>[vector<16xi32>], vector<16xf32>,
        %get3A = arith.index_cast %scan3A_42 : i32 to index
        %get3A_43 = arith.constant 0 : index
        %get3A_44 = tpu.vector_load %arg19[%get3A, %get3A_43] {strides = array<i32>} : memref<128x128xf32, #tpu.memory_space<vmem>>, vector<16xf32>,
        %mul3A_45 = arith.mulf %get3A_44, %gather3A : vector<16xf32>
        %swap3A = arith.index_cast %scan3A_42 : i32 to index
        %swap3A_46 = arith.constant 0 : index
        %swap3A_47 = tpu.vector_load %arg19[%swap3A, %swap3A_46] {strides = array<i32>} : memref<128x128xf32, #tpu.memory_space<vmem>>, vector<16xf32>,
        tpu.vector_store %arg19[%swap3A, %swap3A_46], %mul3A_45 {strides = array<i32>} : memref<128x128xf32, #tpu.memory_space<vmem>>, vector<16xf32>,
        %get3A_48 = arith.index_cast %scan3A_42 : i32 to index
        %get3A_49 = arith.constant 16 : index
        %get3A_50 = tpu.vector_load %arg19[%get3A_48, %get3A_49] {strides = array<i32>} : memref<128x128xf32, #tpu.memory_space<vmem>>, vector<16xf32>,
        %mul3A_51 = arith.mulf %get3A_50, %gather3A : vector<16xf32>
        %swap3A_52 = arith.index_cast %scan3A_42 : i32 to index
        %swap3A_53 = arith.constant 16 : index
        %swap3A_54 = tpu.vector_load %arg19[%swap3A_52, %swap3A_53] {strides = array<i32>} : memref<128x128xf32, #tpu.memory_space<vmem>>, vector<16xf32>,
        tpu.vector_store %arg19[%swap3A_52, %swap3A_53], %mul3A_51 {strides = array<i32>} : memref<128x128xf32, #tpu.memory_space<vmem>>, vector<16xf32>,
        %get3A_55 = arith.index_cast %scan3A_42 : i32 to index
        %get3A_56 = arith.constant 32 : index
        %get3A_57 = tpu.vector_load %arg19[%get3A_55, %get3A_56] {strides = array<i32>} : memref<128x128xf32, #tpu.memory_space<vmem>>, vector<16xf32>,
        %mul3A_58 = arith.mulf %get3A_57, %gather3A : vector<16xf32>
        %swap3A_59 = arith.index_cast %scan3A_42 : i32 to index
        %swap3A_60 = arith.constant 32 : index
        %swap3A_61 = tpu.vector_load %arg19[%swap3A_59, %swap3A_60] {strides = array<i32>} : memref<128x128xf32, #tpu.memory_space<vmem>>, vector<16xf32>,
        tpu.vector_store %arg19[%swap3A_59, %swap3A_60], %mul3A_58 {strides = array<i32>} : memref<128x128xf32, #tpu.memory_space<vmem>>, vector<16xf32>,
        %get3A_62 = arith.index_cast %scan3A_42 : i32 to index
        %get3A_63 = arith.constant 48 : index
        %get3A_64 = tpu.vector_load %arg19[%get3A_62, %get3A_63] {strides = array<i32>} : memref<128x128xf32, #tpu.memory_space<vmem>>, vector<16xf32>,
        %mul3A_65 = arith.mulf %get3A_64, %gather3A : vector<16xf32>
        %swap3A_66 = arith.index_cast %scan3A_42 : i32 to index
        %swap3A_67 = arith.constant 48 : index
        %swap3A_68 = tpu.vector_load %arg19[%swap3A_66, %swap3A_67] {strides = array<i32>} : memref<128x128xf32, #tpu.memory_space<vmem>>, vector<16xf32>,
        tpu.vector_store %arg19[%swap3A_66, %swap3A_67], %mul3A_65 {strides = array<i32>} : memref<128x128xf32, #tpu.memory_space<vmem>>, vector<16xf32>,
        %get3A_69 = arith.index_cast %scan3A_42 : i32 to index
        %get3A_70 = arith.constant 64 : index
        %get3A_71 = tpu.vector_load %arg19[%get3A_69, %get3A_70] {strides = array<i32>} : memref<128x128xf32, #tpu.memory_space<vmem>>, vector<16xf32>,
        %mul3A_72 = arith.mulf %get3A_71, %gather3A : vector<16xf32>
        %swap3A_73 = arith.index_cast %scan3A_42 : i32 to index
        %swap3A_74 = arith.constant 64 : index
        %swap3A_75 = tpu.vector_load %arg19[%swap3A_73, %swap3A_74] {strides = array<i32>} : memref<128x128xf32, #tpu.memory_space<vmem>>, vector<16xf32>,
        tpu.vector_store %arg19[%swap3A_73, %swap3A_74], %mul3A_72 {strides = array<i32>} : memref<128x128xf32, #tpu.memory_space<vmem>>, vector<16xf32>,
        %get3A_76 = arith.index_cast %scan3A_42 : i32 to index
        %get3A_77 = arith.constant 80 : index
        %get3A_78 = tpu.vector_load %arg19[%get3A_76, %get3A_77] {strides = array<i32>} : memref<128x128xf32, #tpu.memory_space<vmem>>, vector<16xf32>,
        %mul3A_79 = arith.mulf %get3A_78, %gather3A : vector<16xf32>
        %swap3A_80 = arith.index_cast %scan3A_42 : i32 to index
        %swap3A_81 = arith.constant 80 : index
        %swap3A_82 = tpu.vector_load %arg19[%swap3A_80, %swap3A_81] {strides = array<i32>} : memref<128x128xf32, #tpu.memory_space<vmem>>, vector<16xf32>,
        tpu.vector_store %arg19[%swap3A_80, %swap3A_81], %mul3A_79 {strides = array<i32>} : memref<128x128xf32, #tpu.memory_space<vmem>>, vector<16xf32>,
        %get3A_83 = arith.index_cast %scan3A_42 : i32 to index
        %get3A_84 = arith.constant 96 : index
        %get3A_85 = tpu.vector_load %arg19[%get3A_83, %get3A_84] {strides = array<i32>} : memref<128x128xf32, #tpu.memory_space<vmem>>, vector<16xf32>,
        %mul3A_86 = arith.mulf %get3A_85, %gather3A : vector<16xf32>
        %swap3A_87 = arith.index_cast %scan3A_42 : i32 to index
        %swap3A_88 = arith.constant 96 : index
        %swap3A_89 = tpu.vector_load %arg19[%swap3A_87, %swap3A_88] {strides = array<i32>} : memref<128x128xf32, #tpu.memory_space<vmem>>, vector<16xf32>,
        tpu.vector_store %arg19[%swap3A_87, %swap3A_88], %mul3A_86 {strides = array<i32>} : memref<128x128xf32, #tpu.memory_space<vmem>>, vector<16xf32>,
        %get3A_90 = arith.index_cast %scan3A_42 : i32 to index
        %get3A_91 = arith.constant 112 : index
        %get3A_92 = tpu.vector_load %arg19[%get3A_90, %get3A_91] {strides = array<i32>} : memref<128x128xf32, #tpu.memory_space<vmem>>, vector<16xf32>,
        %mul3A_93 = arith.mulf %get3A_92, %gather3A : vector<16xf32>
        %swap3A_94 = arith.index_cast %scan3A_42 : i32 to index
        %swap3A_95 = arith.constant 112 : index
        %swap3A_96 = tpu.vector_load %arg19[%swap3A_94, %swap3A_95] {strides = array<i32>} : memref<128x128xf32, #tpu.memory_space<vmem>>, vector<16xf32>,
        tpu.vector_store %arg19[%swap3A_94, %swap3A_95], %mul3A_93 {strides = array<i32>} : memref<128x128xf32, #tpu.memory_space<vmem>>, vector<16xf32>,
        %scan3A_97 = arith.constant 1 : i32
        %scan3A_98 = arith.addi %scan3A_42, %scan3A_97 : i32
        %broadcast_in_dim3A_99 = vector.broadcast %scan3A_98 : i32 to vector<16xi32>
        %gather3A_100 = tpu.vector_load_idx %arg20[%broadcast_in_dim3A_99] : memref<128xf32, #tpu.memory_space<vmem>>[vector<16xi32>], vector<16xf32>,
        %get3A_101 = arith.index_cast %scan3A_98 : i32 to index
        %get3A_102 = arith.constant 0 : index
        %get3A_103 = tpu.vector_load %arg19[%get3A_101, %get3A_102] {strides = array<i32>} : memref<128x128xf32, #tpu.memory_space<vmem>>, vector<16xf32>,
        %mul3A_104 = arith.mulf %get3A_103, %gather3A_100 : vector<16xf32>
        %swap3A_105 = arith.index_cast %scan3A_98 : i32 to index
        %swap3A_106 = arith.constant 0 : index
        %swap3A_107 = tpu.vector_load %arg19[%swap3A_105, %swap3A_106] {strides = array<i32>} : memref<128x128xf32, #tpu.memory_space<vmem>>, vector<16xf32>,
        tpu.vector_store %arg19[%swap3A_105, %swap3A_106], %mul3A_104 {strides = array<i32>} : memref<128x128xf32, #tpu.memory_space<vmem>>, vector<16xf32>,
        %get3A_108 = arith.index_cast %scan3A_98 : i32 to index
        %get3A_109 = arith.constant 16 : index
        %get3A_110 = tpu.vector_load %arg19[%get3A_108, %get3A_109] {strides = array<i32>} : memref<128x128xf32, #tpu.memory_space<vmem>>, vector<16xf32>,
        %mul3A_111 = arith.mulf %get3A_110, %gather3A_100 : vector<16xf32>
        %swap3A_112 = arith.index_cast %scan3A_98 : i32 to index
        %swap3A_113 = arith.constant 16 : index
        %swap3A_114 = tpu.vector_load %arg19[%swap3A_112, %swap3A_113] {strides = array<i32>} : memref<128x128xf32, #tpu.memory_space<vmem>>, vector<16xf32>,
        tpu.vector_store %arg19[%swap3A_112, %swap3A_113], %mul3A_111 {strides = array<i32>} : memref<128x128xf32, #tpu.memory_space<vmem>>, vector<16xf32>,
        %get3A_115 = arith.index_cast %scan3A_98 : i32 to index
        %get3A_116 = arith.constant 32 : index
        %get3A_117 = tpu.vector_load %arg19[%get3A_115, %get3A_116] {strides = array<i32>} : memref<128x128xf32, #tpu.memory_space<vmem>>, vector<16xf32>,
        %mul3A_118 = arith.mulf %get3A_117, %gather3A_100 : vector<16xf32>
        %swap3A_119 = arith.index_cast %scan3A_98 : i32 to index
        %swap3A_120 = arith.constant 32 : index
        %swap3A_121 = tpu.vector_load %arg19[%swap3A_119, %swap3A_120] {strides = array<i32>} : memref<128x128xf32, #tpu.memory_space<vmem>>, vector<16xf32>,
        tpu.vector_store %arg19[%swap3A_119, %swap3A_120], %mul3A_118 {strides = array<i32>} : memref<128x128xf32, #tpu.memory_space<vmem>>, vector<16xf32>,
        %get3A_122 = arith.index_cast %scan3A_98 : i32 to index
        %get3A_123 = arith.constant 48 : index
        %get3A_124 = tpu.vector_load %arg19[%get3A_122, %get3A_123] {strides = array<i32>} : memref<128x128xf32, #tpu.memory_space<vmem>>, vector<16xf32>,
        %mul3A_125 = arith.mulf %get3A_124, %gather3A_100 : vector<16xf32>
        %swap3A_126 = arith.index_cast %scan3A_98 : i32 to index
        %swap3A_127 = arith.constant 48 : index
        %swap3A_128 = tpu.vector_load %arg19[%swap3A_126, %swap3A_127] {strides = array<i32>} : memref<128x128xf32, #tpu.memory_space<vmem>>, vector<16xf32>,
        tpu.vector_store %arg19[%swap3A_126, %swap3A_127], %mul3A_125 {strides = array<i32>} : memref<128x128xf32, #tpu.memory_space<vmem>>, vector<16xf32>,
        %get3A_129 = arith.index_cast %scan3A_98 : i32 to index
        %get3A_130 = arith.constant 64 : index
        %get3A_131 = tpu.vector_load %arg19[%get3A_129, %get3A_130] {strides = array<i32>} : memref<128x128xf32, #tpu.memory_space<vmem>>, vector<16xf32>,
        %mul3A_132 = arith.mulf %get3A_131, %gather3A_100 : vector<16xf32>
        %swap3A_133 = arith.index_cast %scan3A_98 : i32 to index
        %swap3A_134 = arith.constant 64 : index
        %swap3A_135 = tpu.vector_load %arg19[%swap3A_133, %swap3A_134] {strides = array<i32>} : memref<128x128xf32, #tpu.memory_space<vmem>>, vector<16xf32>,
        tpu.vector_store %arg19[%swap3A_133, %swap3A_134], %mul3A_132 {strides = array<i32>} : memref<128x128xf32, #tpu.memory_space<vmem>>, vector<16xf32>,
        %get3A_136 = arith.index_cast %scan3A_98 : i32 to index
        %get3A_137 = arith.constant 80 : index
        %get3A_138 = tpu.vector_load %arg19[%get3A_136, %get3A_137] {strides = array<i32>} : memref<128x128xf32, #tpu.memory_space<vmem>>, vector<16xf32>,
        %mul3A_139 = arith.mulf %get3A_138, %gather3A_100 : vector<16xf32>
        %swap3A_140 = arith.index_cast %scan3A_98 : i32 to index
        %swap3A_141 = arith.constant 80 : index
        %swap3A_142 = tpu.vector_load %arg19[%swap3A_140, %swap3A_141] {strides = array<i32>} : memref<128x128xf32, #tpu.memory_space<vmem>>, vector<16xf32>,
        tpu.vector_store %arg19[%swap3A_140, %swap3A_141], %mul3A_139 {strides = array<i32>} : memref<128x128xf32, #tpu.memory_space<vmem>>, vector<16xf32>,
        %get3A_143 = arith.index_cast %scan3A_98 : i32 to index
        %get3A_144 = arith.constant 96 : index
        %get3A_145 = tpu.vector_load %arg19[%get3A_143, %get3A_144] {strides = array<i32>} : memref<128x128xf32, #tpu.memory_space<vmem>>, vector<16xf32>,
        %mul3A_146 = arith.mulf %get3A_145, %gather3A_100 : vector<16xf32>
        %swap3A_147 = arith.index_cast %scan3A_98 : i32 to index
        %swap3A_148 = arith.constant 96 : index
        %swap3A_149 = tpu.vector_load %arg19[%swap3A_147, %swap3A_148] {strides = array<i32>} : memref<128x128xf32, #tpu.memory_space<vmem>>, vector<16xf32>,
        tpu.vector_store %arg19[%swap3A_147, %swap3A_148], %mul3A_146 {strides = array<i32>} : memref<128x128xf32, #tpu.memory_space<vmem>>, vector<16xf32>,
        %get3A_150 = arith.index_cast %scan3A_98 : i32 to index
        %get3A_151 = arith.constant 112 : index
        %get3A_152 = tpu.vector_load %arg19[%get3A_150, %get3A_151] {strides = array<i32>} : memref<128x128xf32, #tpu.memory_space<vmem>>, vector<16xf32>,
        %mul3A_153 = arith.mulf %get3A_152, %gather3A_100 : vector<16xf32>
        %swap3A_154 = arith.index_cast %scan3A_98 : i32 to index
        %swap3A_155 = arith.constant 112 : index
        %swap3A_156 = tpu.vector_load %arg19[%swap3A_154, %swap3A_155] {strides = array<i32>} : memref<128x128xf32, #tpu.memory_space<vmem>>, vector<16xf32>,
        tpu.vector_store %arg19[%swap3A_154, %swap3A_155], %mul3A_153 {strides = array<i32>} : memref<128x128xf32, #tpu.memory_space<vmem>>, vector<16xf32>,
      }
      %scan3A_41 = arith.constant 128 : i32
      "tpu.region"() ({
        %run_scoped3A = tpu.sem_alloc : memref<!tpu.dma_semaphore, #tpu.memory_space<semaphore_mem>>
        %dma_start3A_42 = arith.constant 0 : i32
        %dma_start3A_43 = arith.constant 0 : i32
        %dma_start3A_44 = tpu.memref_slice %arg21[%dma_start3A_42, %dma_start3A_43] : memref<10240x128xf32, #tpu.memory_space<vmem_shared>> -> memref<10240x128xf32, #tpu.memory_space<vmem_shared>>
        tpu.enqueue_indirect_dma source(%arg19 : memref<128x128xf32, #tpu.memory_space<vmem>>) target(%dma_start3A_44 : memref<10240x128xf32, #tpu.memory_space<vmem_shared>>) offsets(%arg18 : memref<128xi32, #tpu.memory_space<vmem>>) semaphore(%run_scoped3A : memref<!tpu.dma_semaphore, #tpu.memory_space<semaphore_mem>>) {add = true}
        %dma_wait3A_45 = arith.constant 0 : i32
        %dma_wait3A_46 = arith.constant 0 : i32
        %dma_wait3A_47 = tpu.memref_slice %arg21[%dma_wait3A_45, %dma_wait3A_46] : memref<10240x128xf32, #tpu.memory_space<vmem_shared>> -> memref<10240x128xf32, #tpu.memory_space<vmem_shared>>
        tpu.wait_indirect_dma semaphore(%run_scoped3A : memref<!tpu.dma_semaphore, #tpu.memory_space<semaphore_mem>>) src(%arg19 : memref<128x128xf32, #tpu.memory_space<vmem>>) dst(%dma_wait3A_47 : memref<10240x128xf32, #tpu.memory_space<vmem_shared>>)
        tpu.yield
      }) : () -> ()
      "tpu.region"() ({
        %run_scoped3A = tpu.sem_alloc : memref<!tpu.dma_semaphore, #tpu.memory_space<semaphore_mem>>
        %dma_start3A_42 = arith.constant 0 : i32
        %dma_start3A_43 = tpu.memref_slice %arg22[%dma_start3A_42] : memref<10240xf32, #tpu.memory_space<vmem_shared>> -> memref<10240xf32, #tpu.memory_space<vmem_shared>>
        tpu.enqueue_indirect_dma source(%arg20 : memref<128xf32, #tpu.memory_space<vmem>>) target(%dma_start3A_43 : memref<10240xf32, #tpu.memory_space<vmem_shared>>) offsets(%arg18 : memref<128xi32, #tpu.memory_space<vmem>>) semaphore(%run_scoped3A : memref<!tpu.dma_semaphore, #tpu.memory_space<semaphore_mem>>) {add = true}
        %dma_wait3A_44 = arith.constant 0 : i32
        %dma_wait3A_45 = tpu.memref_slice %arg22[%dma_wait3A_44] : memref<10240xf32, #tpu.memory_space<vmem_shared>> -> memref<10240xf32, #tpu.memory_space<vmem_shared>>
        tpu.wait_indirect_dma semaphore(%run_scoped3A : memref<!tpu.dma_semaphore, #tpu.memory_space<semaphore_mem>>) src(%arg20 : memref<128xf32, #tpu.memory_space<vmem>>) dst(%dma_wait3A_45 : memref<10240xf32, #tpu.memory_space<vmem_shared>>)
        tpu.yield
      }) : () -> ()
    }
    %scan3A_9 = arith.constant 81 : i32
    %barrier3A_10 = arith.constant 0 : index
    tpu.barrier barrier_id(%barrier3A_10)
    %mul3A_11 = arith.constant 640 : i32
    %mul3A_12 = arith.muli %arg1, %mul3A_11 : i32
    %eq3A = arith.constant 0 : i32
    %eq3A_13 = arith.cmpi eq, %arg0, %eq3A : i32
    %convert_element_type3A = arith.extui %eq3A_13 : i1 to i32
    %cond3A = arith.constant 0 : i32
    %cond3A_14 = arith.cmpi ne, %convert_element_type3A, %cond3A : i32
    scf.if %cond3A_14 {
      "tpu.region"() ({
        %run_scoped3A = tpu.sem_alloc : memref<!tpu.dma_semaphore, #tpu.memory_space<semaphore_mem>>
        %dma_start3A = arith.constant 0 : i32
        %dma_start3A_20 = tpu.memref_slice %arg10[%mul3A_12, %dma_start3A] : memref<10240x128xf32, #tpu.memory_space<hbm>> -> memref<640x128xf32, #tpu.memory_space<hbm>>
        %dma_start3A_21 = arith.constant 0 : i32
        %dma_start3A_22 = tpu.memref_slice %arg21[%mul3A_12, %dma_start3A_21] : memref<10240x128xf32, #tpu.memory_space<vmem_shared>> -> memref<640x128xf32, #tpu.memory_space<vmem_shared>>
        tpu.enqueue_dma source(%dma_start3A_22 : memref<640x128xf32, #tpu.memory_space<vmem_shared>>) target(%dma_start3A_20 : memref<640x128xf32, #tpu.memory_space<hbm>>) target_semaphore(%run_scoped3A : memref<!tpu.dma_semaphore, #tpu.memory_space<semaphore_mem>>)
        %dma_wait3A = arith.constant 0 : i32
        %dma_wait3A_23 = tpu.memref_slice %arg10[%mul3A_12, %dma_wait3A] : memref<10240x128xf32, #tpu.memory_space<hbm>> -> memref<640x128xf32, #tpu.memory_space<hbm>>
        %dma_wait3A_24 = arith.constant 0 : i32
        %dma_wait3A_25 = tpu.memref_slice %arg21[%mul3A_12, %dma_wait3A_24] : memref<10240x128xf32, #tpu.memory_space<vmem_shared>> -> memref<640x128xf32, #tpu.memory_space<vmem_shared>>
        tpu.wait_dma2 semaphore(%run_scoped3A : memref<!tpu.dma_semaphore, #tpu.memory_space<semaphore_mem>>) src(%dma_wait3A_25 : memref<640x128xf32, #tpu.memory_space<vmem_shared>>) dst(%dma_wait3A_23 : memref<640x128xf32, #tpu.memory_space<hbm>>)
        tpu.yield
      }) : () -> ()
      "tpu.region"() ({
        %run_scoped3A = tpu.sem_alloc : memref<!tpu.dma_semaphore, #tpu.memory_space<semaphore_mem>>
        %dma_start3A = tpu.memref_slice %arg12[%mul3A_12] : memref<10240xf32, #tpu.memory_space<hbm>> -> memref<640xf32, #tpu.memory_space<hbm>>
        %dma_start3A_20 = tpu.memref_slice %arg22[%mul3A_12] : memref<10240xf32, #tpu.memory_space<vmem_shared>> -> memref<640xf32, #tpu.memory_space<vmem_shared>>
        tpu.enqueue_dma source(%dma_start3A_20 : memref<640xf32, #tpu.memory_space<vmem_shared>>) target(%dma_start3A : memref<640xf32, #tpu.memory_space<hbm>>) target_semaphore(%run_scoped3A : memref<!tpu.dma_semaphore, #tpu.memory_space<semaphore_mem>>)
        %dma_wait3A = tpu.memref_slice %arg12[%mul3A_12] : memref<10240xf32, #tpu.memory_space<hbm>> -> memref<640xf32, #tpu.memory_space<hbm>>
        %dma_wait3A_21 = tpu.memref_slice %arg22[%mul3A_12] : memref<10240xf32, #tpu.memory_space<vmem_shared>> -> memref<640xf32, #tpu.memory_space<vmem_shared>>
        tpu.wait_dma2 semaphore(%run_scoped3A : memref<!tpu.dma_semaphore, #tpu.memory_space<semaphore_mem>>) src(%dma_wait3A_21 : memref<640xf32, #tpu.memory_space<vmem_shared>>) dst(%dma_wait3A : memref<640xf32, #tpu.memory_space<hbm>>)
        tpu.yield
      }) : () -> ()
    } else {
    }
    %eq3A_15 = arith.constant 1 : i32
    %eq3A_16 = arith.cmpi eq, %arg0, %eq3A_15 : i32
    %convert_element_type3A_17 = arith.extui %eq3A_16 : i1 to i32
    %cond3A_18 = arith.constant 0 : i32
    %cond3A_19 = arith.cmpi ne, %convert_element_type3A_17, %cond3A_18 : i32
    scf.if %cond3A_19 {
      "tpu.region"() ({
        %run_scoped3A = tpu.sem_alloc : memref<!tpu.dma_semaphore, #tpu.memory_space<semaphore_mem>>
        %dma_start3A = arith.constant 0 : i32
        %dma_start3A_20 = tpu.memref_slice %arg11[%mul3A_12, %dma_start3A] : memref<10240x128xf32, #tpu.memory_space<hbm>> -> memref<640x128xf32, #tpu.memory_space<hbm>>
        %dma_start3A_21 = arith.constant 0 : i32
        %dma_start3A_22 = tpu.memref_slice %arg21[%mul3A_12, %dma_start3A_21] : memref<10240x128xf32, #tpu.memory_space<vmem_shared>> -> memref<640x128xf32, #tpu.memory_space<vmem_shared>>
        tpu.enqueue_dma source(%dma_start3A_22 : memref<640x128xf32, #tpu.memory_space<vmem_shared>>) target(%dma_start3A_20 : memref<640x128xf32, #tpu.memory_space<hbm>>) target_semaphore(%run_scoped3A : memref<!tpu.dma_semaphore, #tpu.memory_space<semaphore_mem>>)
        %dma_wait3A = arith.constant 0 : i32
        %dma_wait3A_23 = tpu.memref_slice %arg11[%mul3A_12, %dma_wait3A] : memref<10240x128xf32, #tpu.memory_space<hbm>> -> memref<640x128xf32, #tpu.memory_space<hbm>>
        %dma_wait3A_24 = arith.constant 0 : i32
        %dma_wait3A_25 = tpu.memref_slice %arg21[%mul3A_12, %dma_wait3A_24] : memref<10240x128xf32, #tpu.memory_space<vmem_shared>> -> memref<640x128xf32, #tpu.memory_space<vmem_shared>>
        tpu.wait_dma2 semaphore(%run_scoped3A : memref<!tpu.dma_semaphore, #tpu.memory_space<semaphore_mem>>) src(%dma_wait3A_25 : memref<640x128xf32, #tpu.memory_space<vmem_shared>>) dst(%dma_wait3A_23 : memref<640x128xf32, #tpu.memory_space<hbm>>)
        tpu.yield
      }) : () -> ()
      "tpu.region"() ({
        %run_scoped3A = tpu.sem_alloc : memref<!tpu.dma_semaphore, #tpu.memory_space<semaphore_mem>>
        %dma_start3A = tpu.memref_slice %arg13[%mul3A_12] : memref<10240xf32, #tpu.memory_space<hbm>> -> memref<640xf32, #tpu.memory_space<hbm>>
        %dma_start3A_20 = tpu.memref_slice %arg22[%mul3A_12] : memref<10240xf32, #tpu.memory_space<vmem_shared>> -> memref<640xf32, #tpu.memory_space<vmem_shared>>
        tpu.enqueue_dma source(%dma_start3A_20 : memref<640xf32, #tpu.memory_space<vmem_shared>>) target(%dma_start3A : memref<640xf32, #tpu.memory_space<hbm>>) target_semaphore(%run_scoped3A : memref<!tpu.dma_semaphore, #tpu.memory_space<semaphore_mem>>)
        %dma_wait3A = tpu.memref_slice %arg13[%mul3A_12] : memref<10240xf32, #tpu.memory_space<hbm>> -> memref<640xf32, #tpu.memory_space<hbm>>
        %dma_wait3A_21 = tpu.memref_slice %arg22[%mul3A_12] : memref<10240xf32, #tpu.memory_space<vmem_shared>> -> memref<640xf32, #tpu.memory_space<vmem_shared>>
        tpu.wait_dma2 semaphore(%run_scoped3A : memref<!tpu.dma_semaphore, #tpu.memory_space<semaphore_mem>>) src(%dma_wait3A_21 : memref<640xf32, #tpu.memory_space<vmem_shared>>) dst(%dma_wait3A : memref<640xf32, #tpu.memory_space<hbm>>)
        tpu.yield
      }) : () -> ()
    } else {
    }
    return
  }
}

module attributes {stable_mosaic.version = 14 : i64} {
  func.func @_mm_kernel(%arg0: memref<10000x128xf32, #tpu.memory_space<vmem>>, %arg1: memref<128x128xf32, #tpu.memory_space<vmem>>, %arg2: memref<10000x128xf32, #tpu.memory_space<vmem>>) attributes {dimension_semantics = [], scalar_prefetch = 0 : i64, scratch_operands = 0 : i64, tpu.core_type = #tpu.core_type<tc>} {
    %get3A = arith.constant 0 : index
    %get3A_0 = arith.constant 0 : index
    %get3A_1 = vector.load %arg0[%get3A, %get3A_0] : memref<10000x128xf32, #tpu.memory_space<vmem>>, vector<10000x128xf32>
    %get3A_2 = arith.constant 0 : index
    %get3A_3 = arith.constant 0 : index
    %get3A_4 = vector.load %arg1[%get3A_2, %get3A_3] : memref<128x128xf32, #tpu.memory_space<vmem>>, vector<128x128xf32>
    %dot_general3A = arith.constant dense<0.000000e+00> : vector<10000x128xf32>
    %dot_general3A_5 = tpu.matmul %get3A_1, %get3A_4, %dot_general3A {dimension_numbers = #tpu.dot_dimension_numbers<[1], [0], [0], [1], [0, 0, 1, 1], [], []>, transpose_lhs_hint = false} : vector<10000x128xf32>, vector<128x128xf32>, vector<10000x128xf32> -> vector<10000x128xf32>
    %swap3A = arith.constant 0 : index
    %swap3A_6 = arith.constant 0 : index
    %swap3A_7 = vector.load %arg2[%swap3A, %swap3A_6] : memref<10000x128xf32, #tpu.memory_space<vmem>>, vector<10000x128xf32>
    tpu.vector_store %arg2[%swap3A, %swap3A_6], %dot_general3A_5 {strides = array<i32>} : memref<10000x128xf32, #tpu.memory_space<vmem>>, vector<10000x128xf32>,
    return
  }
}

module attributes {stable_mosaic.version = 14 : i64} {
  func.func @_dis_kernel(%arg0: memref<10240xf32, #tpu.memory_space<vmem>>, %arg1: memref<10240xf32, #tpu.memory_space<vmem>>, %arg2: memref<10000x128xf32, #tpu.memory_space<vmem>>, %arg3: memref<10000xf32, #tpu.memory_space<vmem>>, %arg4: memref<10000x128xf32, #tpu.memory_space<vmem>>) attributes {dimension_semantics = [], scalar_prefetch = 0 : i64, scratch_operands = 0 : i64, tpu.core_type = #tpu.core_type<tc>} {
    %get3A = arith.constant 0 : index
    %get3A_0 = vector.load %arg0[%get3A] : memref<10240xf32, #tpu.memory_space<vmem>>, vector<10240xf32>
    %slice3A = vector.extract_strided_slice %get3A_0 {offsets = [0], sizes = [10000], strides = [1]} : vector<10240xf32> to vector<10000xf32>
    %get3A_1 = arith.constant 0 : index
    %get3A_2 = vector.load %arg1[%get3A_1] : memref<10240xf32, #tpu.memory_space<vmem>>, vector<10240xf32>
    %slice3A_3 = vector.extract_strided_slice %get3A_2 {offsets = [0], sizes = [10000], strides = [1]} : vector<10240xf32> to vector<10000xf32>
    %add3A = arith.addf %slice3A, %slice3A_3 : vector<10000xf32>
    %gt3A = arith.constant 0.000000e+00 : f32
    %gt3A_4 = vector.broadcast %gt3A : f32 to vector<10000xf32>
    %gt3A_5 = arith.cmpf ogt, %add3A, %gt3A_4 : vector<10000xf32>
    %rsqrt3A = math.rsqrt %add3A : vector<10000xf32>
    %jit3A = arith.constant 0.000000e+00 : f32
    %broadcast_in_dim3A = vector.broadcast %jit3A : f32 to vector<10000xf32>
    %select_n3A = arith.select %gt3A_5, %rsqrt3A, %broadcast_in_dim3A : vector<10000xi1>, vector<10000xf32>
    %swap3A = arith.constant 0 : index
    %swap3A_6 = vector.load %arg3[%swap3A] : memref<10000xf32, #tpu.memory_space<vmem>>, vector<10000xf32>
    tpu.vector_store %arg3[%swap3A], %select_n3A {strides = array<i32>} : memref<10000xf32, #tpu.memory_space<vmem>>, vector<10000xf32>,
    %get3A_7 = arith.constant 0 : index
    %get3A_8 = arith.constant 0 : index
    %get3A_9 = vector.load %arg2[%get3A_7, %get3A_8] : memref<10000x128xf32, #tpu.memory_space<vmem>>, vector<10000x128xf32>
    %broadcast_in_dim3A_10 = vector.shape_cast %select_n3A : vector<10000xf32> to vector<10000x1xf32>
    %mul3A = vector.broadcast %broadcast_in_dim3A_10 : vector<10000x1xf32> to vector<10000x128xf32>
    %mul3A_11 = arith.mulf %get3A_9, %mul3A : vector<10000x128xf32>
    %swap3A_12 = arith.constant 0 : index
    %swap3A_13 = arith.constant 0 : index
    %swap3A_14 = vector.load %arg4[%swap3A_12, %swap3A_13] : memref<10000x128xf32, #tpu.memory_space<vmem>>, vector<10000x128xf32>
    tpu.vector_store %arg4[%swap3A_12, %swap3A_13], %mul3A_11 {strides = array<i32>} : memref<10000x128xf32, #tpu.memory_space<vmem>>, vector<10000x128xf32>,
    return
  }
}

module attributes {stable_mosaic.version = 14 : i64} {
  func.func @_post_gcn_prep_kernel(%arg0: memref<10000x128xf32, #tpu.memory_space<vmem>>, %arg1: memref<10000x128xf32, #tpu.memory_space<vmem>>, %arg2: memref<10000xf32, #tpu.memory_space<vmem>>, %arg3: memref<128xf32, #tpu.memory_space<vmem>>, %arg4: memref<128x128xf32, #tpu.memory_space<vmem>>, %arg5: memref<128xf32, #tpu.memory_space<vmem>>, %arg6: memref<128xf32, #tpu.memory_space<vmem>>, %arg7: memref<10000x128xf32, #tpu.memory_space<vmem>>, %arg8: memref<10000xf32, #tpu.memory_space<vmem>>, %arg9: memref<10000xf32, #tpu.memory_space<vmem>>, %arg10: memref<10000xf32, #tpu.memory_space<vmem>>) attributes {dimension_semantics = [], scalar_prefetch = 0 : i64, scratch_operands = 0 : i64, tpu.core_type = #tpu.core_type<tc>} {
    %get3A = arith.constant 0 : index
    %get3A_0 = arith.constant 0 : index
    %get3A_1 = vector.load %arg0[%get3A, %get3A_0] : memref<10000x128xf32, #tpu.memory_space<vmem>>, vector<10000x128xf32>
    %get3A_2 = arith.constant 0 : index
    %get3A_3 = arith.constant 0 : index
    %get3A_4 = vector.load %arg1[%get3A_2, %get3A_3] : memref<10000x128xf32, #tpu.memory_space<vmem>>, vector<10000x128xf32>
    %add3A = arith.addf %get3A_1, %get3A_4 : vector<10000x128xf32>
    %get3A_5 = arith.constant 0 : index
    %get3A_6 = vector.load %arg2[%get3A_5] : memref<10000xf32, #tpu.memory_space<vmem>>, vector<10000xf32>
    %broadcast_in_dim3A = vector.shape_cast %get3A_6 : vector<10000xf32> to vector<10000x1xf32>
    %mul3A = vector.broadcast %broadcast_in_dim3A : vector<10000x1xf32> to vector<10000x128xf32>
    %mul3A_7 = arith.mulf %add3A, %mul3A : vector<10000x128xf32>
    %get3A_8 = arith.constant 0 : index
    %get3A_9 = vector.load %arg3[%get3A_8] : memref<128xf32, #tpu.memory_space<vmem>>, vector<128xf32>
    %broadcast_in_dim3A_10 = vector.shape_cast %get3A_9 : vector<128xf32> to vector<1x128xf32>
    %add3A_11 = vector.broadcast %broadcast_in_dim3A_10 : vector<1x128xf32> to vector<10000x128xf32>
    %add3A_12 = arith.addf %mul3A_7, %add3A_11 : vector<10000x128xf32>
    %max3A = arith.constant 0.000000e+00 : f32
    %max3A_13 = vector.broadcast %max3A : f32 to vector<10000x128xf32>
    %max3A_14 = arith.maximumf %add3A_12, %max3A_13 : vector<10000x128xf32>
    %get3A_15 = arith.constant 0 : index
    %get3A_16 = arith.constant 0 : index
    %get3A_17 = vector.load %arg4[%get3A_15, %get3A_16] : memref<128x128xf32, #tpu.memory_space<vmem>>, vector<128x128xf32>
    %dot_general3A = arith.constant dense<0.000000e+00> : vector<10000x128xf32>
    %dot_general3A_18 = tpu.matmul %max3A_14, %get3A_17, %dot_general3A {dimension_numbers = #tpu.dot_dimension_numbers<[1], [0], [0], [1], [0, 0, 1, 1], [], []>, transpose_lhs_hint = false} : vector<10000x128xf32>, vector<128x128xf32>, vector<10000x128xf32> -> vector<10000x128xf32>
    %swap3A = arith.constant 0 : index
    %swap3A_19 = arith.constant 0 : index
    %swap3A_20 = vector.load %arg7[%swap3A, %swap3A_19] : memref<10000x128xf32, #tpu.memory_space<vmem>>, vector<10000x128xf32>
    tpu.vector_store %arg7[%swap3A, %swap3A_19], %dot_general3A_18 {strides = array<i32>} : memref<10000x128xf32, #tpu.memory_space<vmem>>, vector<10000x128xf32>,
    %get3A_21 = arith.constant 0 : index
    %get3A_22 = vector.load %arg5[%get3A_21] : memref<128xf32, #tpu.memory_space<vmem>>, vector<128xf32>
    %broadcast_in_dim3A_23 = vector.shape_cast %get3A_22 : vector<128xf32> to vector<1x128xf32>
    %mul3A_24 = vector.broadcast %broadcast_in_dim3A_23 : vector<1x128xf32> to vector<10000x128xf32>
    %mul3A_25 = arith.mulf %dot_general3A_18, %mul3A_24 : vector<10000x128xf32>
    %reduce_sum3A = arith.constant dense<0.000000e+00> : vector<10000xf32>
    %reduce_sum3A_26 = vector.multi_reduction <add>, %mul3A_25, %reduce_sum3A [1] : vector<10000x128xf32> to vector<10000xf32>
    %get3A_27 = arith.constant 0 : index
    %get3A_28 = vector.load %arg6[%get3A_27] : memref<128xf32, #tpu.memory_space<vmem>>, vector<128xf32>
    %broadcast_in_dim3A_29 = vector.shape_cast %get3A_28 : vector<128xf32> to vector<1x128xf32>
    %mul3A_30 = vector.broadcast %broadcast_in_dim3A_29 : vector<1x128xf32> to vector<10000x128xf32>
    %mul3A_31 = arith.mulf %dot_general3A_18, %mul3A_30 : vector<10000x128xf32>
    %reduce_sum3A_32 = arith.constant dense<0.000000e+00> : vector<10000xf32>
    %reduce_sum3A_33 = vector.multi_reduction <add>, %mul3A_31, %reduce_sum3A_32 [1] : vector<10000x128xf32> to vector<10000xf32>
    %swap3A_34 = arith.constant 0 : index
    %swap3A_35 = vector.load %arg8[%swap3A_34] : memref<10000xf32, #tpu.memory_space<vmem>>, vector<10000xf32>
    tpu.vector_store %arg8[%swap3A_34], %reduce_sum3A_26 {strides = array<i32>} : memref<10000xf32, #tpu.memory_space<vmem>>, vector<10000xf32>,
    %swap3A_36 = arith.constant 0 : index
    %swap3A_37 = vector.load %arg9[%swap3A_36] : memref<10000xf32, #tpu.memory_space<vmem>>, vector<10000xf32>
    tpu.vector_store %arg9[%swap3A_36], %reduce_sum3A_33 {strides = array<i32>} : memref<10000xf32, #tpu.memory_space<vmem>>, vector<10000xf32>,
    %reduce_max3A = vector.shape_cast %reduce_sum3A_26 : vector<10000xf32> to vector<1x10000xf32>
    %reduce_max3A_38 = arith.constant dense<0xFF800000> : vector<1xf32>
    %reduce_max3A_39 = vector.multi_reduction <maximumf>, %reduce_max3A, %reduce_max3A_38 [1] : vector<1x10000xf32> to vector<1xf32>
    %reduce_max3A_40 = vector.shape_cast %reduce_max3A_39 : vector<1xf32> to vector<1x1xf32>
    %reduce_max3A_41 = vector.extract %reduce_max3A_40[0, 0] : f32 from vector<1x1xf32>
    %add3A_42 = vector.broadcast %reduce_max3A_41 : f32 to vector<10000xf32>
    %add3A_43 = arith.addf %add3A_42, %reduce_sum3A_33 : vector<10000xf32>
    %ge3A = arith.constant 0.000000e+00 : f32
    %ge3A_44 = vector.broadcast %ge3A : f32 to vector<10000xf32>
    %ge3A_45 = arith.cmpf oge, %add3A_43, %ge3A_44 : vector<10000xf32>
    %mul3A_46 = arith.constant 2.000000e-01 : f32
    %mul3A_47 = vector.broadcast %mul3A_46 : f32 to vector<10000xf32>
    %mul3A_48 = arith.mulf %mul3A_47, %add3A_43 : vector<10000xf32>
    %select_n3A = arith.select %ge3A_45, %add3A_43, %mul3A_48 : vector<10000xi1>, vector<10000xf32>
    %swap3A_49 = arith.constant 0 : index
    %swap3A_50 = vector.load %arg10[%swap3A_49] : memref<10000xf32, #tpu.memory_space<vmem>>, vector<10000xf32>
    tpu.vector_store %arg10[%swap3A_49], %select_n3A {strides = array<i32>} : memref<10000xf32, #tpu.memory_space<vmem>>, vector<10000xf32>,
    return
  }
}

module attributes {stable_mosaic.version = 14 : i64} {
  func.func @_post_gat_prep_kernel(%arg0: memref<10000x128xf32, #tpu.memory_space<vmem>>, %arg1: memref<10000x128xf32, #tpu.memory_space<vmem>>, %arg2: memref<10240xf32, #tpu.memory_space<vmem>>, %arg3: memref<10240xf32, #tpu.memory_space<vmem>>, %arg4: memref<128xf32, #tpu.memory_space<vmem>>, %arg5: memref<128x128xf32, #tpu.memory_space<vmem>>, %arg6: memref<10000xf32, #tpu.memory_space<vmem>>, %arg7: memref<10000x128xf32, #tpu.memory_space<vmem>>) attributes {dimension_semantics = [], scalar_prefetch = 0 : i64, scratch_operands = 0 : i64, tpu.core_type = #tpu.core_type<tc>} {
    %get3A = arith.constant 0 : index
    %get3A_0 = vector.load %arg2[%get3A] : memref<10240xf32, #tpu.memory_space<vmem>>, vector<10240xf32>
    %slice3A = vector.extract_strided_slice %get3A_0 {offsets = [0], sizes = [10000], strides = [1]} : vector<10240xf32> to vector<10000xf32>
    %get3A_1 = arith.constant 0 : index
    %get3A_2 = vector.load %arg3[%get3A_1] : memref<10240xf32, #tpu.memory_space<vmem>>, vector<10240xf32>
    %slice3A_3 = vector.extract_strided_slice %get3A_2 {offsets = [0], sizes = [10000], strides = [1]} : vector<10240xf32> to vector<10000xf32>
    %add3A = arith.addf %slice3A, %slice3A_3 : vector<10000xf32>
    %broadcast_in_dim3A = vector.shape_cast %add3A : vector<10000xf32> to vector<10000x1xf32>
    %add3A_4 = arith.constant 1.000000e-16 : f32
    %add3A_5 = vector.broadcast %add3A_4 : f32 to vector<10000x1xf32>
    %add3A_6 = arith.addf %broadcast_in_dim3A, %add3A_5 : vector<10000x1xf32>
    %get3A_7 = arith.constant 0 : index
    %get3A_8 = arith.constant 0 : index
    %get3A_9 = vector.load %arg0[%get3A_7, %get3A_8] : memref<10000x128xf32, #tpu.memory_space<vmem>>, vector<10000x128xf32>
    %get3A_10 = arith.constant 0 : index
    %get3A_11 = arith.constant 0 : index
    %get3A_12 = vector.load %arg1[%get3A_10, %get3A_11] : memref<10000x128xf32, #tpu.memory_space<vmem>>, vector<10000x128xf32>
    %add3A_13 = arith.addf %get3A_9, %get3A_12 : vector<10000x128xf32>
    %div3A = vector.broadcast %add3A_6 : vector<10000x1xf32> to vector<10000x128xf32>
    %div3A_14 = arith.divf %add3A_13, %div3A : vector<10000x128xf32>
    %get3A_15 = arith.constant 0 : index
    %get3A_16 = vector.load %arg4[%get3A_15] : memref<128xf32, #tpu.memory_space<vmem>>, vector<128xf32>
    %broadcast_in_dim3A_17 = vector.shape_cast %get3A_16 : vector<128xf32> to vector<1x128xf32>
    %add3A_18 = vector.broadcast %broadcast_in_dim3A_17 : vector<1x128xf32> to vector<10000x128xf32>
    %add3A_19 = arith.addf %div3A_14, %add3A_18 : vector<10000x128xf32>
    %max3A = arith.constant 0.000000e+00 : f32
    %max3A_20 = vector.broadcast %max3A : f32 to vector<10000x128xf32>
    %max3A_21 = arith.maximumf %add3A_19, %max3A_20 : vector<10000x128xf32>
    %get3A_22 = arith.constant 0 : index
    %get3A_23 = arith.constant 0 : index
    %get3A_24 = vector.load %arg5[%get3A_22, %get3A_23] : memref<128x128xf32, #tpu.memory_space<vmem>>, vector<128x128xf32>
    %dot_general3A = arith.constant dense<0.000000e+00> : vector<10000x128xf32>
    %dot_general3A_25 = tpu.matmul %max3A_21, %get3A_24, %dot_general3A {dimension_numbers = #tpu.dot_dimension_numbers<[1], [0], [0], [1], [0, 0, 1, 1], [], []>, transpose_lhs_hint = false} : vector<10000x128xf32>, vector<128x128xf32>, vector<10000x128xf32> -> vector<10000x128xf32>
    %get3A_26 = arith.constant 0 : index
    %get3A_27 = vector.load %arg6[%get3A_26] : memref<10000xf32, #tpu.memory_space<vmem>>, vector<10000xf32>
    %broadcast_in_dim3A_28 = vector.shape_cast %get3A_27 : vector<10000xf32> to vector<10000x1xf32>
    %mul3A = vector.broadcast %broadcast_in_dim3A_28 : vector<10000x1xf32> to vector<10000x128xf32>
    %mul3A_29 = arith.mulf %dot_general3A_25, %mul3A : vector<10000x128xf32>
    %swap3A = arith.constant 0 : index
    %swap3A_30 = arith.constant 0 : index
    %swap3A_31 = vector.load %arg7[%swap3A, %swap3A_30] : memref<10000x128xf32, #tpu.memory_space<vmem>>, vector<10000x128xf32>
    tpu.vector_store %arg7[%swap3A, %swap3A_30], %mul3A_29 {strides = array<i32>} : memref<10000x128xf32, #tpu.memory_space<vmem>>, vector<10000x128xf32>,
    return
  }
}

module attributes {stable_mosaic.version = 14 : i64} {
  func.func @_final_kernel(%arg0: memref<10000x128xf32, #tpu.memory_space<vmem>>, %arg1: memref<10000x128xf32, #tpu.memory_space<vmem>>, %arg2: memref<10240xf32, #tpu.memory_space<vmem>>, %arg3: memref<10240xf32, #tpu.memory_space<vmem>>, %arg4: memref<128xf32, #tpu.memory_space<vmem>>, %arg5: memref<128x64xf32, #tpu.memory_space<vmem>>, %arg6: memref<64xf32, #tpu.memory_space<vmem>>, %arg7: memref<10000x128xf32, #tpu.memory_space<vmem>>, %arg8: memref<10000x64xf32, #tpu.memory_space<vmem>>) attributes {dimension_semantics = [], scalar_prefetch = 0 : i64, scratch_operands = 0 : i64, tpu.core_type = #tpu.core_type<tc>} {
    %get3A = arith.constant 0 : index
    %get3A_0 = vector.load %arg2[%get3A] : memref<10240xf32, #tpu.memory_space<vmem>>, vector<10240xf32>
    %slice3A = vector.extract_strided_slice %get3A_0 {offsets = [0], sizes = [10000], strides = [1]} : vector<10240xf32> to vector<10000xf32>
    %get3A_1 = arith.constant 0 : index
    %get3A_2 = vector.load %arg3[%get3A_1] : memref<10240xf32, #tpu.memory_space<vmem>>, vector<10240xf32>
    %slice3A_3 = vector.extract_strided_slice %get3A_2 {offsets = [0], sizes = [10000], strides = [1]} : vector<10240xf32> to vector<10000xf32>
    %add3A = arith.addf %slice3A, %slice3A_3 : vector<10000xf32>
    %broadcast_in_dim3A = vector.shape_cast %add3A : vector<10000xf32> to vector<10000x1xf32>
    %add3A_4 = arith.constant 1.000000e-16 : f32
    %add3A_5 = vector.broadcast %add3A_4 : f32 to vector<10000x1xf32>
    %add3A_6 = arith.addf %broadcast_in_dim3A, %add3A_5 : vector<10000x1xf32>
    %get3A_7 = arith.constant 0 : index
    %get3A_8 = arith.constant 0 : index
    %get3A_9 = vector.load %arg0[%get3A_7, %get3A_8] : memref<10000x128xf32, #tpu.memory_space<vmem>>, vector<10000x128xf32>
    %get3A_10 = arith.constant 0 : index
    %get3A_11 = arith.constant 0 : index
    %get3A_12 = vector.load %arg1[%get3A_10, %get3A_11] : memref<10000x128xf32, #tpu.memory_space<vmem>>, vector<10000x128xf32>
    %add3A_13 = arith.addf %get3A_9, %get3A_12 : vector<10000x128xf32>
    %div3A = vector.broadcast %add3A_6 : vector<10000x1xf32> to vector<10000x128xf32>
    %div3A_14 = arith.divf %add3A_13, %div3A : vector<10000x128xf32>
    %get3A_15 = arith.constant 0 : index
    %get3A_16 = vector.load %arg4[%get3A_15] : memref<128xf32, #tpu.memory_space<vmem>>, vector<128xf32>
    %broadcast_in_dim3A_17 = vector.shape_cast %get3A_16 : vector<128xf32> to vector<1x128xf32>
    %add3A_18 = vector.broadcast %broadcast_in_dim3A_17 : vector<1x128xf32> to vector<10000x128xf32>
    %add3A_19 = arith.addf %div3A_14, %add3A_18 : vector<10000x128xf32>
    %max3A = arith.constant 0.000000e+00 : f32
    %max3A_20 = vector.broadcast %max3A : f32 to vector<10000x128xf32>
    %max3A_21 = arith.maximumf %add3A_19, %max3A_20 : vector<10000x128xf32>
    %swap3A = arith.constant 0 : index
    %swap3A_22 = arith.constant 0 : index
    %swap3A_23 = vector.load %arg7[%swap3A, %swap3A_22] : memref<10000x128xf32, #tpu.memory_space<vmem>>, vector<10000x128xf32>
    tpu.vector_store %arg7[%swap3A, %swap3A_22], %max3A_21 {strides = array<i32>} : memref<10000x128xf32, #tpu.memory_space<vmem>>, vector<10000x128xf32>,
    %get3A_24 = arith.constant 0 : index
    %get3A_25 = arith.constant 0 : index
    %get3A_26 = vector.load %arg5[%get3A_24, %get3A_25] : memref<128x64xf32, #tpu.memory_space<vmem>>, vector<128x64xf32>
    %dot_general3A = arith.constant dense<0.000000e+00> : vector<10000x64xf32>
    %dot_general3A_27 = tpu.matmul %max3A_21, %get3A_26, %dot_general3A {dimension_numbers = #tpu.dot_dimension_numbers<[1], [0], [0], [1], [0, 0, 1, 1], [], []>, transpose_lhs_hint = false} : vector<10000x128xf32>, vector<128x64xf32>, vector<10000x64xf32> -> vector<10000x64xf32>
    %get3A_28 = arith.constant 0 : index
    %get3A_29 = vector.load %arg6[%get3A_28] : memref<64xf32, #tpu.memory_space<vmem>>, vector<64xf32>
    %broadcast_in_dim3A_30 = vector.shape_cast %get3A_29 : vector<64xf32> to vector<1x64xf32>
    %add3A_31 = vector.broadcast %broadcast_in_dim3A_30 : vector<1x64xf32> to vector<10000x64xf32>
    %add3A_32 = arith.addf %dot_general3A_27, %add3A_31 : vector<10000x64xf32>
    %swap3A_33 = arith.constant 0 : index
    %swap3A_34 = arith.constant 0 : index
    %swap3A_35 = vector.load %arg8[%swap3A_33, %swap3A_34] : memref<10000x64xf32, #tpu.memory_space<vmem>>, vector<10000x64xf32>
    tpu.vector_store %arg8[%swap3A_33, %swap3A_34], %add3A_32 {strides = array<i32>} : memref<10000x64xf32, #tpu.memory_space<vmem>>, vector<10000x64xf32>,
    return
  }
}

</mosaic_0001>

<sc_bundles>
// kernel: kernel.13.cloned.1.call-start
scs
__scs_entry_jumppad:
0x0: {  	(pc) =	sbr.rel $0x88, $3  }
0x1: {  	(tag) =	ssettag $0x0;
	lr =	simm.s32 $0x1  }
0x2: {  	[smem:$0x3F91] =	sst lr;
	_ =	strace $0xD0000000  }
0x3: {  	_ = 	snop  }
0x4: {  	_ = 	snop  }
0x5: {  	_ = 	snop  }
0x6: {  	_ = 	snop  }
0x7: {  	_ = 	snop  }
__scs_overlays_trampoline_lowered:
0x8: {  	[smem:$0x3FA0] =	sst s0  }
0x9: {  	[smem:$0x3FA1] =	sst s1  }
0xa: {  	[smem:$0x3FA2] =	sst s2  }
0xb: {  	[smem:$0x3FA3] =	sst s3  }
0xc: {  	[smem:$0x3FA4] =	sst s4  }
0xd: {  	[smem:$0x3FA5] =	sst s5  }
0xe: {  	[smem:$0x3FA6] =	sst s6  }
0xf: {  	[smem:$0x3FA7] =	sst s7  }
0x10: {  	[smem:$0x3FA8] =	sst s8  }
0x11: {  	[smem:$0x3FA9] =	sst s9;
	s0 =	simm.s32 @!p0 $0x0  }
0x12: {  	s1 =	sld [smem:$0x3F8F];
	s0 =	simm.s32 @p0 $0x1  }
0x13: {  	[smem:$0x3FAA] =	sst s0;
	s0 =	simm.s32 @!p1 $0x0  }
0x14: {  	s2 =	sld [smem:$0x3F8E];
	s0 =	simm.s32 @p1 $0x1  }
0x15: {  	[smem:$0x3FAB] =	sst s0;
	s0 =	simm.s32 @!p2 $0x0  }
0x16: {  	s3 =	sld [smem:$0x3FDB];
	s0 =	simm.s32 @p2 $0x1  }
0x17: {  	s4 =	simm.s32 $0x1BF5;
	[smem:$0x3FAD] =	sst s0  }
0x18: {  	s0 =	sld [smem:$0x3F90];
	_ =	swait.ge [sflag:s4], $0x0  }
0x19: {  	s7 =	sld [smem:$0x3F91]  }
0x1a: {  	s8 =	sadd.s32 $0xFFFFE003, lr  }
0x1b: {  	s9 =	sadd.s32 $0xFFFFFEF7, lr;
	s5 =	simm.s32 $0xFFFFFFFF;
	p2 =	slt.u32 s8, $0xFFFFF086  }
0x1c: {  	p1 =	slt.u32 s9, $0xF7A;
	s5 =	simm.s32 @!p2 $0x0  }
0x1d: {  	s5 =	simm.s32 @p1 $0x1;
	p0 =	seq.s32 s7, s2  }
0x1e: {  	s7 =	smul.u32 @!p0 $0xF7A, s2;
	p2 =	seq.s32 @!p0 s5, $0x0  }
0x1f: {  	s9 =	smul.u32 $0xF7A, s1;
	s8 =	simm.s32 @!p0 $0x1BF5;
	p2 =	por !p2, p0  }
0x20: {  	[sflag:s8] =	ssyncset.s32 @!p0 $0xFFFFF086;
	s6 =	sadd.s32 @!p0 s3, s7;
	s7 =	simm.s32 @!p0 $0x108  }
0x21: {  	s3 =	sadd.s32 s3, s9;
	s6 =	sadd.s32 @!p0 $0x88, s6;
	s7 =	simm.s32 @p2 $0x1082  }
0x22: {  	[simem:s7], [sflag:s8] =	dma.local @!p0 [hbm:s6], $0xF7A  }
0x23: {  	s9 =	sor.u32 $0xD0000000, s2;
	s6 =	simm.s32 $0x108;
	_ =	swait.ge @!p0 [sflag:s8], $0x0  }
0x24: {  	s3 =	sadd.s32 $0x88, s3;
	s6 =	simm.s32 @!p1 $0x1082;
	[sflag:s4] =	ssyncset.s32 $0xFFFFF086  }
0x25: {  	[simem:s6], [sflag:s4] =	dma.local [hbm:s3], $0xF7A  }
0x26: {  	[smem:$0x3F91] =	sst s1;
	(tag) =	ssettag s2;
	_ =	strace s9  }
0x27: {  	s1 =	sld [smem:$0x3FA1]  }
0x28: {  	s2 =	sld [smem:$0x3FA2]  }
0x29: {  	s4 =	sld [smem:$0x3FA4]  }
0x2a: {  	p0 =	seq.s32 s5, $0x0;
	s5 =	sld [smem:$0x3FA5]  }
0x2b: {  	s6 =	sld [smem:$0x3FA6]  }
0x2c: {  	s7 =	sld [smem:$0x3FA7]  }
0x2d: {  	s3 =	simm.s32 $0x108;
	s8 =	sld [smem:$0x3FA8]  }
0x2e: {  	s3 =	simm.s32 @!p0 $0x1082;
	s9 =	sld [smem:$0x3FA9]  }
0x2f: {  	lr =	sadd.s32 s0, s3;
	s0 =	sld [smem:$0x3FA0]  }
0x30: {  	s3 =	sld [smem:$0x3FA3]  }
0x31: {  	[smem:$0x3FAC] =	sst s10  }
0x32: {  	s10 =	sld [smem:$0x3FAA];
	_ =	sdelay $0x3  }
0x33: {  	p0 =	seq.s32 s10, $0x1;
	s10 =	sld [smem:$0x3FAC];
	_ =	sdelay $0x3  }
0x34: {  	[smem:$0x3FAC] =	sst s10  }
0x35: {  	s10 =	sld [smem:$0x3FAB];
	_ =	sdelay $0x3  }
0x36: {  	p1 =	seq.s32 s10, $0x1;
	s10 =	sld [smem:$0x3FAC];
	_ =	sdelay $0x3  }
0x37: {  	[smem:$0x3FAC] =	sst s10  }
0x38: {  	s10 =	sld [smem:$0x3FAD]  }
0x39: {  	_ = 	snop;
	(pc) =	sbr.ind lr, $3  }
0x3a: {  	_ = 	snop  }
0x3b: {  	_ = 	snop  }
0x3c: {  	p2 =	seq.s32 s10, $0x1;
	s10 =	sld [smem:$0x3FAC]  }
0x3d: {  	_ =	shalt  }
0x3e: {  	_ =	shalt  }
0x3f: {  	_ =	shalt  }
0x40: {  	_ =	shalt  }
0x41: {  	_ =	shalt  }
0x42: {  	_ =	shalt  }
0x43: {  	_ =	shalt  }
0x44: {  	_ =	shalt  }
0x45: {  	_ =	shalt  }
0x46: {  	_ =	shalt  }
0x47: {  	_ =	shalt  }
0x48: {  	_ =	shalt  }
0x49: {  	_ =	shalt  }
0x4a: {  	_ =	shalt  }
0x4b: {  	_ =	shalt  }
0x4c: {  	_ =	shalt  }
0x4d: {  	_ =	shalt  }
0x4e: {  	_ =	shalt  }
0x4f: {  	_ =	shalt  }
0x50: {  	_ =	shalt  }
0x51: {  	_ =	shalt  }
0x52: {  	_ =	shalt  }
0x53: {  	_ =	shalt  }
0x54: {  	_ =	shalt  }
0x55: {  	_ =	shalt  }
0x56: {  	_ =	shalt  }
0x57: {  	_ =	shalt  }
0x58: {  	_ =	shalt  }
0x59: {  	_ =	shalt  }
0x5a: {  	_ =	shalt  }
0x5b: {  	_ =	shalt  }
0x5c: {  	_ =	shalt  }
0x5d: {  	_ =	shalt  }
0x5e: {  	_ =	shalt  }
0x5f: {  	_ =	shalt  }
0x60: {  	_ =	shalt  }
0x61: {  	_ =	shalt  }
0x62: {  	_ =	shalt  }
0x63: {  	_ =	shalt  }
0x64: {  	_ =	shalt  }
0x65: {  	_ =	shalt  }
0x66: {  	_ =	shalt  }
0x67: {  	_ =	shalt  }
0x68: {  	_ =	shalt  }
0x69: {  	_ =	shalt  }
0x6a: {  	_ =	shalt  }
0x6b: {  	_ =	shalt  }
0x6c: {  	_ =	shalt  }
0x6d: {  	_ =	shalt  }
0x6e: {  	_ =	shalt  }
0x6f: {  	_ =	shalt  }
0x70: {  	_ =	shalt  }
0x71: {  	_ =	shalt  }
0x72: {  	_ =	shalt  }
0x73: {  	_ =	shalt  }
0x74: {  	_ =	shalt  }
0x75: {  	_ =	shalt  }
0x76: {  	_ =	shalt  }
0x77: {  	_ =	shalt  }
0x78: {  	_ =	shalt  }
0x79: {  	_ =	shalt  }
0x7a: {  	_ =	shalt  }
0x7b: {  	_ =	shalt  }
0x7c: {  	_ =	shalt  }
0x7d: {  	_ =	shalt  }
0x7e: {  	_ =	shalt  }
0x7f: {  	_ =	shalt  }
0x80: {  	_ =	shalt  }
0x81: {  	_ =	shalt  }
0x82: {  	_ =	shalt  }
0x83: {  	_ =	shalt  }
0x84: {  	_ =	shalt  }
0x85: {  	_ =	shalt  }
0x86: {  	_ =	shalt  }
0x87: {  	_ =	shalt  }
.Lfunc_end0:
.L_simem_size_0:
called_computation_lowered:
.L_overlay_start_0:
0x88: {  	s2 =	sld [smem:$0x3FD9]  }
0x89: {  	s3 =	sld [smem:$0x3FFE];
	_ =	sdelay $0x1  }
0x8a: {  	s1 =	srdreg.scid  }
0x8b: {  	s0 =	sand.u32 $0x1, s1  }
0x8c: {  	s14 =	sshll.u32 s0, $0xA;
	s2 =	sadd.s32 s3, s2  }
0x8d: {  	s2 =	sadd.s32 s2, s14  }
0x8e: {  	[smem:$0x3FB8] =	sst s2  }
0x8f: {  	_ = 	snop  }
0x90: {  	s2 =	sld [smem:$0x3FD0];
	_ =	sdelay $0x2  }
0x91: {  	s15 =	simm.s32 $0xA;
	s4 =	simm.s32 $0x10  }
0x92: {  	[smem:s4], [sflag:s15] =	dma.local [hbm:s2], $0x1  }
0x93: {  	_ =	swait.eq [sflag:s15], $0x1  }
0x94: {  	[sflag:s15] =	ssyncset.done $0x0  }
0x95: {  	[sflag:s15] =	ssyncadd.s32 $0xFFFFFFFF  }
0x96: {  	s16 =	sld [smem:$0x10];
	(tm) =	ssettm $0x1  }
0x97: {  	s17 =	sld [smem:$0x3FFB];
	_ =	sdelay $0x3  }
0x98: {  	_ =	strace s17  }
0x99: {  	s3 =	sld [smem:$0x3FFC];
	_ =	sdelay $0x3  }
0x9a: {  	_ =	strace s3  }
0x9b: {  	s3 =	sld [smem:$0x3FFD];
	_ =	sdelay $0x3  }
0x9c: {  	_ =	strace s3  }
0x9d: {  	_ =	strace $0x8FFFFFFF  }
0x9e: {  	s18 =	sld [smem:$0x3FDB];
	_ =	sdelay $0x1  }
0x9f: {  	s19 =	simm.s32 $_scs_section_size  }
0xa0: {  	s5 =	simm.s32 $_size__tile_overlayer_lowered;
	s6 =	simm.s32 $_tile_overlayer_lowered  }
0xa1: {  	s22 =	simm.s32 $0x1BFF;
	s21 =	sshll.u32 s6, $0x1;
	s3 =	sadd.s32 s19, s18  }
0xa2: {  	s7 =	simm.s32 $0x0;
	s20 =	sshll.u32 s5, $0x1;
	s5 =	sadd.s32 s21, s3  }
0xa3: {  	[timem:s7], [sflag:s22] =	dma.local [hbm:s5], s20  }
0xa4: {  	_ =	swait.ge [sflag:s22], s20  }
0xa5: {  	s4 =	ssub.s32 $0x0, s20;
	[sflag:s22] =	ssyncset.done $0x0  }
0xa6: {  	[sflag:s22] =	ssyncadd.s32 s4;
	_ =	sdelay $0x1  }
0xa7: {  	s23 =	simm.s32 $0x1B8B  }
0xa8: {  	_ =	swait.ge [sflag:s23], $0x1  }
0xa9: {  	[sflag:s23] =	ssyncset.done $0x0  }
0xaa: {  	s25 =	simm.s32 $0x1B8E;
	s24 =	sld [smem:$0x3FFE];
	[sflag:s23] =	ssyncadd.s32 $0xFFFFFFFF  }
0xab: {  	s26 =	simm.s32 $execute0_lowered;
	[smem:$0x3FD2] =	sst s25  }
0xac: {  	s5 =	sshll.u32 s26, $0x1;
	_ =	strace $0x80000046;
	[dreg:$0x1] =	wrdreg $0xFFFFFFFF  }
0xad: {  	s28 =	simm.s32 $_size_execute0_lowered;
	s3 =	sadd.s32 s3, s5;
	[dreg:$0x0] =	wrdreg $0x0  }
0xae: {  	s5 =	sshll.u32 s28, $0x1;
	[dreg:$0x2] =	wrdreg s3  }
0xaf: {  	[dreg:$0x3] =	wrdreg s5  }
0xb0: {  	[dreg:$0x4] =	wrdreg $0xC0  }
0xb1: {  	_ =	task [dreg:s7], $0x5FFFF  }
0xb2: {  	[dreg:$0x1] =	wrdreg $0xFFFFFFFF  }
0xb3: {  	[dreg:$0x0] =	wrdreg $0x60  }
0xb4: {  	[dreg:$0x2] =	wrdreg s24  }
0xb5: {  	[dreg:$0x3] =	wrdreg s16  }
0xb6: {  	[dreg:$0x4] =	wrdreg $0x1000  }
0xb7: {  	[dreg:$0x5] =	wrdreg $0x9  }
0xb8: {  	_ =	task.clear_ibuf [dreg:s7], $0x6FFFF;
	_ =	strace $0x90000046  }
0xb9: {  	s29 =	simm.s32 $0x9;
	_ =	strace $0x80000048  }
0xba: {  	_ =	swait.ge [sflag:s29], $0x1  }
0xbb: {  	[sflag:s29] =	ssyncadd.s32 $0xFFFFFFFF  }
0xbc: {  	_ =	strace $0x90000048  }
0xbd: {  	_ =	sfence  }
0xbe: {  	s30 =	sld [smem:$0x0];
	_ =	sdelay $0x2  }
0xbf: {  	s31 =	sshll.u32 s1, $0xD;
	s1 =	sshrl.u32 s1, $0x2  }
0xc0: {  	s3 =	sand.u32 $0x4000, s31;
	s1 =	sadd.s32 s1, s30  }
0xc1: {  	s0 =	sor.u32 s3, s0;
	s1 =	sshll.u32 s1, $0x11  }
0xc2: {  	s0 =	sor.u32 s1, s0  }
0xc3: {  	s0 =	sadd.s32 $0x8F2B, s0  }
0xc4: {  	[sflag:s0] =	ssyncadd.remote.s32 $0x1  }
0xc5: {  	_ =	sfence.sel $0xFFFF  }
0xc6: {  	[dreg:$0x0] =	wrdreg $0xFFFFFFFF;
	(pc) =	sbr.abs _section_cstart, $3  }
0xc7: {  	[dreg:$0x1] =	wrdreg $0xFFFFFFFF  }
0xc8: {  	_ =	task.clear_ibuf [dreg:s7], $0x2FFFF;
	_ =	strace $0x9FFFFFFF  }
0xc9: {  	(tm) =	ssettm $0x7FFFFFFF  }
tec
execute0_lowered:
.L_overlay_start_1:
0x0: {  	(tag) =	ssettag $0x1  }
0x1: {  	s5 =	rddreg [dreg:$0x0]  }
0x2: {  	s7 =	rddreg [dreg:$0x1]  }
0x3: {  	s0 =	srdreg.scid;
	s1 =	rddreg [dreg:$0x2]  }
0x4: {  	s2 =	simm.s32 $0x0;
	s6 =	sand.u32 $0x1, s0;
	s0 =	rddreg [dreg:$0x3]  }
0x5: {  	[smem:$0x7FF] =	sst s2;
	s4 =	sadd.s32 $0x11600, s5  }
0x6: {  	s11 =	sadd.s32 $0x11800, s5;
	s3 =	smul.u32 $0x5100, s6;
	s9 =	ssub.s32 $0x2, s6  }
0x7: {  	_ =	strace $0x80000047;
	p0 =	seq.s32 s6, $0x1;
	s10 =	sshrl.u32 s9, $0x1  }
0x8: {  	s7 =	smov.u32 @p0 s11;
	s8 =	sadd.s32 s3, s5;
	s3 =	stileid.u32  }
0x9: {  	s11 =	simm.s32 $0x80;
	s9 =	ssub.s32 s9, s10;
	s30 =	smul.u32 $0x280, s3  }
0xa: {  	s31 =	sshll.u32 s3, $0x6;
	s12 =	smul.u32 $0x510, s3;
	s6 =	smax.u32 s9, $0x1  }
0xb: {  	s5 =	sor.u32 $0x1C01, s31;
	s13 =	sadd.s32 s30, s1;
	s10 =	sshrl.u32 s30, $0x3  }
0xc: {  	s8 =	sadd.s32 s12, s8;
	s12 =	simm.s32 $0x0;
	s7 =	sadd.s32 s7, s10  }
0xd: {  	v0 =	vimm.f32 $1.000000000e+00;
	s8 =	sadd.s32 $0x7400, s8;
	s9 =	sshrl.u32 s13, $0x3;
	s10 =	simm.s32 $0x1  }
.LBB2_1:
0xe: {  	[spmem:s9], [sflag:s5] =	dma.local [hbm:s4], $0x50  }
0xf: {  	_ =	swait.ge [sflag:s10], $0x50  }
0x10: {  	[sflag:s10] =	ssyncset.done $0x0  }
0x11: {  	[sflag:s10] =	ssyncadd.s32 $0xFFFFFFB0  }
0x12: {  	[tilespmem:$0x80] =	vst v0  }
0x13: {  	[tilespmem:$0x90] =	vst v0  }
0x14: {  	[tilespmem:$0xA0] =	vst v0  }
0x15: {  	[tilespmem:$0xB0] =	vst v0  }
0x16: {  	[tilespmem:$0xC0] =	vst v0  }
0x17: {  	[tilespmem:$0xD0] =	vst v0  }
0x18: {  	[tilespmem:$0xE0] =	vst v0  }
0x19: {  	[tilespmem:$0xF0] =	vst v0  }
0x1a: {  	s13 =	sadd.s32 $0x0, s8;
	[bflag:$0x0] =	sbarrier.arrive $0xFFFF  }
0x1b: {  	[tilespmem:s2], [sflag:$0x1] =	stream.linear.gather [hbm4b:s13+s2], $0x80, $0x38;
	[tilespmem:$0x380] =	vst v63  }
0x1c: {  	_ =	swait.ge [sflag:s10], $0x80  }
0x1d: {  	[sflag:s10] =	ssyncset.done $0x0  }
0x1e: {  	[sflag:s10] =	ssyncadd.s32 $0xFFFFFF80  }
0x1f: {  	[spmem:s1] =	stream.indirect.scatter.add.f32 [tilespmem:s11], [sflag:$0x1], $0x1, s2, s11, $0xb8;
	[tilespmem:$0x380] =	vst v63  }
0x20: {  	_ =	swait.ge [sflag:s10], $0x80  }
0x21: {  	s14 =	simm.s32 $0x20;
	s13 =	simm.s32 $0x10;
	[sflag:s10] =	ssyncset.done $0x0  }
.LBB2_2:
0x22: {  	s15 =	sadd.s32 s13, s8  }
0x23: {  	[sflag:s10] =	ssyncadd.s32 $0xFFFFFF80;
	s13 =	smov.u32 s14;
	s16 =	sadd.s32 $0x10, s14  }
0x24: {  	[tilespmem:s2], [sflag:$0x1] =	stream.linear.gather [hbm4b:s15+s2], $0x80, $0x38;
	[tilespmem:$0x380] =	vst v63  }
0x25: {  	p0 =	sne.s32 s14, $0x500;
	_ =	swait.ge [sflag:s10], $0x80  }
.Ltmp0:
0x26: {  	[sflag:s10] =	ssyncset.done $0x0;
	(pc) =	sbr.rel @p0 .LBB2_2-.Ltmp0, $4  }
0x27: {  	[sflag:s10] =	ssyncadd.s32 $0xFFFFFF80  }
0x28: {  	[spmem:s1] =	stream.indirect.scatter.add.f32 [tilespmem:s11], [sflag:$0x1], $0x1, s2, s11, $0xb8;
	[tilespmem:$0x380] =	vst v63  }
0x29: {  	_ =	swait.ge [sflag:s10], $0x80  }
0x2a: {  	s14 =	smov.u32 s16;
	[sflag:s10] =	ssyncset.done $0x0  }
0x2b: {  	s13 =	sadd.s32 s13, s8;
	[sflag:s10] =	ssyncadd.s32 $0xFFFFFF80  }
0x2c: {  	[tilespmem:s2], [sflag:$0x1] =	stream.linear.gather [hbm4b:s13+s2], $0x80, $0x38;
	[tilespmem:$0x380] =	vst v63  }
0x2d: {  	_ =	swait.ge [sflag:s10], $0x80  }
0x2e: {  	[sflag:s10] =	ssyncset.done $0x0  }
0x2f: {  	[sflag:s10] =	ssyncadd.s32 $0xFFFFFF80  }
0x30: {  	[spmem:s1] =	stream.indirect.scatter.add.f32 [tilespmem:s11], [sflag:$0x1], $0x1, s2, s11, $0xb8;
	[tilespmem:$0x380] =	vst v63  }
0x31: {  	_ =	swait.ge [sflag:s10], $0x80  }
0x32: {  	s12 =	sadd.s32 $0x1, s12;
	[sflag:s10] =	ssyncset.done $0x0  }
0x33: {  	p0 =	sne.s32 s12, s6;
	[sflag:s10] =	ssyncadd.s32 $0xFFFFFF80  }
.Ltmp1:
0x34: {  	[bflag:$0x0] =	sbarrier.arrive $0xFFFF;
	(pc) =	sbr.rel @p0 .LBB2_1-.Ltmp1, $4  }
0x35: {  	[hbm:s7], [sflag:s5] =	dma.local [spmem:s9], $0x50  }
0x36: {  	_ =	swait.ge [sflag:s10], $0x50  }
0x37: {  	[sflag:s10] =	ssyncset.done $0x0  }
0x38: {  	[sflag:s10] =	ssyncadd.s32 $0xFFFFFFB0  }
0x39: {  	_ =	sfence.sel $0x180000  }
0x3a: {  	[bflag:$0x0] =	sbarrier.arrive $0xFFFF  }
0x3b: {  	p0 =	sne.s32 s3, $0x0;
	_ =	strace $0x90000047  }
0x3c: {  	s0 =	sadd.s32 @!p0 $0x100000, s0;
	[bflag:$0x2] =	sbarrier.arrive $0xFFFF  }
0x3d: {  	[sflag:s0] =	ssyncadd.tile.s32 @!p0 $0x1;
	_ =	shalt  }
.Lfunc_end2:
_tile_overlayer_lowered:
.L_overlay_start_2:
0x3e: {  	(tag) =	ssettag $0x2  }
0x3f: {  	s0 =	rddreg [dreg:$0x0];
	s2 =	stileid.u32  }
0x40: {  	s1 =	rddreg [dreg:$0x1];
	p0 =	sne.s32 s2, $0x0  }
0x41: {  	s3 =	rddreg [dreg:$0x2];
	[bflag:$0x3] =	sbarrier.arrive $0xFFFF;
	s2 =	simm.s32 @!p0 $0x1C01  }
0x42: {  	[timem:s3], [sflag:s2] =	dma.local @!p0 [hbm:s0], s1  }
0x43: {  	s0 =	simm.s32 @!p0 $0x1  }
0x44: {  	_ =	swait.ge @!p0 [sflag:s0], s1  }
0x45: {  	s1 =	ssub.s32 @!p0 $0x0, s1;
	[sflag:s0] =	ssyncset.done @!p0 $0x0  }
0x46: {  	[sflag:s0] =	ssyncadd.s32 @!p0 s1  }
0x47: {  	[bflag:$0x3] =	sbarrier.arrive $0xFFFF  }
0x48: {  	_ =	shalt  }

// kernel: kernel.16.cloned.1.call-start
scs
__scs_entry_jumppad:
0x0: {  	(pc) =	sbr.rel $0x88, $3  }
0x1: {  	(tag) =	ssettag $0x0;
	lr =	simm.s32 $0x1  }
0x2: {  	[smem:$0x3F91] =	sst lr;
	_ =	strace $0xD0000000  }
0x3: {  	_ = 	snop  }
0x4: {  	_ = 	snop  }
0x5: {  	_ = 	snop  }
0x6: {  	_ = 	snop  }
0x7: {  	_ = 	snop  }
__scs_overlays_trampoline_lowered:
0x8: {  	[smem:$0x3FA0] =	sst s0  }
0x9: {  	[smem:$0x3FA1] =	sst s1  }
0xa: {  	[smem:$0x3FA2] =	sst s2  }
0xb: {  	[smem:$0x3FA3] =	sst s3  }
0xc: {  	[smem:$0x3FA4] =	sst s4  }
0xd: {  	[smem:$0x3FA5] =	sst s5  }
0xe: {  	[smem:$0x3FA6] =	sst s6  }
0xf: {  	[smem:$0x3FA7] =	sst s7  }
0x10: {  	[smem:$0x3FA8] =	sst s8  }
0x11: {  	[smem:$0x3FA9] =	sst s9;
	s0 =	simm.s32 @!p0 $0x0  }
0x12: {  	s1 =	sld [smem:$0x3F8F];
	s0 =	simm.s32 @p0 $0x1  }
0x13: {  	[smem:$0x3FAA] =	sst s0;
	s0 =	simm.s32 @!p1 $0x0  }
0x14: {  	s2 =	sld [smem:$0x3F8E];
	s0 =	simm.s32 @p1 $0x1  }
0x15: {  	[smem:$0x3FAB] =	sst s0;
	s0 =	simm.s32 @!p2 $0x0  }
0x16: {  	s3 =	sld [smem:$0x3FDB];
	s0 =	simm.s32 @p2 $0x1  }
0x17: {  	s4 =	simm.s32 $0x1BF5;
	[smem:$0x3FAD] =	sst s0  }
0x18: {  	s0 =	sld [smem:$0x3F90];
	_ =	swait.ge [sflag:s4], $0x0  }
0x19: {  	s7 =	sld [smem:$0x3F91]  }
0x1a: {  	s8 =	sadd.s32 $0xFFFFE003, lr  }
0x1b: {  	s9 =	sadd.s32 $0xFFFFFEF7, lr;
	s5 =	simm.s32 $0xFFFFFFFF;
	p2 =	slt.u32 s8, $0xFFFFF086  }
0x1c: {  	p1 =	slt.u32 s9, $0xF7A;
	s5 =	simm.s32 @!p2 $0x0  }
0x1d: {  	s5 =	simm.s32 @p1 $0x1;
	p0 =	seq.s32 s7, s2  }
0x1e: {  	s7 =	smul.u32 @!p0 $0xF7A, s2;
	p2 =	seq.s32 @!p0 s5, $0x0  }
0x1f: {  	s9 =	smul.u32 $0xF7A, s1;
	s8 =	simm.s32 @!p0 $0x1BF5;
	p2 =	por !p2, p0  }
0x20: {  	[sflag:s8] =	ssyncset.s32 @!p0 $0xFFFFF086;
	s6 =	sadd.s32 @!p0 s3, s7;
	s7 =	simm.s32 @!p0 $0x108  }
0x21: {  	s3 =	sadd.s32 s3, s9;
	s6 =	sadd.s32 @!p0 $0x88, s6;
	s7 =	simm.s32 @p2 $0x1082  }
0x22: {  	[simem:s7], [sflag:s8] =	dma.local @!p0 [hbm:s6], $0xF7A  }
0x23: {  	s9 =	sor.u32 $0xD0000000, s2;
	s6 =	simm.s32 $0x108;
	_ =	swait.ge @!p0 [sflag:s8], $0x0  }
0x24: {  	s3 =	sadd.s32 $0x88, s3;
	s6 =	simm.s32 @!p1 $0x1082;
	[sflag:s4] =	ssyncset.s32 $0xFFFFF086  }
0x25: {  	[simem:s6], [sflag:s4] =	dma.local [hbm:s3], $0xF7A  }
0x26: {  	[smem:$0x3F91] =	sst s1;
	(tag) =	ssettag s2;
	_ =	strace s9  }
0x27: {  	s1 =	sld [smem:$0x3FA1]  }
0x28: {  	s2 =	sld [smem:$0x3FA2]  }
0x29: {  	s4 =	sld [smem:$0x3FA4]  }
0x2a: {  	p0 =	seq.s32 s5, $0x0;
	s5 =	sld [smem:$0x3FA5]  }
0x2b: {  	s6 =	sld [smem:$0x3FA6]  }
0x2c: {  	s7 =	sld [smem:$0x3FA7]  }
0x2d: {  	s3 =	simm.s32 $0x108;
	s8 =	sld [smem:$0x3FA8]  }
0x2e: {  	s3 =	simm.s32 @!p0 $0x1082;
	s9 =	sld [smem:$0x3FA9]  }
0x2f: {  	lr =	sadd.s32 s0, s3;
	s0 =	sld [smem:$0x3FA0]  }
0x30: {  	s3 =	sld [smem:$0x3FA3]  }
0x31: {  	[smem:$0x3FAC] =	sst s10  }
0x32: {  	s10 =	sld [smem:$0x3FAA];
	_ =	sdelay $0x3  }
0x33: {  	p0 =	seq.s32 s10, $0x1;
	s10 =	sld [smem:$0x3FAC];
	_ =	sdelay $0x3  }
0x34: {  	[smem:$0x3FAC] =	sst s10  }
0x35: {  	s10 =	sld [smem:$0x3FAB];
	_ =	sdelay $0x3  }
0x36: {  	p1 =	seq.s32 s10, $0x1;
	s10 =	sld [smem:$0x3FAC];
	_ =	sdelay $0x3  }
0x37: {  	[smem:$0x3FAC] =	sst s10  }
0x38: {  	s10 =	sld [smem:$0x3FAD]  }
0x39: {  	_ = 	snop;
	(pc) =	sbr.ind lr, $3  }
0x3a: {  	_ = 	snop  }
0x3b: {  	_ = 	snop  }
0x3c: {  	p2 =	seq.s32 s10, $0x1;
	s10 =	sld [smem:$0x3FAC]  }
0x3d: {  	_ =	shalt  }
0x3e: {  	_ =	shalt  }
0x3f: {  	_ =	shalt  }
0x40: {  	_ =	shalt  }
0x41: {  	_ =	shalt  }
0x42: {  	_ =	shalt  }
0x43: {  	_ =	shalt  }
0x44: {  	_ =	shalt  }
0x45: {  	_ =	shalt  }
0x46: {  	_ =	shalt  }
0x47: {  	_ =	shalt  }
0x48: {  	_ =	shalt  }
0x49: {  	_ =	shalt  }
0x4a: {  	_ =	shalt  }
0x4b: {  	_ =	shalt  }
0x4c: {  	_ =	shalt  }
0x4d: {  	_ =	shalt  }
0x4e: {  	_ =	shalt  }
0x4f: {  	_ =	shalt  }
0x50: {  	_ =	shalt  }
0x51: {  	_ =	shalt  }
0x52: {  	_ =	shalt  }
0x53: {  	_ =	shalt  }
0x54: {  	_ =	shalt  }
0x55: {  	_ =	shalt  }
0x56: {  	_ =	shalt  }
0x57: {  	_ =	shalt  }
0x58: {  	_ =	shalt  }
0x59: {  	_ =	shalt  }
0x5a: {  	_ =	shalt  }
0x5b: {  	_ =	shalt  }
0x5c: {  	_ =	shalt  }
0x5d: {  	_ =	shalt  }
0x5e: {  	_ =	shalt  }
0x5f: {  	_ =	shalt  }
0x60: {  	_ =	shalt  }
0x61: {  	_ =	shalt  }
0x62: {  	_ =	shalt  }
0x63: {  	_ =	shalt  }
0x64: {  	_ =	shalt  }
0x65: {  	_ =	shalt  }
0x66: {  	_ =	shalt  }
0x67: {  	_ =	shalt  }
0x68: {  	_ =	shalt  }
0x69: {  	_ =	shalt  }
0x6a: {  	_ =	shalt  }
0x6b: {  	_ =	shalt  }
0x6c: {  	_ =	shalt  }
0x6d: {  	_ =	shalt  }
0x6e: {  	_ =	shalt  }
0x6f: {  	_ =	shalt  }
0x70: {  	_ =	shalt  }
0x71: {  	_ =	shalt  }
0x72: {  	_ =	shalt  }
0x73: {  	_ =	shalt  }
0x74: {  	_ =	shalt  }
0x75: {  	_ =	shalt  }
0x76: {  	_ =	shalt  }
0x77: {  	_ =	shalt  }
0x78: {  	_ =	shalt  }
0x79: {  	_ =	shalt  }
0x7a: {  	_ =	shalt  }
0x7b: {  	_ =	shalt  }
0x7c: {  	_ =	shalt  }
0x7d: {  	_ =	shalt  }
0x7e: {  	_ =	shalt  }
0x7f: {  	_ =	shalt  }
0x80: {  	_ =	shalt  }
0x81: {  	_ =	shalt  }
0x82: {  	_ =	shalt  }
0x83: {  	_ =	shalt  }
0x84: {  	_ =	shalt  }
0x85: {  	_ =	shalt  }
0x86: {  	_ =	shalt  }
0x87: {  	_ =	shalt  }
.Lfunc_end0:
.L_simem_size_0:
called_computation.1_lowered:
.L_overlay_start_0:
0x88: {  	s2 =	sld [smem:$0x3FD9]  }
0x89: {  	s3 =	sld [smem:$0x3FFE];
	_ =	sdelay $0x1  }
0x8a: {  	s1 =	srdreg.scid  }
0x8b: {  	s0 =	sand.u32 $0x1, s1  }
0x8c: {  	s14 =	sshll.u32 s0, $0xA;
	s2 =	sadd.s32 s3, s2  }
0x8d: {  	s2 =	sadd.s32 s2, s14  }
0x8e: {  	[smem:$0x3FB8] =	sst s2  }
0x8f: {  	_ = 	snop  }
0x90: {  	s2 =	sld [smem:$0x3FD0];
	_ =	sdelay $0x2  }
0x91: {  	s15 =	simm.s32 $0xA;
	s4 =	simm.s32 $0x10  }
0x92: {  	[smem:s4], [sflag:s15] =	dma.local [hbm:s2], $0x1  }
0x93: {  	_ =	swait.eq [sflag:s15], $0x1  }
0x94: {  	[sflag:s15] =	ssyncset.done $0x0  }
0x95: {  	s16 =	sld [smem:$0x10];
	[sflag:s15] =	ssyncadd.s32 $0xFFFFFFFF  }
0x96: {  	s17 =	sld [smem:$0x11];
	(tm) =	ssettm $0x1  }
0x97: {  	s18 =	sld [smem:$0x3FFB];
	_ =	sdelay $0x3  }
0x98: {  	_ =	strace s18  }
0x99: {  	s4 =	sld [smem:$0x3FFC];
	_ =	sdelay $0x3  }
0x9a: {  	_ =	strace s4  }
0x9b: {  	s4 =	sld [smem:$0x3FFD];
	_ =	sdelay $0x3  }
0x9c: {  	_ =	strace s4  }
0x9d: {  	_ =	strace $0x8FFFFFFF  }
0x9e: {  	s19 =	sld [smem:$0x3FDB];
	_ =	sdelay $0x1  }
0x9f: {  	s5 =	simm.s32 $_scs_section_size  }
0xa0: {  	s6 =	simm.s32 $_size__tile_overlayer_lowered;
	s7 =	simm.s32 $_tile_overlayer_lowered  }
0xa1: {  	s22 =	simm.s32 $0x1BFF;
	s21 =	sshll.u32 s7, $0x1;
	s4 =	sadd.s32 s5, s19  }
0xa2: {  	s8 =	simm.s32 $0x0;
	s20 =	sshll.u32 s6, $0x1;
	s6 =	sadd.s32 s21, s4  }
0xa3: {  	[timem:s8], [sflag:s22] =	dma.local [hbm:s6], s20  }
0xa4: {  	_ =	swait.ge [sflag:s22], s20  }
0xa5: {  	s5 =	ssub.s32 $0x0, s20;
	[sflag:s22] =	ssyncset.done $0x0  }
0xa6: {  	[sflag:s22] =	ssyncadd.s32 s5;
	_ =	sdelay $0x1  }
0xa7: {  	s23 =	simm.s32 $0x1B8B  }
0xa8: {  	_ =	swait.ge [sflag:s23], $0x1  }
0xa9: {  	[sflag:s23] =	ssyncset.done $0x0  }
0xaa: {  	s25 =	simm.s32 $0x1B8E;
	s24 =	sld [smem:$0x3FFE];
	[sflag:s23] =	ssyncadd.s32 $0xFFFFFFFF  }
0xab: {  	s26 =	simm.s32 $execute0_lowered;
	[smem:$0x3FD2] =	sst s25  }
0xac: {  	s6 =	sshll.u32 s26, $0x1;
	_ =	strace $0x80000049;
	[dreg:$0x1] =	wrdreg $0xFFFFFFFF  }
0xad: {  	s28 =	simm.s32 $_size_execute0_lowered;
	s4 =	sadd.s32 s4, s6;
	[dreg:$0x0] =	wrdreg $0x0  }
0xae: {  	s6 =	sshll.u32 s28, $0x1;
	[dreg:$0x2] =	wrdreg s4  }
0xaf: {  	[dreg:$0x3] =	wrdreg s6  }
0xb0: {  	[dreg:$0x4] =	wrdreg $0xC0  }
0xb1: {  	_ =	task [dreg:s8], $0x5FFFF  }
0xb2: {  	[dreg:$0x1] =	wrdreg $0xFFFFFFFF  }
0xb3: {  	[dreg:$0x0] =	wrdreg $0x60  }
0xb4: {  	[dreg:$0x2] =	wrdreg s17  }
0xb5: {  	[dreg:$0x3] =	wrdreg s24  }
0xb6: {  	[dreg:$0x4] =	wrdreg s16  }
0xb7: {  	[dreg:$0x5] =	wrdreg $0x41000  }
0xb8: {  	[dreg:$0x6] =	wrdreg $0x9  }
0xb9: {  	_ =	task.clear_ibuf [dreg:s8], $0x7FFFF;
	_ =	strace $0x90000049  }
0xba: {  	s29 =	simm.s32 $0x9;
	_ =	strace $0x8000004B  }
0xbb: {  	_ =	swait.ge [sflag:s29], $0x1  }
0xbc: {  	[sflag:s29] =	ssyncadd.s32 $0xFFFFFFFF  }
0xbd: {  	_ =	strace $0x9000004B  }
0xbe: {  	_ =	sfence  }
0xbf: {  	s30 =	sld [smem:$0x0];
	_ =	sdelay $0x2  }
0xc0: {  	s31 =	sshll.u32 s1, $0xD;
	s1 =	sshrl.u32 s1, $0x2  }
0xc1: {  	s3 =	sand.u32 $0x4000, s31;
	s1 =	sadd.s32 s1, s30  }
0xc2: {  	s0 =	sor.u32 s3, s0;
	s1 =	sshll.u32 s1, $0x11  }
0xc3: {  	s0 =	sor.u32 s1, s0  }
0xc4: {  	s0 =	sadd.s32 $0x8F2B, s0  }
0xc5: {  	[sflag:s0] =	ssyncadd.remote.s32 $0x1  }
0xc6: {  	_ =	sfence.sel $0xFFFF  }
0xc7: {  	[dreg:$0x0] =	wrdreg $0xFFFFFFFF;
	(pc) =	sbr.abs _section_cstart, $3  }
0xc8: {  	[dreg:$0x1] =	wrdreg $0xFFFFFFFF  }
0xc9: {  	_ =	task.clear_ibuf [dreg:s8], $0x2FFFF;
	_ =	strace $0x9FFFFFFF  }
0xca: {  	(tm) =	ssettm $0x7FFFFFFF  }
0xcb: {  	_ =	shalt  }
tec
execute0_lowered:
.L_overlay_start_1:
0x0: {  	(tag) =	ssettag $0x1  }
0x1: {  	s8 =	rddreg [dreg:$0x0]  }
0x2: {  	s9 =	rddreg [dreg:$0x1]  }
0x3: {  	s1 =	rddreg [dreg:$0x2]  }
0x4: {  	s2 =	rddreg [dreg:$0x3];
	s4 =	srdreg.scid  }
0x5: {  	s0 =	rddreg [dreg:$0x4];
	s7 =	sand.u32 $0x1, s4  }
0x6: {  	s3 =	simm.s32 $0x0;
	s4 =	stileid.u32;
	s10 =	smul.u32 $0x5100, s7  }
0x7: {  	[smem:$0x7FF] =	sst s3;
	s5 =	sadd.s32 $0x11800, s9;
	s6 =	smul.u32 $0x50000, s4  }
0x8: {  	_ =	strace $0x8000004A;
	s12 =	ssub.s32 $0x2, s7;
	s15 =	smul.u32 $0x510, s4  }
0x9: {  	s14 =	sshll.u32 s4, $0x6;
	p0 =	seq.s32 s7, $0x1;
	s16 =	smul.u32 $0x2800, s4  }
0xa: {  	s13 =	sshrl.u32 s12, $0x1;
	s11 =	sadd.s32 s10, s9;
	s6 =	sshrl.u32 s6, $0x2  }
0xb: {  	s12 =	ssub.s32 s12, s13;
	s10 =	sadd.s32 s10, s8;
	s13 =	simm.s32 $0x80  }
0xc: {  	s31 =	sadd.s32 s6, s2;
	s6 =	sor.u32 $0x1C02, s14;
	s14 =	simm.s32 $0x3C000  }
0xd: {  	s7 =	smax.u32 s12, $0x1;
	s11 =	sadd.s32 s15, s11;
	s14 =	simm.s32 @!p0 $0x14000  }
0xe: {  	s10 =	sadd.s32 s15, s10;
	s12 =	simm.s32 $0x2;
	s9 =	sadd.s32 s14, s9  }
0xf: {  	s15 =	simm.s32 $0x1;
	s14 =	simm.s32 $0x100;
	s8 =	sadd.s32 s9, s16  }
0x10: {  	s9 =	sadd.s32 $0x7400, s11;
	s11 =	sshrl.u32 s31, $0x3;
	s16 =	simm.s32 $0x0  }
.LBB2_1:
0x11: {  	[spmem:s11], [sflag:s6] =	dma.local [hbm:s5], $0x2800  }
0x12: {  	_ =	swait.ge [sflag:s12], $0x2800  }
0x13: {  	[sflag:s12] =	ssyncset.done $0x0  }
0x14: {  	[sflag:s12] =	ssyncadd.s32 $0xFFFFD800  }
0x15: {  	s17 =	sadd.s32 $0x0, s10;
	[bflag:$0x0] =	sbarrier.arrive $0xFFFF  }
0x16: {  	[tilespmem:s3], [sflag:$0x2] =	stream.linear.gather [hbm4b:s17+s3], $0x80, $0x38;
	[tilespmem:$0x18100] =	vst v63  }
0x17: {  	_ =	swait.ge [sflag:s12], $0x80  }
0x18: {  	[sflag:s12] =	ssyncset.done $0x0  }
0x19: {  	[sflag:s12] =	ssyncadd.s32 $0xFFFFFF80  }
0x1a: {  	[tilespmem:s14], [sflag:$0x1] =	stream.indirect.gather [hbm4b:s1+s13], $0x80, s3, s13, $0xb8;
	[tilespmem:$0x18100] =	vst v63  }
0x1b: {  	s31 =	sadd.s32 $0x0, s9  }
0x1c: {  	[tilespmem:s13], [sflag:$0x2] =	stream.linear.gather [hbm4b:s31+s3], $0x80, $0x38;
	[tilespmem:$0x18100] =	vst v63  }
0x1d: {  	_ =	swait.ge [sflag:s12], $0x80  }
0x1e: {  	[sflag:s12] =	ssyncset.done $0x0  }
0x1f: {  	[sflag:s12] =	ssyncadd.s32 $0xFFFFFF80  }
0x20: {  	_ =	swait.ge [sflag:s15], $0x4000  }
0x21: {  	[sflag:s15] =	ssyncset.done $0x0  }
0x22: {  	[sflag:s15] =	ssyncadd.s32 $0xFFFFC000  }
0x23: {  	[spmem:s2] =	stream.indirect.scatter.add.f32 [tilespmem:s14], [sflag:$0x2], $0x80, s13, s13, $0xb8;
	[tilespmem:$0x18100] =	vst v63  }
0x24: {  	_ =	swait.ge [sflag:s12], $0x4000  }
0x25: {  	s18 =	simm.s32 $0x20;
	s17 =	simm.s32 $0x10;
	[sflag:s12] =	ssyncset.done $0x0  }
.LBB2_2:
0x26: {  	s19 =	sadd.s32 s17, s10  }
0x27: {  	[sflag:s12] =	ssyncadd.s32 $0xFFFFC000;
	s20 =	smov.u32 s18;
	s21 =	sadd.s32 $0x10, s18  }
0x28: {  	[tilespmem:s3], [sflag:$0x2] =	stream.linear.gather [hbm4b:s19+s3], $0x80, $0x38;
	[tilespmem:$0x18100] =	vst v63  }
0x29: {  	p0 =	sne.s32 s18, $0x500;
	_ =	swait.ge [sflag:s12], $0x80  }
0x2a: {  	[sflag:s12] =	ssyncset.done $0x0  }
0x2b: {  	[sflag:s12] =	ssyncadd.s32 $0xFFFFFF80  }
0x2c: {  	[tilespmem:s14], [sflag:$0x1] =	stream.indirect.gather [hbm4b:s1+s13], $0x80, s3, s13, $0xb8;
	[tilespmem:$0x18100] =	vst v63  }
0x2d: {  	s18 =	sadd.s32 s17, s9;
	s17 =	smov.u32 s20  }
0x2e: {  	[tilespmem:s13], [sflag:$0x2] =	stream.linear.gather [hbm4b:s18+s3], $0x80, $0x38;
	[tilespmem:$0x18100] =	vst v63  }
0x2f: {  	_ =	swait.ge [sflag:s12], $0x80  }
0x30: {  	[sflag:s12] =	ssyncset.done $0x0  }
0x31: {  	[sflag:s12] =	ssyncadd.s32 $0xFFFFFF80  }
0x32: {  	_ =	swait.ge [sflag:s15], $0x4000  }
.Ltmp0:
0x33: {  	[sflag:s15] =	ssyncset.done $0x0;
	(pc) =	sbr.rel @p0 .LBB2_2-.Ltmp0, $4  }
0x34: {  	[sflag:s15] =	ssyncadd.s32 $0xFFFFC000  }
0x35: {  	[spmem:s2] =	stream.indirect.scatter.add.f32 [tilespmem:s14], [sflag:$0x2], $0x80, s13, s13, $0xb8;
	[tilespmem:$0x18100] =	vst v63  }
0x36: {  	_ =	swait.ge [sflag:s12], $0x4000  }
0x37: {  	s18 =	smov.u32 s21;
	[sflag:s12] =	ssyncset.done $0x0  }
0x38: {  	s18 =	sadd.s32 s17, s10;
	[sflag:s12] =	ssyncadd.s32 $0xFFFFC000  }
0x39: {  	[tilespmem:s3], [sflag:$0x2] =	stream.linear.gather [hbm4b:s18+s3], $0x80, $0x38;
	[tilespmem:$0x18100] =	vst v63  }
0x3a: {  	_ =	swait.ge [sflag:s12], $0x80  }
0x3b: {  	[sflag:s12] =	ssyncset.done $0x0  }
0x3c: {  	[sflag:s12] =	ssyncadd.s32 $0xFFFFFF80  }
0x3d: {  	[tilespmem:s14], [sflag:$0x1] =	stream.indirect.gather [hbm4b:s1+s13], $0x80, s3, s13, $0xb8;
	[tilespmem:$0x18100] =	vst v63  }
0x3e: {  	s31 =	sadd.s32 s17, s9  }
0x3f: {  	[tilespmem:s13], [sflag:$0x2] =	stream.linear.gather [hbm4b:s31+s3], $0x80, $0x38;
	[tilespmem:$0x18100] =	vst v63  }
0x40: {  	_ =	swait.ge [sflag:s12], $0x80  }
0x41: {  	[sflag:s12] =	ssyncset.done $0x0  }
0x42: {  	[sflag:s12] =	ssyncadd.s32 $0xFFFFFF80  }
0x43: {  	_ =	swait.ge [sflag:s15], $0x4000  }
0x44: {  	[sflag:s15] =	ssyncset.done $0x0  }
0x45: {  	[sflag:s15] =	ssyncadd.s32 $0xFFFFC000  }
0x46: {  	[spmem:s2] =	stream.indirect.scatter.add.f32 [tilespmem:s14], [sflag:$0x2], $0x80, s13, s13, $0xb8;
	[tilespmem:$0x18100] =	vst v63  }
0x47: {  	_ =	swait.ge [sflag:s12], $0x4000  }
0x48: {  	s16 =	sadd.s32 $0x1, s16;
	[sflag:s12] =	ssyncset.done $0x0  }
0x49: {  	p0 =	sne.s32 s16, s7;
	[sflag:s12] =	ssyncadd.s32 $0xFFFFC000  }
.Ltmp1:
0x4a: {  	[bflag:$0x0] =	sbarrier.arrive $0xFFFF;
	(pc) =	sbr.rel @p0 .LBB2_1-.Ltmp1, $4  }
0x4b: {  	[hbm:s8], [sflag:s6] =	dma.local [spmem:s11], $0x2800  }
0x4c: {  	_ =	swait.ge [sflag:s12], $0x2800  }
0x4d: {  	[sflag:s12] =	ssyncset.done $0x0  }
0x4e: {  	[sflag:s12] =	ssyncadd.s32 $0xFFFFD800  }
0x4f: {  	_ =	sfence.sel $0x180000  }
0x50: {  	[bflag:$0x0] =	sbarrier.arrive $0xFFFF  }
0x51: {  	p0 =	sne.s32 s4, $0x0;
	_ =	strace $0x9000004A  }
0x52: {  	s0 =	sadd.s32 @!p0 $0x100000, s0;
	[bflag:$0x2] =	sbarrier.arrive $0xFFFF  }
0x53: {  	[sflag:s0] =	ssyncadd.tile.s32 @!p0 $0x1;
	_ =	shalt  }
.Lfunc_end2:
_tile_overlayer_lowered:
.L_overlay_start_2:
0x54: {  	(tag) =	ssettag $0x2  }
0x55: {  	s0 =	rddreg [dreg:$0x0];
	s2 =	stileid.u32  }
0x56: {  	s1 =	rddreg [dreg:$0x1];
	p0 =	sne.s32 s2, $0x0  }
0x57: {  	s3 =	rddreg [dreg:$0x2];
	[bflag:$0x3] =	sbarrier.arrive $0xFFFF;
	s2 =	simm.s32 @!p0 $0x1C02  }
0x58: {  	[timem:s3], [sflag:s2] =	dma.local @!p0 [hbm:s0], s1  }
0x59: {  	s0 =	simm.s32 @!p0 $0x2  }
0x5a: {  	_ =	swait.ge @!p0 [sflag:s0], s1  }
0x5b: {  	s1 =	ssub.s32 @!p0 $0x0, s1;
	[sflag:s0] =	ssyncset.done @!p0 $0x0  }
0x5c: {  	[sflag:s0] =	ssyncadd.s32 @!p0 s1  }
0x5d: {  	[bflag:$0x3] =	sbarrier.arrive $0xFFFF  }
0x5e: {  	_ =	shalt  }

// kernel: kernel.19.cloned.1.call-start
scs
__scs_entry_jumppad:
0x0: {  	(pc) =	sbr.rel $0x88, $3  }
0x1: {  	(tag) =	ssettag $0x0;
	lr =	simm.s32 $0x1  }
0x2: {  	[smem:$0x3F91] =	sst lr;
	_ =	strace $0xD0000000  }
0x3: {  	_ = 	snop  }
0x4: {  	_ = 	snop  }
0x5: {  	_ = 	snop  }
0x6: {  	_ = 	snop  }
0x7: {  	_ = 	snop  }
__scs_overlays_trampoline_lowered:
0x8: {  	[smem:$0x3FA0] =	sst s0  }
0x9: {  	[smem:$0x3FA1] =	sst s1  }
0xa: {  	[smem:$0x3FA2] =	sst s2  }
0xb: {  	[smem:$0x3FA3] =	sst s3  }
0xc: {  	[smem:$0x3FA4] =	sst s4  }
0xd: {  	[smem:$0x3FA5] =	sst s5  }
0xe: {  	[smem:$0x3FA6] =	sst s6  }
0xf: {  	[smem:$0x3FA7] =	sst s7  }
0x10: {  	[smem:$0x3FA8] =	sst s8  }
0x11: {  	[smem:$0x3FA9] =	sst s9;
	s0 =	simm.s32 @!p0 $0x0  }
0x12: {  	s1 =	sld [smem:$0x3F8F];
	s0 =	simm.s32 @p0 $0x1  }
0x13: {  	[smem:$0x3FAA] =	sst s0;
	s0 =	simm.s32 @!p1 $0x0  }
0x14: {  	s2 =	sld [smem:$0x3F8E];
	s0 =	simm.s32 @p1 $0x1  }
0x15: {  	[smem:$0x3FAB] =	sst s0;
	s0 =	simm.s32 @!p2 $0x0  }
0x16: {  	s3 =	sld [smem:$0x3FDB];
	s0 =	simm.s32 @p2 $0x1  }
0x17: {  	s4 =	simm.s32 $0x1BF5;
	[smem:$0x3FAD] =	sst s0  }
0x18: {  	s0 =	sld [smem:$0x3F90];
	_ =	swait.ge [sflag:s4], $0x0  }
0x19: {  	s7 =	sld [smem:$0x3F91]  }
0x1a: {  	s8 =	sadd.s32 $0xFFFFE003, lr  }
0x1b: {  	s9 =	sadd.s32 $0xFFFFFEF7, lr;
	s5 =	simm.s32 $0xFFFFFFFF;
	p2 =	slt.u32 s8, $0xFFFFF086  }
0x1c: {  	p1 =	slt.u32 s9, $0xF7A;
	s5 =	simm.s32 @!p2 $0x0  }
0x1d: {  	s5 =	simm.s32 @p1 $0x1;
	p0 =	seq.s32 s7, s2  }
0x1e: {  	s7 =	smul.u32 @!p0 $0xF7A, s2;
	p2 =	seq.s32 @!p0 s5, $0x0  }
0x1f: {  	s9 =	smul.u32 $0xF7A, s1;
	s8 =	simm.s32 @!p0 $0x1BF5;
	p2 =	por !p2, p0  }
0x20: {  	[sflag:s8] =	ssyncset.s32 @!p0 $0xFFFFF086;
	s6 =	sadd.s32 @!p0 s3, s7;
	s7 =	simm.s32 @!p0 $0x108  }
0x21: {  	s3 =	sadd.s32 s3, s9;
	s6 =	sadd.s32 @!p0 $0x88, s6;
	s7 =	simm.s32 @p2 $0x1082  }
0x22: {  	[simem:s7], [sflag:s8] =	dma.local @!p0 [hbm:s6], $0xF7A  }
0x23: {  	s9 =	sor.u32 $0xD0000000, s2;
	s6 =	simm.s32 $0x108;
	_ =	swait.ge @!p0 [sflag:s8], $0x0  }
0x24: {  	s3 =	sadd.s32 $0x88, s3;
	s6 =	simm.s32 @!p1 $0x1082;
	[sflag:s4] =	ssyncset.s32 $0xFFFFF086  }
0x25: {  	[simem:s6], [sflag:s4] =	dma.local [hbm:s3], $0xF7A  }
0x26: {  	[smem:$0x3F91] =	sst s1;
	(tag) =	ssettag s2;
	_ =	strace s9  }
0x27: {  	s1 =	sld [smem:$0x3FA1]  }
0x28: {  	s2 =	sld [smem:$0x3FA2]  }
0x29: {  	s4 =	sld [smem:$0x3FA4]  }
0x2a: {  	p0 =	seq.s32 s5, $0x0;
	s5 =	sld [smem:$0x3FA5]  }
0x2b: {  	s6 =	sld [smem:$0x3FA6]  }
0x2c: {  	s7 =	sld [smem:$0x3FA7]  }
0x2d: {  	s3 =	simm.s32 $0x108;
	s8 =	sld [smem:$0x3FA8]  }
0x2e: {  	s3 =	simm.s32 @!p0 $0x1082;
	s9 =	sld [smem:$0x3FA9]  }
0x2f: {  	lr =	sadd.s32 s0, s3;
	s0 =	sld [smem:$0x3FA0]  }
0x30: {  	s3 =	sld [smem:$0x3FA3]  }
0x31: {  	[smem:$0x3FAC] =	sst s10  }
0x32: {  	s10 =	sld [smem:$0x3FAA];
	_ =	sdelay $0x3  }
0x33: {  	p0 =	seq.s32 s10, $0x1;
	s10 =	sld [smem:$0x3FAC];
	_ =	sdelay $0x3  }
0x34: {  	[smem:$0x3FAC] =	sst s10  }
0x35: {  	s10 =	sld [smem:$0x3FAB];
	_ =	sdelay $0x3  }
0x36: {  	p1 =	seq.s32 s10, $0x1;
	s10 =	sld [smem:$0x3FAC];
	_ =	sdelay $0x3  }
0x37: {  	[smem:$0x3FAC] =	sst s10  }
0x38: {  	s10 =	sld [smem:$0x3FAD]  }
0x39: {  	_ = 	snop;
	(pc) =	sbr.ind lr, $3  }
0x3a: {  	_ = 	snop  }
0x3b: {  	_ = 	snop  }
0x3c: {  	p2 =	seq.s32 s10, $0x1;
	s10 =	sld [smem:$0x3FAC]  }
0x3d: {  	_ =	shalt  }
0x3e: {  	_ =	shalt  }
0x3f: {  	_ =	shalt  }
0x40: {  	_ =	shalt  }
0x41: {  	_ =	shalt  }
0x42: {  	_ =	shalt  }
0x43: {  	_ =	shalt  }
0x44: {  	_ =	shalt  }
0x45: {  	_ =	shalt  }
0x46: {  	_ =	shalt  }
0x47: {  	_ =	shalt  }
0x48: {  	_ =	shalt  }
0x49: {  	_ =	shalt  }
0x4a: {  	_ =	shalt  }
0x4b: {  	_ =	shalt  }
0x4c: {  	_ =	shalt  }
0x4d: {  	_ =	shalt  }
0x4e: {  	_ =	shalt  }
0x4f: {  	_ =	shalt  }
0x50: {  	_ =	shalt  }
0x51: {  	_ =	shalt  }
0x52: {  	_ =	shalt  }
0x53: {  	_ =	shalt  }
0x54: {  	_ =	shalt  }
0x55: {  	_ =	shalt  }
0x56: {  	_ =	shalt  }
0x57: {  	_ =	shalt  }
0x58: {  	_ =	shalt  }
0x59: {  	_ =	shalt  }
0x5a: {  	_ =	shalt  }
0x5b: {  	_ =	shalt  }
0x5c: {  	_ =	shalt  }
0x5d: {  	_ =	shalt  }
0x5e: {  	_ =	shalt  }
0x5f: {  	_ =	shalt  }
0x60: {  	_ =	shalt  }
0x61: {  	_ =	shalt  }
0x62: {  	_ =	shalt  }
0x63: {  	_ =	shalt  }
0x64: {  	_ =	shalt  }
0x65: {  	_ =	shalt  }
0x66: {  	_ =	shalt  }
0x67: {  	_ =	shalt  }
0x68: {  	_ =	shalt  }
0x69: {  	_ =	shalt  }
0x6a: {  	_ =	shalt  }
0x6b: {  	_ =	shalt  }
0x6c: {  	_ =	shalt  }
0x6d: {  	_ =	shalt  }
0x6e: {  	_ =	shalt  }
0x6f: {  	_ =	shalt  }
0x70: {  	_ =	shalt  }
0x71: {  	_ =	shalt  }
0x72: {  	_ =	shalt  }
0x73: {  	_ =	shalt  }
0x74: {  	_ =	shalt  }
0x75: {  	_ =	shalt  }
0x76: {  	_ =	shalt  }
0x77: {  	_ =	shalt  }
0x78: {  	_ =	shalt  }
0x79: {  	_ =	shalt  }
0x7a: {  	_ =	shalt  }
0x7b: {  	_ =	shalt  }
0x7c: {  	_ =	shalt  }
0x7d: {  	_ =	shalt  }
0x7e: {  	_ =	shalt  }
0x7f: {  	_ =	shalt  }
0x80: {  	_ =	shalt  }
0x81: {  	_ =	shalt  }
0x82: {  	_ =	shalt  }
0x83: {  	_ =	shalt  }
0x84: {  	_ =	shalt  }
0x85: {  	_ =	shalt  }
0x86: {  	_ =	shalt  }
0x87: {  	_ =	shalt  }
.Lfunc_end0:
.L_simem_size_0:
called_computation.2_lowered:
.L_overlay_start_0:
0x88: {  	s2 =	sld [smem:$0x3FD9]  }
0x89: {  	s3 =	sld [smem:$0x3FFE];
	_ =	sdelay $0x1  }
0x8a: {  	s1 =	srdreg.scid  }
0x8b: {  	s0 =	sand.u32 $0x1, s1  }
0x8c: {  	s14 =	sshll.u32 s0, $0xA;
	s2 =	sadd.s32 s3, s2  }
0x8d: {  	s2 =	sadd.s32 s2, s14  }
0x8e: {  	[smem:$0x3FB8] =	sst s2  }
0x8f: {  	_ = 	snop  }
0x90: {  	s2 =	sld [smem:$0x3FD0];
	_ =	sdelay $0x2  }
0x91: {  	s15 =	simm.s32 $0xA;
	s4 =	simm.s32 $0x10  }
0x92: {  	[smem:s4], [sflag:s15] =	dma.local [hbm:s2], $0x1  }
0x93: {  	_ =	swait.eq [sflag:s15], $0x1  }
0x94: {  	[sflag:s15] =	ssyncset.done $0x0  }
0x95: {  	s16 =	sld [smem:$0x10];
	[sflag:s15] =	ssyncadd.s32 $0xFFFFFFFF  }
0x96: {  	s17 =	sld [smem:$0x11];
	(tm) =	ssettm $0x1  }
0x97: {  	s18 =	sld [smem:$0x3FFB];
	_ =	sdelay $0x3  }
0x98: {  	_ =	strace s18  }
0x99: {  	s4 =	sld [smem:$0x3FFC];
	_ =	sdelay $0x3  }
0x9a: {  	_ =	strace s4  }
0x9b: {  	s4 =	sld [smem:$0x3FFD];
	_ =	sdelay $0x3  }
0x9c: {  	_ =	strace s4  }
0x9d: {  	_ =	strace $0x8FFFFFFF  }
0x9e: {  	s19 =	sld [smem:$0x3FDB];
	_ =	sdelay $0x1  }
0x9f: {  	s5 =	simm.s32 $_scs_section_size  }
0xa0: {  	s6 =	simm.s32 $_size__tile_overlayer_lowered;
	s7 =	simm.s32 $_tile_overlayer_lowered  }
0xa1: {  	s22 =	simm.s32 $0x1BFF;
	s21 =	sshll.u32 s7, $0x1;
	s4 =	sadd.s32 s5, s19  }
0xa2: {  	s8 =	simm.s32 $0x0;
	s20 =	sshll.u32 s6, $0x1;
	s6 =	sadd.s32 s21, s4  }
0xa3: {  	[timem:s8], [sflag:s22] =	dma.local [hbm:s6], s20  }
0xa4: {  	_ =	swait.ge [sflag:s22], s20  }
0xa5: {  	s5 =	ssub.s32 $0x0, s20;
	[sflag:s22] =	ssyncset.done $0x0  }
0xa6: {  	[sflag:s22] =	ssyncadd.s32 s5;
	_ =	sdelay $0x1  }
0xa7: {  	s23 =	simm.s32 $0x1B8B  }
0xa8: {  	_ =	swait.ge [sflag:s23], $0x1  }
0xa9: {  	[sflag:s23] =	ssyncset.done $0x0  }
0xaa: {  	s25 =	simm.s32 $0x1B8E;
	s24 =	sld [smem:$0x3FFE];
	[sflag:s23] =	ssyncadd.s32 $0xFFFFFFFF  }
0xab: {  	s26 =	simm.s32 $execute0_lowered;
	[smem:$0x3FD2] =	sst s25  }
0xac: {  	s6 =	sshll.u32 s26, $0x1;
	_ =	strace $0x8000004C;
	[dreg:$0x1] =	wrdreg $0xFFFFFFFF  }
0xad: {  	s28 =	simm.s32 $_size_execute0_lowered;
	s4 =	sadd.s32 s4, s6;
	[dreg:$0x0] =	wrdreg $0x0  }
0xae: {  	s6 =	sshll.u32 s28, $0x1;
	[dreg:$0x2] =	wrdreg s4  }
0xaf: {  	[dreg:$0x3] =	wrdreg s6  }
0xb0: {  	[dreg:$0x4] =	wrdreg $0xC0  }
0xb1: {  	_ =	task [dreg:s8], $0x5FFFF  }
0xb2: {  	[dreg:$0x1] =	wrdreg $0xFFFFFFFF  }
0xb3: {  	[dreg:$0x0] =	wrdreg $0x60  }
0xb4: {  	[dreg:$0x2] =	wrdreg s17  }
0xb5: {  	[dreg:$0x3] =	wrdreg s24  }
0xb6: {  	[dreg:$0x4] =	wrdreg s16  }
0xb7: {  	[dreg:$0x5] =	wrdreg $0xB8000  }
0xb8: {  	[dreg:$0x6] =	wrdreg $0x1F8000  }
0xb9: {  	[dreg:$0x7] =	wrdreg $0x9  }
0xba: {  	_ =	task.clear_ibuf [dreg:s8], $0x8FFFF;
	_ =	strace $0x9000004C  }
0xbb: {  	s29 =	simm.s32 $0x9;
	_ =	strace $0x8000004E  }
0xbc: {  	_ =	swait.ge [sflag:s29], $0x1  }
0xbd: {  	[sflag:s29] =	ssyncadd.s32 $0xFFFFFFFF  }
0xbe: {  	_ =	strace $0x9000004E  }
0xbf: {  	_ =	sfence  }
0xc0: {  	s30 =	sld [smem:$0x0];
	_ =	sdelay $0x2  }
0xc1: {  	s31 =	sshll.u32 s1, $0xD;
	s1 =	sshrl.u32 s1, $0x2  }
0xc2: {  	s3 =	sand.u32 $0x4000, s31;
	s1 =	sadd.s32 s1, s30  }
0xc3: {  	s0 =	sor.u32 s3, s0;
	s1 =	sshll.u32 s1, $0x11  }
0xc4: {  	s0 =	sor.u32 s1, s0  }
0xc5: {  	s0 =	sadd.s32 $0x8F2B, s0  }
0xc6: {  	[sflag:s0] =	ssyncadd.remote.s32 $0x1  }
0xc7: {  	_ =	sfence.sel $0xFFFF  }
0xc8: {  	[dreg:$0x0] =	wrdreg $0xFFFFFFFF;
	(pc) =	sbr.abs _section_cstart, $3  }
0xc9: {  	[dreg:$0x1] =	wrdreg $0xFFFFFFFF  }
0xca: {  	_ =	task.clear_ibuf [dreg:s8], $0x2FFFF;
	_ =	strace $0x9FFFFFFF  }
0xcb: {  	(tm) =	ssettm $0x7FFFFFFF  }
tec
execute0_lowered:
.L_overlay_start_1:
0x0: {  	(tag) =	ssettag $0x1  }
0x1: {  	s1 =	rddreg [dreg:$0x0]  }
0x2: {  	s0 =	rddreg [dreg:$0x1]  }
0x3: {  	s2 =	rddreg [dreg:$0x2]  }
0x4: {  	s3 =	rddreg [dreg:$0x3]  }
0x5: {  	s4 =	rddreg [dreg:$0x4];
	s5 =	simm.s32 $0x0;
	s10 =	srdreg.scid  }
0x6: {  	s20 =	stileid.u32;
	s28 =	simm.s32 $0x7700;
	s29 =	simm.s32 $0x1  }
0x7: {  	s30 =	simm.s32 $0xB780;
	s31 =	simm.s32 $0x0;
	[smem:$0x7FF] =	sst s5  }
0x8: {  	s6 =	sadd.s32 $0x7400, s0;
	s7 =	sadd.s32 $0x14000, s0;
	s22 =	sadd.s32 $0x14600, s0  }
0x9: {  	s23 =	sadd.s32 $0x14C00, s0;
	s24 =	sadd.s32 $0x11800, s0;
	s11 =	sadd.s32 $0x11600, s0  }
0xa: {  	s8 =	sadd.s32 $0x3D200, s0;
	_ =	strace $0x8000004D;
	[dreg:$0x6] =	wrdreg s7  }
0xb: {  	s9 =	sadd.s32 $0x65200, s0;
	s14 =	smul.u32 $0x50000, s20;
	[dreg:$0x7] =	wrdreg s22  }
0xc: {  	s10 =	sand.u32 $0x1, s10;
	s16 =	smul.u32 $0x280, s20;
	[dreg:$0x8] =	wrdreg s23  }
0xd: {  	s25 =	sshll.u32 s20, $0x6;
	s17 =	smul.u32 $0x2800, s20;
	[dreg:$0x9] =	wrdreg s24  }
0xe: {  	s7 =	sadd.s32 $0x15200, s0;
	s0 =	sadd.s32 $0x65800, s0;
	s12 =	ssub.s32 $0x2, s10  }
0xf: {  	s13 =	sshll.u32 s10, $0x4;
	s19 =	smul.u32 $0x28800, s10;
	p0 =	seq.s32 s10, $0x1  }
0x10: {  	s22 =	simm.s32 $0x2780;
	s23 =	simm.s32 $0x4F00;
	s24 =	simm.s32 $0x7680  }
0x11: {  	s15 =	sshrl.u32 s12, $0x1;
	s13 =	sor.u32 s20, s13;
	s14 =	sshrl.u32 s14, $0x2  }
0x12: {  	s21 =	sadd.s32 s16, s4;
	s26 =	sshrl.u32 s16, $0x3;
	s20 =	smul.u32 $0x2880, s20  }
0x13: {  	s7 =	smov.u32 @p0 s8;
	s9 =	smov.u32 @p0 s0;
	s12 =	ssub.s32 s12, s15  }
0x14: {  	s13 =	smul.u32 $0x2880, s13;
	s18 =	sadd.s32 s14, s3;
	s14 =	sor.u32 $0x1C02, s25  }
0x15: {  	s16 =	sadd.s32 s7, s17;
	s17 =	sadd.s32 s9, s26;
	s21 =	sshrl.u32 s21, $0x3  }
0x16: {  	s25 =	simm.s32 $0x80;
	s26 =	simm.s32 $0x7780;
	s15 =	smax.u32 s12, $0x1  }
0x17: {  	s0 =	sadd.s32 s20, s19;
	s19 =	sshrl.u32 s18, $0x3;
	s20 =	simm.s32 $0x2  }
.LBB2_1:
0x18: {  	s7 =	rddreg [dreg:$0x9]  }
0x19: {  	[spmem:s19], [sflag:s14] =	dma.local [hbm:s7], $0x2800  }
0x1a: {  	_ =	swait.ge [sflag:s20], $0x2800  }
0x1b: {  	[sflag:s20] =	ssyncset.done $0x0  }
0x1c: {  	[sflag:s20] =	ssyncadd.s32 $0xFFFFD800  }
0x1d: {  	[spmem:s21], [sflag:s14] =	dma.local [hbm:s11], $0x50  }
0x1e: {  	_ =	swait.ge [sflag:s20], $0x50  }
0x1f: {  	[sflag:s20] =	ssyncset.done $0x0  }
0x20: {  	s10 =	rddreg [dreg:$0x6];
	[sflag:s20] =	ssyncadd.s32 $0xFFFFFFB0  }
0x21: {  	[tilespmem:s5], [sflag:$0x2] =	stream.linear.gather [hbm4b:s10+s5], $0x2780, $0x38;
	[tilespmem:$0x1FA80] =	vst v63  }
0x22: {  	_ =	swait.ge [sflag:s20], $0x2780  }
0x23: {  	[sflag:s20] =	ssyncset.done $0x0  }
0x24: {  	s12 =	rddreg [dreg:$0x7];
	[sflag:s20] =	ssyncadd.s32 $0xFFFFD880  }
0x25: {  	[tilespmem:s22], [sflag:$0x2] =	stream.linear.gather [hbm4b:s12+s5], $0x2780, $0x38;
	[tilespmem:$0x1FA80] =	vst v63  }
0x26: {  	_ =	swait.ge [sflag:s20], $0x2780  }
0x27: {  	[sflag:s20] =	ssyncset.done $0x0  }
0x28: {  	s18 =	rddreg [dreg:$0x8];
	[sflag:s20] =	ssyncadd.s32 $0xFFFFD880  }
0x29: {  	[tilespmem:s23], [sflag:$0x2] =	stream.linear.gather [hbm4b:s18+s5], $0x2780, $0x38;
	[tilespmem:$0x1FA80] =	vst v63  }
0x2a: {  	_ =	swait.ge [sflag:s20], $0x2780  }
0x2b: {  	[sflag:s20] =	ssyncset.done $0x0  }
0x2c: {  	[sflag:s20] =	ssyncadd.s32 $0xFFFFD880  }
0x2d: {  	s12 =	simm.s32 $0x0;
	s18 =	smov.u32 s0;
	[bflag:$0x0] =	sbarrier.arrive $0xFFFF  }
.LBB2_2:
0x2e: {  	s7 =	sshll.u32 s12, $0x7  }
0x2f: {  	s7 =	sadd.s32 s13, s7  }
0x30: {  	s7 =	sshrl.u32 s7, $0x3  }
0x31: {  	s9 =	simm.s32 $0x0;
	s8 =	sadd.s32 s1, s7  }
0x32: {  	[tilespmem:s24], [sflag:$0x2] =	stream.linear.gather [hbm4b:s8+s9], $0x80, $0x38;
	[tilespmem:$0x1FA80] =	vst v63  }
0x33: {  	_ =	swait.ge [sflag:s20], $0x80  }
0x34: {  	[sflag:s20] =	ssyncset.done $0x0  }
0x35: {  	[sflag:s20] =	ssyncadd.s32 $0xFFFFFF80  }
0x36: {  	[tilespmem:s26], [sflag:$0x1] =	stream.indirect.gather [hbm4b:s2+s25], $0x80, s24, s25, $0xb8;
	[tilespmem:$0x1FA80] =	vst v63  }
0x37: {  	s7 =	sadd.s32 s6, s7  }
0x38: {  	[tilespmem:s28], [sflag:$0x2] =	stream.linear.gather [hbm4b:s7+s9], $0x80, $0x38;
	[tilespmem:$0x1FA80] =	vst v63  }
0x39: {  	_ =	swait.ge [sflag:s20], $0x80  }
0x3a: {  	[sflag:s20] =	ssyncset.done $0x0  }
0x3b: {  	s10 =	simm.s32 $0x0;
	[sflag:s20] =	ssyncadd.s32 $0xFFFFFF80  }
0x3c: {  	v0 =	vld [tilespmem:s10+$0x7700]  }
0x3d: {  	v1 =	vld [tilespmem:s10+$0x7680];
	_ =	sdelay $0x6  }
0x3e: {  	v2 =	vld.idx.msk [tilespmem:v0+s22+$0x0], $0xffff  }
0x3f: {  	v1 =	vld.idx.msk [tilespmem:v1+s5+$0x0], $0xffff;
	_ =	sdelay $0x4  }
0x40: {  	v0 =	vld.idx.msk [tilespmem:v0+s23+$0x0], $0xffff;
	v1 =	vadd.f32 v2, v1;
	_ =	sdelay $0x1  }
0x41: {  	v2 =	vmul.f32 $2.000000030e-01, v1  }
0x42: {  	vm0 =	vge.f32 v1, $0.0e+00  }
0x43: {  	v1 =	vsel vm0, v1, v2  }
0x44: {  	v0 =	vsub.f32 v1, v0;
	_ =	sdelay $0x1  }
0x45: {  	v0 =	vmul.f32 $1.442695020e+00, v0;
	_ =	sdelay $0x1  }
0x46: {  	(erf) = vpow2.f32 v0;
	_ =	sdelay $0x2  }
0x47: {  	s7 =	simm.s32 $0x10  }
0x48: {  	v0 =	vld [tilespmem:s7+$0x7700]  }
0x49: {  	v1 =	vld [tilespmem:s7+$0x7680];
	_ =	sdelay $0x3  }
0x4a: {  	p0 =	slt.u32 s18, $0x50910;
	v2 =	vpop (erf)  }
0x4b: {  	v2 =	vpsel !p0, $0x0, v2  }
0x4c: {  	[tilespmem:s10+$0xB780] =	vst v2  }
0x4d: {  	v2 =	vld.idx.msk [tilespmem:v0+s22+$0x0], $0xffff  }
0x4e: {  	v1 =	vld.idx.msk [tilespmem:v1+s5+$0x0], $0xffff;
	_ =	sdelay $0x4  }
0x4f: {  	v0 =	vld.idx.msk [tilespmem:v0+s23+$0x0], $0xffff;
	v1 =	vadd.f32 v2, v1;
	_ =	sdelay $0x1  }
0x50: {  	v2 =	vmul.f32 $2.000000030e-01, v1  }
0x51: {  	vm15 =	vge.f32 v1, $0.0e+00  }
0x52: {  	v1 =	vsel vm15, v1, v2  }
0x53: {  	v0 =	vsub.f32 v1, v0;
	_ =	sdelay $0x1  }
0x54: {  	v0 =	vmul.f32 $1.442695020e+00, v0;
	_ =	sdelay $0x1  }
0x55: {  	(erf) = vpow2.f32 v0;
	_ =	sdelay $0x2  }
0x56: {  	s10 =	simm.s32 $0x20  }
0x57: {  	s8 =	smov.u32 s18;
	s9 =	simm.s32 $0xC0;
	v0 =	vld [tilespmem:s10+$0x7700]  }
.LBB2_3:
0x58: {  	p0 =	sne.s32 s9, $0x1C0;
	v1 =	vld [tilespmem:s10+$0x7680];
	_ =	sdelay $0x2  }
0x59: {  	s8 =	sadd.s32 $0x10, s8  }
0x5a: {  	p1 =	slt.u32 s8, $0x50910;
	v2 =	vpop (erf)  }
0x5b: {  	v2 =	vpsel !p1, $0x0, v2  }
0x5c: {  	[tilespmem:s7+$0xB780] =	vst v2;
	s7 =	smov.u32 s10  }
0x5d: {  	v2 =	vld.idx.msk [tilespmem:v0+s22+$0x0], $0xffff  }
0x5e: {  	v1 =	vld.idx.msk [tilespmem:v1+s5+$0x0], $0xffff;
	_ =	sdelay $0x4  }
0x5f: {  	v0 =	vld.idx.msk [tilespmem:v0+s23+$0x0], $0xffff  }
0x60: {  	v1 =	vadd.f32 v2, v1;
	_ =	sdelay $0x1  }
0x61: {  	v2 =	vmul.f32 $2.000000030e-01, v1  }
0x62: {  	vm0 =	vge.f32 v1, $0.0e+00  }
0x63: {  	v1 =	vsel vm0, v1, v2  }
0x64: {  	v0 =	vsub.f32 v1, v0;
	_ =	sdelay $0x1  }
0x65: {  	v0 =	vmul.f32 $1.442695020e+00, v0;
	_ =	sdelay $0x1  }
.Ltmp0:
0x66: {  	(erf) = vpow2.f32 v0;
	(pc) =	sbr.rel @p0 .LBB2_3-.Ltmp0, $3  }
0x67: {  	_ =	sdelay $0x1  }
0x68: {  	s10 =	sshra.s32 s9, $0x2  }
0x69: {  	s9 =	sadd.s32 $0x40, s9;
	v0 =	vld [tilespmem:s10+$0x7700]  }
0x6a: {  	_ = 	snop  }
0x6b: {  	v1 =	vld [tilespmem:s10+$0x7680];
	_ =	sdelay $0x2  }
0x6c: {  	s8 =	sadd.s32 $0x10, s8  }
0x6d: {  	p0 =	slt.u32 s8, $0x50910;
	v2 =	vpop (erf)  }
0x6e: {  	v2 =	vpsel !p0, $0x0, v2  }
0x6f: {  	[tilespmem:s7+$0xB780] =	vst v2  }
0x70: {  	v2 =	vld.idx.msk [tilespmem:v0+s22+$0x0], $0xffff  }
0x71: {  	v1 =	vld.idx.msk [tilespmem:v1+s5+$0x0], $0xffff;
	_ =	sdelay $0x4  }
0x72: {  	v0 =	vld.idx.msk [tilespmem:v0+s23+$0x0], $0xffff;
	v1 =	vadd.f32 v2, v1;
	_ =	sdelay $0x1  }
0x73: {  	v2 =	vmul.f32 $2.000000030e-01, v1  }
0x74: {  	vm0 =	vge.f32 v1, $0.0e+00  }
0x75: {  	v1 =	vsel vm0, v1, v2  }
0x76: {  	v0 =	vsub.f32 v1, v0;
	_ =	sdelay $0x1  }
0x77: {  	v0 =	vmul.f32 $1.442695020e+00, v0;
	_ =	sdelay $0x1  }
0x78: {  	(erf) = vpow2.f32 v0;
	_ =	sdelay $0x7  }
0x79: {  	s8 =	sadd.s32 $0x10, s8  }
0x7a: {  	p6 =	slt.u32 s8, $0x50910;
	v0 =	vpop (erf)  }
0x7b: {  	s9 =	simm.s32 $0x0;
	v0 =	vpsel !p6, $0x0, v0  }
0x7c: {  	[tilespmem:s10+$0xB780] =	vst v0;
	v0 =	vmov s9  }
0x7d: {  	v0 =	vand.u32 $0xFFFFFFFE, v0  }
0x7e: {  	v1 =	vbroadcast v0, $0x0;
	_ =	sdelay $0x1  }
0x7f: {  	_ =	swait.ge [sflag:s29], $0x4000  }
0x80: {  	[sflag:s29] =	ssyncset.done $0x0  }
0x81: {  	s7 =	simm.s32 $0x7800;
	[sflag:s29] =	ssyncadd.s32 $0xFFFFC000  }
0x82: {  	v4 =	vld [tilespmem:s7+$0xFFFFFFF0]  }
0x83: {  	v5 =	vld.idx.msk [tilespmem:v1+s30+$0x0], $0xffff  }
0x84: {  	v6 =	vld [tilespmem:s7+$0xFFFFFF80]  }
0x85: {  	v7 =	vld [tilespmem:s7+$0xFFFFFFA0]  }
0x86: {  	v3 =	vld [tilespmem:s7+$0xFFFFFFB0]  }
0x87: {  	v2 =	vld [tilespmem:s7+$0xFFFFFFD0]  }
0x88: {  	v9 =	vld [tilespmem:s7+$0xFFFFFF90];
	v4 =	vmul.f32 v4, v5  }
0x89: {  	v8 =	vld [tilespmem:s7+$0xFFFFFFE0];
	v6 =	vmul.f32 v6, v5  }
0x8a: {  	v10 =	vld [tilespmem:s7+$0xFFFFFFC0];
	v7 =	vmul.f32 v7, v5;
	[tilespmem:s7+$0xFFFFFFF0] =	vst v4  }
0x8b: {  	v3 =	vmul.f32 v3, v5;
	[tilespmem:s7+$0xFFFFFF80] =	vst v6  }
0x8c: {  	s10 =	simm.s32 $0x1;
	v2 =	vmul.f32 v2, v5;
	[tilespmem:s7+$0xFFFFFFA0] =	vst v7  }
0x8d: {  	v4 =	vmul.f32 v9, v5;
	[tilespmem:s7+$0xFFFFFFB0] =	vst v3;
	v6 =	vmov s10  }
0x8e: {  	v0 =	vld [tilespmem:s7+$0x0];
	v3 =	vmul.f32 v8, v5;
	[tilespmem:s7+$0xFFFFFFD0] =	vst v2  }
0x8f: {  	v1 =	vld [tilespmem:s7+$0x10];
	v2 =	vmul.f32 v10, v5;
	[tilespmem:s7+$0xFFFFFF90] =	vst v4  }
0x90: {  	[tilespmem:s7+$0xFFFFFFE0] =	vst v3;
	v4 =	vld [tilespmem:s7+$0x30]  }
0x91: {  	[tilespmem:s7+$0xFFFFFFC0] =	vst v2;
	v3 =	vld [tilespmem:s7+$0x70]  }
0x92: {  	s8 =	simm.s32 $0x2;
	s9 =	simm.s32 $0x7800;
	v2 =	vld.idx.msk [tilespmem:v6+s30+$0x0], $0xffff  }
.LBB2_5:
0x93: {  	p0 =	slt.u32 s8, $0x7E  }
0x94: {  	v5 =	vld [tilespmem:s7+$0x20];
	s9 =	sadd.s32 $0x100, s9;
	s10 =	smov.u32 s8;
	s8 =	sadd.s32 $0x2, s8  }
0x95: {  	v6 =	vld [tilespmem:s7+$0x40]  }
0x96: {  	v7 =	vld [tilespmem:s7+$0x50]  }
0x97: {  	v8 =	vld [tilespmem:s7+$0x60];
	_ =	sdelay $0x1  }
0x98: {  	v0 =	vmul.f32 v0, v2;
	v1 =	vmul.f32 v1, v2  }
0x99: {  	v4 =	vmul.f32 v4, v2;
	v5 =	vmul.f32 v5, v2  }
0x9a: {  	v9 =	vmov s10;
	v6 =	vmul.f32 v6, v2;
	[tilespmem:s7+$0x0] =	vst v0;
	v7 =	vmul.f32 v7, v2  }
0x9b: {  	v9 =	vand.u32 $0xFFFFFFFE, v9;
	v0 =	vld [tilespmem:s9+$0x0];
	[tilespmem:s7+$0x30] =	vst v4;
	v4 =	vmul.f32 v8, v2;
	v2 =	vmul.f32 v3, v2  }
0x9c: {  	v3 =	vbroadcast v9, $0x0;
	[tilespmem:s7+$0x10] =	vst v1  }
0x9d: {  	[tilespmem:s7+$0x70] =	vst v2  }
0x9e: {  	v2 =	vld [tilespmem:s9+$0xFFFFFFD0];
	[tilespmem:s7+$0x20] =	vst v5  }
0x9f: {  	v5 =	vld [tilespmem:s9+$0xFFFFFFB0];
	[tilespmem:s7+$0x60] =	vst v4  }
0xa0: {  	v4 =	vld [tilespmem:s9+$0xFFFFFFE0];
	[tilespmem:s7+$0x40] =	vst v6  }
0xa1: {  	v6 =	vld [tilespmem:s9+$0xFFFFFFF0];
	[tilespmem:s7+$0x50] =	vst v7;
	s7 =	smov.u32 s9  }
0xa2: {  	v3 =	vld.idx.msk [tilespmem:v3+s30+$0x0], $0xffff  }
0xa3: {  	v7 =	vld [tilespmem:s9+$0xFFFFFF80]  }
0xa4: {  	v8 =	vld [tilespmem:s9+$0xFFFFFFA0]  }
0xa5: {  	v9 =	vld [tilespmem:s9+$0xFFFFFF90]  }
0xa6: {  	v10 =	vld [tilespmem:s9+$0xFFFFFFC0]  }
0xa7: {  	v1 =	vld [tilespmem:s9+$0x10]  }
0xa8: {  	v6 =	vmul.f32 v6, v3;
	v7 =	vmul.f32 v7, v3  }
0xa9: {  	v4 =	vmul.f32 v4, v3;
	v8 =	vmul.f32 v8, v3  }
0xaa: {  	v5 =	vmul.f32 v5, v3;
	v9 =	vmul.f32 v9, v3;
	[tilespmem:s9+$0xFFFFFFF0] =	vst v6  }
0xab: {  	v2 =	vmul.f32 v2, v3;
	[tilespmem:s9+$0xFFFFFF80] =	vst v7;
	v6 =	vmul.f32 v10, v3  }
0xac: {  	s10 =	sadd.s32 $0x1, s10;
	[tilespmem:s9+$0xFFFFFFA0] =	vst v8  }
0xad: {  	[tilespmem:s9+$0xFFFFFFB0] =	vst v5;
	v5 =	vmov s10  }
.Ltmp1:
0xae: {  	[tilespmem:s9+$0xFFFFFFD0] =	vst v2;
	(pc) =	sbr.rel @p0 .LBB2_5-.Ltmp1, $4  }
0xaf: {  	[tilespmem:s9+$0xFFFFFF90] =	vst v9  }
0xb0: {  	[tilespmem:s9+$0xFFFFFFE0] =	vst v4;
	v4 =	vld [tilespmem:s9+$0x30]  }
0xb1: {  	[tilespmem:s9+$0xFFFFFFC0] =	vst v6;
	v3 =	vld [tilespmem:s9+$0x70]  }
0xb2: {  	v2 =	vld.idx.msk [tilespmem:v5+s30+$0x0], $0xffff  }
0xb3: {  	_ =	sdelay $0x2  }
0xb4: {  	v5 =	vld [tilespmem:s7+$0x20]  }
0xb5: {  	v6 =	vld [tilespmem:s7+$0x60];
	v0 =	vmul.f32 v0, v2  }
0xb6: {  	v7 =	vld [tilespmem:s7+$0x40];
	v4 =	vmul.f32 v4, v2  }
0xb7: {  	v8 =	vld [tilespmem:s7+$0x50];
	v1 =	vmul.f32 v1, v2;
	[tilespmem:s7+$0x0] =	vst v0  }
0xb8: {  	v59 =	vmul.f32 v3, v2;
	[tilespmem:s7+$0x30] =	vst v4  }
0xb9: {  	v60 =	vmul.f32 v5, v2;
	[tilespmem:s7+$0x10] =	vst v1  }
0xba: {  	v61 =	vmul.f32 v6, v2;
	[tilespmem:s7+$0x70] =	vst v59  }
0xbb: {  	v62 =	vmul.f32 v7, v2;
	[tilespmem:s7+$0x20] =	vst v60  }
0xbc: {  	v63 =	vmul.f32 v8, v2;
	[tilespmem:s7+$0x60] =	vst v61  }
0xbd: {  	[tilespmem:s7+$0x40] =	vst v62  }
0xbe: {  	[tilespmem:s7+$0x50] =	vst v63  }
0xbf: {  	[spmem:s3] =	stream.indirect.scatter.add.f32 [tilespmem:s26], [sflag:$0x2], $0x80, s28, s25, $0xb8;
	[tilespmem:$0x1FA80] =	vst v63  }
0xc0: {  	s12 =	sadd.s32 $0x1, s12;
	_ =	swait.ge [sflag:s20], $0x4000  }
0xc1: {  	p0 =	sne.s32 s12, $0x51;
	[sflag:s20] =	ssyncset.done $0x0  }
.Ltmp2:
0xc2: {  	[sflag:s20] =	ssyncadd.s32 $0xFFFFC000;
	(pc) =	sbr.rel @p0 .LBB2_2-.Ltmp2, $4  }
0xc3: {  	[spmem:s4] =	stream.indirect.scatter.add.f32 [tilespmem:s30], [sflag:$0x2], $0x1, s28, s25, $0xb8;
	[tilespmem:$0x1FA80] =	vst v63  }
0xc4: {  	_ =	swait.ge [sflag:s20], $0x80  }
0xc5: {  	[sflag:s20] =	ssyncset.done $0x0  }
0xc6: {  	s18 =	sadd.s32 $0x80, s18;
	[sflag:s20] =	ssyncadd.s32 $0xFFFFFF80  }
0xc7: {  	[bflag:$0x0] =	sbarrier.arrive $0xFFFF  }
0xc8: {  	[hbm:s16], [sflag:s14] =	dma.local [spmem:s19], $0x2800  }
0xc9: {  	s31 =	sadd.s32 $0x1, s31;
	_ =	swait.ge [sflag:s20], $0x2800  }
0xca: {  	p0 =	sne.s32 s31, s15;
	[sflag:s20] =	ssyncset.done $0x0  }
.Ltmp3:
0xcb: {  	[sflag:s20] =	ssyncadd.s32 $0xFFFFD800;
	(pc) =	sbr.rel @p0 .LBB2_1-.Ltmp3, $4  }
0xcc: {  	[hbm:s17], [sflag:s14] =	dma.local [spmem:s21], $0x50  }
0xcd: {  	_ =	swait.ge [sflag:s20], $0x50  }
0xce: {  	[sflag:s20] =	ssyncset.done $0x0  }
0xcf: {  	[sflag:s20] =	ssyncadd.s32 $0xFFFFFFB0  }
0xd0: {  	_ =	sfence.sel $0x180000  }
0xd1: {  	[bflag:$0x0] =	sbarrier.arrive $0xFFFF  }
0xd2: {  	_ =	strace $0x9000004D  }
0xd3: {  	s0 =	stileid.u32;
	[bflag:$0x2] =	sbarrier.arrive $0xFFFF  }
0xd4: {  	p0 =	sne.s32 s0, $0x0;
	s0 =	rddreg [dreg:$0x5]  }
0xd5: {  	s0 =	sadd.s32 @!p0 $0x100000, s0  }
0xd6: {  	[sflag:s0] =	ssyncadd.tile.s32 @!p0 $0x1;
	_ =	shalt  }
.Lfunc_end2:
_tile_overlayer_lowered:
.L_overlay_start_2:
0xd7: {  	(tag) =	ssettag $0x2  }
0xd8: {  	s0 =	rddreg [dreg:$0x0];
	s2 =	stileid.u32  }
0xd9: {  	s1 =	rddreg [dreg:$0x1];
	p0 =	sne.s32 s2, $0x0  }
0xda: {  	s3 =	rddreg [dreg:$0x2];
	[bflag:$0x3] =	sbarrier.arrive $0xFFFF;
	s2 =	simm.s32 @!p0 $0x1C02  }
0xdb: {  	[timem:s3], [sflag:s2] =	dma.local @!p0 [hbm:s0], s1  }
0xdc: {  	s0 =	simm.s32 @!p0 $0x2  }
0xdd: {  	_ =	swait.ge @!p0 [sflag:s0], s1  }
0xde: {  	s1 =	ssub.s32 @!p0 $0x0, s1;
	[sflag:s0] =	ssyncset.done @!p0 $0x0  }
0xdf: {  	[sflag:s0] =	ssyncadd.s32 @!p0 s1  }
0xe0: {  	[bflag:$0x3] =	sbarrier.arrive $0xFFFF  }
0xe1: {  	_ =	shalt  }

// kernel: kernel.22.cloned.1.call-start
scs
__scs_entry_jumppad:
0x0: {  	(pc) =	sbr.rel $0x88, $3  }
0x1: {  	(tag) =	ssettag $0x0;
	lr =	simm.s32 $0x1  }
0x2: {  	[smem:$0x3F91] =	sst lr;
	_ =	strace $0xD0000000  }
0x3: {  	_ = 	snop  }
0x4: {  	_ = 	snop  }
0x5: {  	_ = 	snop  }
0x6: {  	_ = 	snop  }
0x7: {  	_ = 	snop  }
__scs_overlays_trampoline_lowered:
0x8: {  	[smem:$0x3FA0] =	sst s0  }
0x9: {  	[smem:$0x3FA1] =	sst s1  }
0xa: {  	[smem:$0x3FA2] =	sst s2  }
0xb: {  	[smem:$0x3FA3] =	sst s3  }
0xc: {  	[smem:$0x3FA4] =	sst s4  }
0xd: {  	[smem:$0x3FA5] =	sst s5  }
0xe: {  	[smem:$0x3FA6] =	sst s6  }
0xf: {  	[smem:$0x3FA7] =	sst s7  }
0x10: {  	[smem:$0x3FA8] =	sst s8  }
0x11: {  	[smem:$0x3FA9] =	sst s9;
	s0 =	simm.s32 @!p0 $0x0  }
0x12: {  	s1 =	sld [smem:$0x3F8F];
	s0 =	simm.s32 @p0 $0x1  }
0x13: {  	[smem:$0x3FAA] =	sst s0;
	s0 =	simm.s32 @!p1 $0x0  }
0x14: {  	s2 =	sld [smem:$0x3F8E];
	s0 =	simm.s32 @p1 $0x1  }
0x15: {  	[smem:$0x3FAB] =	sst s0;
	s0 =	simm.s32 @!p2 $0x0  }
0x16: {  	s3 =	sld [smem:$0x3FDB];
	s0 =	simm.s32 @p2 $0x1  }
0x17: {  	s4 =	simm.s32 $0x1BF5;
	[smem:$0x3FAD] =	sst s0  }
0x18: {  	s0 =	sld [smem:$0x3F90];
	_ =	swait.ge [sflag:s4], $0x0  }
0x19: {  	s7 =	sld [smem:$0x3F91]  }
0x1a: {  	s8 =	sadd.s32 $0xFFFFE003, lr  }
0x1b: {  	s9 =	sadd.s32 $0xFFFFFEF7, lr;
	s5 =	simm.s32 $0xFFFFFFFF;
	p2 =	slt.u32 s8, $0xFFFFF086  }
0x1c: {  	p1 =	slt.u32 s9, $0xF7A;
	s5 =	simm.s32 @!p2 $0x0  }
0x1d: {  	s5 =	simm.s32 @p1 $0x1;
	p0 =	seq.s32 s7, s2  }
0x1e: {  	s7 =	smul.u32 @!p0 $0xF7A, s2;
	p2 =	seq.s32 @!p0 s5, $0x0  }
0x1f: {  	s9 =	smul.u32 $0xF7A, s1;
	s8 =	simm.s32 @!p0 $0x1BF5;
	p2 =	por !p2, p0  }
0x20: {  	[sflag:s8] =	ssyncset.s32 @!p0 $0xFFFFF086;
	s6 =	sadd.s32 @!p0 s3, s7;
	s7 =	simm.s32 @!p0 $0x108  }
0x21: {  	s3 =	sadd.s32 s3, s9;
	s6 =	sadd.s32 @!p0 $0x88, s6;
	s7 =	simm.s32 @p2 $0x1082  }
0x22: {  	[simem:s7], [sflag:s8] =	dma.local @!p0 [hbm:s6], $0xF7A  }
0x23: {  	s9 =	sor.u32 $0xD0000000, s2;
	s6 =	simm.s32 $0x108;
	_ =	swait.ge @!p0 [sflag:s8], $0x0  }
0x24: {  	s3 =	sadd.s32 $0x88, s3;
	s6 =	simm.s32 @!p1 $0x1082;
	[sflag:s4] =	ssyncset.s32 $0xFFFFF086  }
0x25: {  	[simem:s6], [sflag:s4] =	dma.local [hbm:s3], $0xF7A  }
0x26: {  	[smem:$0x3F91] =	sst s1;
	(tag) =	ssettag s2;
	_ =	strace s9  }
0x27: {  	s1 =	sld [smem:$0x3FA1]  }
0x28: {  	s2 =	sld [smem:$0x3FA2]  }
0x29: {  	s4 =	sld [smem:$0x3FA4]  }
0x2a: {  	p0 =	seq.s32 s5, $0x0;
	s5 =	sld [smem:$0x3FA5]  }
0x2b: {  	s6 =	sld [smem:$0x3FA6]  }
0x2c: {  	s7 =	sld [smem:$0x3FA7]  }
0x2d: {  	s3 =	simm.s32 $0x108;
	s8 =	sld [smem:$0x3FA8]  }
0x2e: {  	s3 =	simm.s32 @!p0 $0x1082;
	s9 =	sld [smem:$0x3FA9]  }
0x2f: {  	lr =	sadd.s32 s0, s3;
	s0 =	sld [smem:$0x3FA0]  }
0x30: {  	s3 =	sld [smem:$0x3FA3]  }
0x31: {  	[smem:$0x3FAC] =	sst s10  }
0x32: {  	s10 =	sld [smem:$0x3FAA];
	_ =	sdelay $0x3  }
0x33: {  	p0 =	seq.s32 s10, $0x1;
	s10 =	sld [smem:$0x3FAC];
	_ =	sdelay $0x3  }
0x34: {  	[smem:$0x3FAC] =	sst s10  }
0x35: {  	s10 =	sld [smem:$0x3FAB];
	_ =	sdelay $0x3  }
0x36: {  	p1 =	seq.s32 s10, $0x1;
	s10 =	sld [smem:$0x3FAC];
	_ =	sdelay $0x3  }
0x37: {  	[smem:$0x3FAC] =	sst s10  }
0x38: {  	s10 =	sld [smem:$0x3FAD]  }
0x39: {  	_ = 	snop;
	(pc) =	sbr.ind lr, $3  }
0x3a: {  	_ = 	snop  }
0x3b: {  	_ = 	snop  }
0x3c: {  	p2 =	seq.s32 s10, $0x1;
	s10 =	sld [smem:$0x3FAC]  }
0x3d: {  	_ =	shalt  }
0x3e: {  	_ =	shalt  }
0x3f: {  	_ =	shalt  }
0x40: {  	_ =	shalt  }
0x41: {  	_ =	shalt  }
0x42: {  	_ =	shalt  }
0x43: {  	_ =	shalt  }
0x44: {  	_ =	shalt  }
0x45: {  	_ =	shalt  }
0x46: {  	_ =	shalt  }
0x47: {  	_ =	shalt  }
0x48: {  	_ =	shalt  }
0x49: {  	_ =	shalt  }
0x4a: {  	_ =	shalt  }
0x4b: {  	_ =	shalt  }
0x4c: {  	_ =	shalt  }
0x4d: {  	_ =	shalt  }
0x4e: {  	_ =	shalt  }
0x4f: {  	_ =	shalt  }
0x50: {  	_ =	shalt  }
0x51: {  	_ =	shalt  }
0x52: {  	_ =	shalt  }
0x53: {  	_ =	shalt  }
0x54: {  	_ =	shalt  }
0x55: {  	_ =	shalt  }
0x56: {  	_ =	shalt  }
0x57: {  	_ =	shalt  }
0x58: {  	_ =	shalt  }
0x59: {  	_ =	shalt  }
0x5a: {  	_ =	shalt  }
0x5b: {  	_ =	shalt  }
0x5c: {  	_ =	shalt  }
0x5d: {  	_ =	shalt  }
0x5e: {  	_ =	shalt  }
0x5f: {  	_ =	shalt  }
0x60: {  	_ =	shalt  }
0x61: {  	_ =	shalt  }
0x62: {  	_ =	shalt  }
0x63: {  	_ =	shalt  }
0x64: {  	_ =	shalt  }
0x65: {  	_ =	shalt  }
0x66: {  	_ =	shalt  }
0x67: {  	_ =	shalt  }
0x68: {  	_ =	shalt  }
0x69: {  	_ =	shalt  }
0x6a: {  	_ =	shalt  }
0x6b: {  	_ =	shalt  }
0x6c: {  	_ =	shalt  }
0x6d: {  	_ =	shalt  }
0x6e: {  	_ =	shalt  }
0x6f: {  	_ =	shalt  }
0x70: {  	_ =	shalt  }
0x71: {  	_ =	shalt  }
0x72: {  	_ =	shalt  }
0x73: {  	_ =	shalt  }
0x74: {  	_ =	shalt  }
0x75: {  	_ =	shalt  }
0x76: {  	_ =	shalt  }
0x77: {  	_ =	shalt  }
0x78: {  	_ =	shalt  }
0x79: {  	_ =	shalt  }
0x7a: {  	_ =	shalt  }
0x7b: {  	_ =	shalt  }
0x7c: {  	_ =	shalt  }
0x7d: {  	_ =	shalt  }
0x7e: {  	_ =	shalt  }
0x7f: {  	_ =	shalt  }
0x80: {  	_ =	shalt  }
0x81: {  	_ =	shalt  }
0x82: {  	_ =	shalt  }
0x83: {  	_ =	shalt  }
0x84: {  	_ =	shalt  }
0x85: {  	_ =	shalt  }
0x86: {  	_ =	shalt  }
0x87: {  	_ =	shalt  }
.Lfunc_end0:
.L_simem_size_0:
called_computation.3_lowered:
.L_overlay_start_0:
0x88: {  	s2 =	sld [smem:$0x3FD9]  }
0x89: {  	s3 =	sld [smem:$0x3FFE];
	_ =	sdelay $0x1  }
0x8a: {  	s1 =	srdreg.scid  }
0x8b: {  	s0 =	sand.u32 $0x1, s1  }
0x8c: {  	s14 =	sshll.u32 s0, $0xA;
	s2 =	sadd.s32 s3, s2  }
0x8d: {  	s2 =	sadd.s32 s2, s14  }
0x8e: {  	[smem:$0x3FB8] =	sst s2  }
0x8f: {  	_ = 	snop  }
0x90: {  	s2 =	sld [smem:$0x3FD0];
	_ =	sdelay $0x2  }
0x91: {  	s15 =	simm.s32 $0xA;
	s4 =	simm.s32 $0x10  }
0x92: {  	[smem:s4], [sflag:s15] =	dma.local [hbm:s2], $0x1  }
0x93: {  	_ =	swait.eq [sflag:s15], $0x1  }
0x94: {  	[sflag:s15] =	ssyncset.done $0x0  }
0x95: {  	s16 =	sld [smem:$0x10];
	[sflag:s15] =	ssyncadd.s32 $0xFFFFFFFF  }
0x96: {  	s17 =	sld [smem:$0x11];
	(tm) =	ssettm $0x1  }
0x97: {  	s18 =	sld [smem:$0x3FFB];
	_ =	sdelay $0x3  }
0x98: {  	_ =	strace s18  }
0x99: {  	s4 =	sld [smem:$0x3FFC];
	_ =	sdelay $0x3  }
0x9a: {  	_ =	strace s4  }
0x9b: {  	s4 =	sld [smem:$0x3FFD];
	_ =	sdelay $0x3  }
0x9c: {  	_ =	strace s4  }
0x9d: {  	_ =	strace $0x8FFFFFFF  }
0x9e: {  	s19 =	sld [smem:$0x3FDB];
	_ =	sdelay $0x1  }
0x9f: {  	s5 =	simm.s32 $_scs_section_size  }
0xa0: {  	s6 =	simm.s32 $_size__tile_overlayer_lowered;
	s7 =	simm.s32 $_tile_overlayer_lowered  }
0xa1: {  	s22 =	simm.s32 $0x1BFF;
	s21 =	sshll.u32 s7, $0x1;
	s4 =	sadd.s32 s5, s19  }
0xa2: {  	s8 =	simm.s32 $0x0;
	s20 =	sshll.u32 s6, $0x1;
	s6 =	sadd.s32 s21, s4  }
0xa3: {  	[timem:s8], [sflag:s22] =	dma.local [hbm:s6], s20  }
0xa4: {  	_ =	swait.ge [sflag:s22], s20  }
0xa5: {  	s5 =	ssub.s32 $0x0, s20;
	[sflag:s22] =	ssyncset.done $0x0  }
0xa6: {  	[sflag:s22] =	ssyncadd.s32 s5;
	_ =	sdelay $0x1  }
0xa7: {  	s23 =	simm.s32 $0x1B8B  }
0xa8: {  	_ =	swait.ge [sflag:s23], $0x1  }
0xa9: {  	[sflag:s23] =	ssyncset.done $0x0  }
0xaa: {  	s25 =	simm.s32 $0x1B8E;
	s24 =	sld [smem:$0x3FFE];
	[sflag:s23] =	ssyncadd.s32 $0xFFFFFFFF  }
0xab: {  	s26 =	simm.s32 $execute0_lowered;
	[smem:$0x3FD2] =	sst s25  }
0xac: {  	s6 =	sshll.u32 s26, $0x1;
	_ =	strace $0x8000004F;
	[dreg:$0x1] =	wrdreg $0xFFFFFFFF  }
0xad: {  	s28 =	simm.s32 $_size_execute0_lowered;
	s4 =	sadd.s32 s4, s6;
	[dreg:$0x0] =	wrdreg $0x0  }
0xae: {  	s6 =	sshll.u32 s28, $0x1;
	[dreg:$0x2] =	wrdreg s4  }
0xaf: {  	[dreg:$0x3] =	wrdreg s6  }
0xb0: {  	[dreg:$0x4] =	wrdreg $0xC0  }
0xb1: {  	_ =	task [dreg:s8], $0x5FFFF  }
0xb2: {  	[dreg:$0x1] =	wrdreg $0xFFFFFFFF  }
0xb3: {  	[dreg:$0x0] =	wrdreg $0x60  }
0xb4: {  	[dreg:$0x2] =	wrdreg s17  }
0xb5: {  	[dreg:$0x3] =	wrdreg s24  }
0xb6: {  	[dreg:$0x4] =	wrdreg s16  }
0xb7: {  	[dreg:$0x5] =	wrdreg $0x41000  }
0xb8: {  	[dreg:$0x6] =	wrdreg $0x9  }
0xb9: {  	_ =	task.clear_ibuf [dreg:s8], $0x7FFFF;
	_ =	strace $0x9000004F  }
0xba: {  	s29 =	simm.s32 $0x9;
	_ =	strace $0x80000051  }
0xbb: {  	_ =	swait.ge [sflag:s29], $0x1  }
0xbc: {  	[sflag:s29] =	ssyncadd.s32 $0xFFFFFFFF  }
0xbd: {  	_ =	strace $0x90000051  }
0xbe: {  	_ =	sfence  }
0xbf: {  	s30 =	sld [smem:$0x0];
	_ =	sdelay $0x2  }
0xc0: {  	s31 =	sshll.u32 s1, $0xD;
	s1 =	sshrl.u32 s1, $0x2  }
0xc1: {  	s3 =	sand.u32 $0x4000, s31;
	s1 =	sadd.s32 s1, s30  }
0xc2: {  	s0 =	sor.u32 s3, s0;
	s1 =	sshll.u32 s1, $0x11  }
0xc3: {  	s0 =	sor.u32 s1, s0  }
0xc4: {  	s0 =	sadd.s32 $0x8F2B, s0  }
0xc5: {  	[sflag:s0] =	ssyncadd.remote.s32 $0x1  }
0xc6: {  	_ =	sfence.sel $0xFFFF  }
0xc7: {  	[dreg:$0x0] =	wrdreg $0xFFFFFFFF;
	(pc) =	sbr.abs _section_cstart, $3  }
0xc8: {  	[dreg:$0x1] =	wrdreg $0xFFFFFFFF  }
0xc9: {  	_ =	task.clear_ibuf [dreg:s8], $0x2FFFF;
	_ =	strace $0x9FFFFFFF  }
0xca: {  	(tm) =	ssettm $0x7FFFFFFF  }
0xcb: {  	_ =	shalt  }
tec
execute0_lowered:
.L_overlay_start_1:
0x0: {  	(tag) =	ssettag $0x1  }
0x1: {  	s8 =	rddreg [dreg:$0x0]  }
0x2: {  	s9 =	rddreg [dreg:$0x1]  }
0x3: {  	s1 =	rddreg [dreg:$0x2]  }
0x4: {  	s2 =	rddreg [dreg:$0x3];
	s4 =	srdreg.scid  }
0x5: {  	s0 =	rddreg [dreg:$0x4];
	s7 =	sand.u32 $0x1, s4  }
0x6: {  	s3 =	simm.s32 $0x0;
	s4 =	stileid.u32;
	s10 =	smul.u32 $0x5100, s7  }
0x7: {  	[smem:$0x7FF] =	sst s3;
	s5 =	sadd.s32 $0x11800, s9;
	s6 =	smul.u32 $0x50000, s4  }
0x8: {  	_ =	strace $0x80000050;
	s12 =	ssub.s32 $0x2, s7;
	s15 =	smul.u32 $0x510, s4  }
0x9: {  	s14 =	sshll.u32 s4, $0x6;
	p0 =	seq.s32 s7, $0x1;
	s16 =	smul.u32 $0x2800, s4  }
0xa: {  	s13 =	sshrl.u32 s12, $0x1;
	s11 =	sadd.s32 s10, s9;
	s6 =	sshrl.u32 s6, $0x2  }
0xb: {  	s12 =	ssub.s32 s12, s13;
	s10 =	sadd.s32 s10, s8;
	s13 =	simm.s32 $0x80  }
0xc: {  	s31 =	sadd.s32 s6, s2;
	s6 =	sor.u32 $0x1C02, s14;
	s14 =	simm.s32 $0x3C000  }
0xd: {  	s7 =	smax.u32 s12, $0x1;
	s11 =	sadd.s32 s15, s11;
	s14 =	simm.s32 @!p0 $0x14000  }
0xe: {  	s10 =	sadd.s32 s15, s10;
	s12 =	simm.s32 $0x2;
	s9 =	sadd.s32 s14, s9  }
0xf: {  	s15 =	simm.s32 $0x1;
	s14 =	simm.s32 $0x100;
	s8 =	sadd.s32 s9, s16  }
0x10: {  	s9 =	sadd.s32 $0x7400, s11;
	s11 =	sshrl.u32 s31, $0x3;
	s16 =	simm.s32 $0x0  }
.LBB2_1:
0x11: {  	[spmem:s11], [sflag:s6] =	dma.local [hbm:s5], $0x2800  }
0x12: {  	_ =	swait.ge [sflag:s12], $0x2800  }
0x13: {  	[sflag:s12] =	ssyncset.done $0x0  }
0x14: {  	[sflag:s12] =	ssyncadd.s32 $0xFFFFD800  }
0x15: {  	s17 =	sadd.s32 $0x0, s10;
	[bflag:$0x0] =	sbarrier.arrive $0xFFFF  }
0x16: {  	[tilespmem:s3], [sflag:$0x2] =	stream.linear.gather [hbm4b:s17+s3], $0x80, $0x38;
	[tilespmem:$0x18100] =	vst v63  }
0x17: {  	_ =	swait.ge [sflag:s12], $0x80  }
0x18: {  	[sflag:s12] =	ssyncset.done $0x0  }
0x19: {  	[sflag:s12] =	ssyncadd.s32 $0xFFFFFF80  }
0x1a: {  	[tilespmem:s14], [sflag:$0x1] =	stream.indirect.gather [hbm4b:s1+s13], $0x80, s3, s13, $0xb8;
	[tilespmem:$0x18100] =	vst v63  }
0x1b: {  	s31 =	sadd.s32 $0x0, s9  }
0x1c: {  	[tilespmem:s13], [sflag:$0x2] =	stream.linear.gather [hbm4b:s31+s3], $0x80, $0x38;
	[tilespmem:$0x18100] =	vst v63  }
0x1d: {  	_ =	swait.ge [sflag:s12], $0x80  }
0x1e: {  	[sflag:s12] =	ssyncset.done $0x0  }
0x1f: {  	[sflag:s12] =	ssyncadd.s32 $0xFFFFFF80  }
0x20: {  	_ =	swait.ge [sflag:s15], $0x4000  }
0x21: {  	[sflag:s15] =	ssyncset.done $0x0  }
0x22: {  	[sflag:s15] =	ssyncadd.s32 $0xFFFFC000  }
0x23: {  	[spmem:s2] =	stream.indirect.scatter.add.f32 [tilespmem:s14], [sflag:$0x2], $0x80, s13, s13, $0xb8;
	[tilespmem:$0x18100] =	vst v63  }
0x24: {  	_ =	swait.ge [sflag:s12], $0x4000  }
0x25: {  	s18 =	simm.s32 $0x20;
	s17 =	simm.s32 $0x10;
	[sflag:s12] =	ssyncset.done $0x0  }
.LBB2_2:
0x26: {  	s19 =	sadd.s32 s17, s10  }
0x27: {  	[sflag:s12] =	ssyncadd.s32 $0xFFFFC000;
	s20 =	smov.u32 s18;
	s21 =	sadd.s32 $0x10, s18  }
0x28: {  	[tilespmem:s3], [sflag:$0x2] =	stream.linear.gather [hbm4b:s19+s3], $0x80, $0x38;
	[tilespmem:$0x18100] =	vst v63  }
0x29: {  	p0 =	sne.s32 s18, $0x500;
	_ =	swait.ge [sflag:s12], $0x80  }
0x2a: {  	[sflag:s12] =	ssyncset.done $0x0  }
0x2b: {  	[sflag:s12] =	ssyncadd.s32 $0xFFFFFF80  }
0x2c: {  	[tilespmem:s14], [sflag:$0x1] =	stream.indirect.gather [hbm4b:s1+s13], $0x80, s3, s13, $0xb8;
	[tilespmem:$0x18100] =	vst v63  }
0x2d: {  	s18 =	sadd.s32 s17, s9;
	s17 =	smov.u32 s20  }
0x2e: {  	[tilespmem:s13], [sflag:$0x2] =	stream.linear.gather [hbm4b:s18+s3], $0x80, $0x38;
	[tilespmem:$0x18100] =	vst v63  }
0x2f: {  	_ =	swait.ge [sflag:s12], $0x80  }
0x30: {  	[sflag:s12] =	ssyncset.done $0x0  }
0x31: {  	[sflag:s12] =	ssyncadd.s32 $0xFFFFFF80  }
0x32: {  	_ =	swait.ge [sflag:s15], $0x4000  }
.Ltmp0:
0x33: {  	[sflag:s15] =	ssyncset.done $0x0;
	(pc) =	sbr.rel @p0 .LBB2_2-.Ltmp0, $4  }
0x34: {  	[sflag:s15] =	ssyncadd.s32 $0xFFFFC000  }
0x35: {  	[spmem:s2] =	stream.indirect.scatter.add.f32 [tilespmem:s14], [sflag:$0x2], $0x80, s13, s13, $0xb8;
	[tilespmem:$0x18100] =	vst v63  }
0x36: {  	_ =	swait.ge [sflag:s12], $0x4000  }
0x37: {  	s18 =	smov.u32 s21;
	[sflag:s12] =	ssyncset.done $0x0  }
0x38: {  	s18 =	sadd.s32 s17, s10;
	[sflag:s12] =	ssyncadd.s32 $0xFFFFC000  }
0x39: {  	[tilespmem:s3], [sflag:$0x2] =	stream.linear.gather [hbm4b:s18+s3], $0x80, $0x38;
	[tilespmem:$0x18100] =	vst v63  }
0x3a: {  	_ =	swait.ge [sflag:s12], $0x80  }
0x3b: {  	[sflag:s12] =	ssyncset.done $0x0  }
0x3c: {  	[sflag:s12] =	ssyncadd.s32 $0xFFFFFF80  }
0x3d: {  	[tilespmem:s14], [sflag:$0x1] =	stream.indirect.gather [hbm4b:s1+s13], $0x80, s3, s13, $0xb8;
	[tilespmem:$0x18100] =	vst v63  }
0x3e: {  	s31 =	sadd.s32 s17, s9  }
0x3f: {  	[tilespmem:s13], [sflag:$0x2] =	stream.linear.gather [hbm4b:s31+s3], $0x80, $0x38;
	[tilespmem:$0x18100] =	vst v63  }
0x40: {  	_ =	swait.ge [sflag:s12], $0x80  }
0x41: {  	[sflag:s12] =	ssyncset.done $0x0  }
0x42: {  	[sflag:s12] =	ssyncadd.s32 $0xFFFFFF80  }
0x43: {  	_ =	swait.ge [sflag:s15], $0x4000  }
0x44: {  	[sflag:s15] =	ssyncset.done $0x0  }
0x45: {  	[sflag:s15] =	ssyncadd.s32 $0xFFFFC000  }
0x46: {  	[spmem:s2] =	stream.indirect.scatter.add.f32 [tilespmem:s14], [sflag:$0x2], $0x80, s13, s13, $0xb8;
	[tilespmem:$0x18100] =	vst v63  }
0x47: {  	_ =	swait.ge [sflag:s12], $0x4000  }
0x48: {  	s16 =	sadd.s32 $0x1, s16;
	[sflag:s12] =	ssyncset.done $0x0  }
0x49: {  	p0 =	sne.s32 s16, s7;
	[sflag:s12] =	ssyncadd.s32 $0xFFFFC000  }
.Ltmp1:
0x4a: {  	[bflag:$0x0] =	sbarrier.arrive $0xFFFF;
	(pc) =	sbr.rel @p0 .LBB2_1-.Ltmp1, $4  }
0x4b: {  	[hbm:s8], [sflag:s6] =	dma.local [spmem:s11], $0x2800  }
0x4c: {  	_ =	swait.ge [sflag:s12], $0x2800  }
0x4d: {  	[sflag:s12] =	ssyncset.done $0x0  }
0x4e: {  	[sflag:s12] =	ssyncadd.s32 $0xFFFFD800  }
0x4f: {  	_ =	sfence.sel $0x180000  }
0x50: {  	[bflag:$0x0] =	sbarrier.arrive $0xFFFF  }
0x51: {  	p0 =	sne.s32 s4, $0x0;
	_ =	strace $0x90000050  }
0x52: {  	s0 =	sadd.s32 @!p0 $0x100000, s0;
	[bflag:$0x2] =	sbarrier.arrive $0xFFFF  }
0x53: {  	[sflag:s0] =	ssyncadd.tile.s32 @!p0 $0x1;
	_ =	shalt  }
.Lfunc_end2:
_tile_overlayer_lowered:
.L_overlay_start_2:
0x54: {  	(tag) =	ssettag $0x2  }
0x55: {  	s0 =	rddreg [dreg:$0x0];
	s2 =	stileid.u32  }
0x56: {  	s1 =	rddreg [dreg:$0x1];
	p0 =	sne.s32 s2, $0x0  }
0x57: {  	s3 =	rddreg [dreg:$0x2];
	[bflag:$0x3] =	sbarrier.arrive $0xFFFF;
	s2 =	simm.s32 @!p0 $0x1C02  }
0x58: {  	[timem:s3], [sflag:s2] =	dma.local @!p0 [hbm:s0], s1  }
0x59: {  	s0 =	simm.s32 @!p0 $0x2  }
0x5a: {  	_ =	swait.ge @!p0 [sflag:s0], s1  }
0x5b: {  	s1 =	ssub.s32 @!p0 $0x0, s1;
	[sflag:s0] =	ssyncset.done @!p0 $0x0  }
0x5c: {  	[sflag:s0] =	ssyncadd.s32 @!p0 s1  }
0x5d: {  	[bflag:$0x3] =	sbarrier.arrive $0xFFFF  }
0x5e: {  	_ =	shalt  }

// kernel: kernel.25.cloned.1.call-start
scs
__scs_entry_jumppad:
0x0: {  	(pc) =	sbr.rel $0x88, $3  }
0x1: {  	(tag) =	ssettag $0x0;
	lr =	simm.s32 $0x1  }
0x2: {  	[smem:$0x3F91] =	sst lr;
	_ =	strace $0xD0000000  }
0x3: {  	_ = 	snop  }
0x4: {  	_ = 	snop  }
0x5: {  	_ = 	snop  }
0x6: {  	_ = 	snop  }
0x7: {  	_ = 	snop  }
__scs_overlays_trampoline_lowered:
0x8: {  	[smem:$0x3FA0] =	sst s0  }
0x9: {  	[smem:$0x3FA1] =	sst s1  }
0xa: {  	[smem:$0x3FA2] =	sst s2  }
0xb: {  	[smem:$0x3FA3] =	sst s3  }
0xc: {  	[smem:$0x3FA4] =	sst s4  }
0xd: {  	[smem:$0x3FA5] =	sst s5  }
0xe: {  	[smem:$0x3FA6] =	sst s6  }
0xf: {  	[smem:$0x3FA7] =	sst s7  }
0x10: {  	[smem:$0x3FA8] =	sst s8  }
0x11: {  	[smem:$0x3FA9] =	sst s9;
	s0 =	simm.s32 @!p0 $0x0  }
0x12: {  	s1 =	sld [smem:$0x3F8F];
	s0 =	simm.s32 @p0 $0x1  }
0x13: {  	[smem:$0x3FAA] =	sst s0;
	s0 =	simm.s32 @!p1 $0x0  }
0x14: {  	s2 =	sld [smem:$0x3F8E];
	s0 =	simm.s32 @p1 $0x1  }
0x15: {  	[smem:$0x3FAB] =	sst s0;
	s0 =	simm.s32 @!p2 $0x0  }
0x16: {  	s3 =	sld [smem:$0x3FDB];
	s0 =	simm.s32 @p2 $0x1  }
0x17: {  	s4 =	simm.s32 $0x1BF5;
	[smem:$0x3FAD] =	sst s0  }
0x18: {  	s0 =	sld [smem:$0x3F90];
	_ =	swait.ge [sflag:s4], $0x0  }
0x19: {  	s7 =	sld [smem:$0x3F91]  }
0x1a: {  	s8 =	sadd.s32 $0xFFFFE003, lr  }
0x1b: {  	s9 =	sadd.s32 $0xFFFFFEF7, lr;
	s5 =	simm.s32 $0xFFFFFFFF;
	p2 =	slt.u32 s8, $0xFFFFF086  }
0x1c: {  	p1 =	slt.u32 s9, $0xF7A;
	s5 =	simm.s32 @!p2 $0x0  }
0x1d: {  	s5 =	simm.s32 @p1 $0x1;
	p0 =	seq.s32 s7, s2  }
0x1e: {  	s7 =	smul.u32 @!p0 $0xF7A, s2;
	p2 =	seq.s32 @!p0 s5, $0x0  }
0x1f: {  	s9 =	smul.u32 $0xF7A, s1;
	s8 =	simm.s32 @!p0 $0x1BF5;
	p2 =	por !p2, p0  }
0x20: {  	[sflag:s8] =	ssyncset.s32 @!p0 $0xFFFFF086;
	s6 =	sadd.s32 @!p0 s3, s7;
	s7 =	simm.s32 @!p0 $0x108  }
0x21: {  	s3 =	sadd.s32 s3, s9;
	s6 =	sadd.s32 @!p0 $0x88, s6;
	s7 =	simm.s32 @p2 $0x1082  }
0x22: {  	[simem:s7], [sflag:s8] =	dma.local @!p0 [hbm:s6], $0xF7A  }
0x23: {  	s9 =	sor.u32 $0xD0000000, s2;
	s6 =	simm.s32 $0x108;
	_ =	swait.ge @!p0 [sflag:s8], $0x0  }
0x24: {  	s3 =	sadd.s32 $0x88, s3;
	s6 =	simm.s32 @!p1 $0x1082;
	[sflag:s4] =	ssyncset.s32 $0xFFFFF086  }
0x25: {  	[simem:s6], [sflag:s4] =	dma.local [hbm:s3], $0xF7A  }
0x26: {  	[smem:$0x3F91] =	sst s1;
	(tag) =	ssettag s2;
	_ =	strace s9  }
0x27: {  	s1 =	sld [smem:$0x3FA1]  }
0x28: {  	s2 =	sld [smem:$0x3FA2]  }
0x29: {  	s4 =	sld [smem:$0x3FA4]  }
0x2a: {  	p0 =	seq.s32 s5, $0x0;
	s5 =	sld [smem:$0x3FA5]  }
0x2b: {  	s6 =	sld [smem:$0x3FA6]  }
0x2c: {  	s7 =	sld [smem:$0x3FA7]  }
0x2d: {  	s3 =	simm.s32 $0x108;
	s8 =	sld [smem:$0x3FA8]  }
0x2e: {  	s3 =	simm.s32 @!p0 $0x1082;
	s9 =	sld [smem:$0x3FA9]  }
0x2f: {  	lr =	sadd.s32 s0, s3;
	s0 =	sld [smem:$0x3FA0]  }
0x30: {  	s3 =	sld [smem:$0x3FA3]  }
0x31: {  	[smem:$0x3FAC] =	sst s10  }
0x32: {  	s10 =	sld [smem:$0x3FAA];
	_ =	sdelay $0x3  }
0x33: {  	p0 =	seq.s32 s10, $0x1;
	s10 =	sld [smem:$0x3FAC];
	_ =	sdelay $0x3  }
0x34: {  	[smem:$0x3FAC] =	sst s10  }
0x35: {  	s10 =	sld [smem:$0x3FAB];
	_ =	sdelay $0x3  }
0x36: {  	p1 =	seq.s32 s10, $0x1;
	s10 =	sld [smem:$0x3FAC];
	_ =	sdelay $0x3  }
0x37: {  	[smem:$0x3FAC] =	sst s10  }
0x38: {  	s10 =	sld [smem:$0x3FAD]  }
0x39: {  	_ = 	snop;
	(pc) =	sbr.ind lr, $3  }
0x3a: {  	_ = 	snop  }
0x3b: {  	_ = 	snop  }
0x3c: {  	p2 =	seq.s32 s10, $0x1;
	s10 =	sld [smem:$0x3FAC]  }
0x3d: {  	_ =	shalt  }
0x3e: {  	_ =	shalt  }
0x3f: {  	_ =	shalt  }
0x40: {  	_ =	shalt  }
0x41: {  	_ =	shalt  }
0x42: {  	_ =	shalt  }
0x43: {  	_ =	shalt  }
0x44: {  	_ =	shalt  }
0x45: {  	_ =	shalt  }
0x46: {  	_ =	shalt  }
0x47: {  	_ =	shalt  }
0x48: {  	_ =	shalt  }
0x49: {  	_ =	shalt  }
0x4a: {  	_ =	shalt  }
0x4b: {  	_ =	shalt  }
0x4c: {  	_ =	shalt  }
0x4d: {  	_ =	shalt  }
0x4e: {  	_ =	shalt  }
0x4f: {  	_ =	shalt  }
0x50: {  	_ =	shalt  }
0x51: {  	_ =	shalt  }
0x52: {  	_ =	shalt  }
0x53: {  	_ =	shalt  }
0x54: {  	_ =	shalt  }
0x55: {  	_ =	shalt  }
0x56: {  	_ =	shalt  }
0x57: {  	_ =	shalt  }
0x58: {  	_ =	shalt  }
0x59: {  	_ =	shalt  }
0x5a: {  	_ =	shalt  }
0x5b: {  	_ =	shalt  }
0x5c: {  	_ =	shalt  }
0x5d: {  	_ =	shalt  }
0x5e: {  	_ =	shalt  }
0x5f: {  	_ =	shalt  }
0x60: {  	_ =	shalt  }
0x61: {  	_ =	shalt  }
0x62: {  	_ =	shalt  }
0x63: {  	_ =	shalt  }
0x64: {  	_ =	shalt  }
0x65: {  	_ =	shalt  }
0x66: {  	_ =	shalt  }
0x67: {  	_ =	shalt  }
0x68: {  	_ =	shalt  }
0x69: {  	_ =	shalt  }
0x6a: {  	_ =	shalt  }
0x6b: {  	_ =	shalt  }
0x6c: {  	_ =	shalt  }
0x6d: {  	_ =	shalt  }
0x6e: {  	_ =	shalt  }
0x6f: {  	_ =	shalt  }
0x70: {  	_ =	shalt  }
0x71: {  	_ =	shalt  }
0x72: {  	_ =	shalt  }
0x73: {  	_ =	shalt  }
0x74: {  	_ =	shalt  }
0x75: {  	_ =	shalt  }
0x76: {  	_ =	shalt  }
0x77: {  	_ =	shalt  }
0x78: {  	_ =	shalt  }
0x79: {  	_ =	shalt  }
0x7a: {  	_ =	shalt  }
0x7b: {  	_ =	shalt  }
0x7c: {  	_ =	shalt  }
0x7d: {  	_ =	shalt  }
0x7e: {  	_ =	shalt  }
0x7f: {  	_ =	shalt  }
0x80: {  	_ =	shalt  }
0x81: {  	_ =	shalt  }
0x82: {  	_ =	shalt  }
0x83: {  	_ =	shalt  }
0x84: {  	_ =	shalt  }
0x85: {  	_ =	shalt  }
0x86: {  	_ =	shalt  }
0x87: {  	_ =	shalt  }
.Lfunc_end0:
.L_simem_size_0:
called_computation.4_lowered:
.L_overlay_start_0:
0x88: {  	s2 =	sld [smem:$0x3FD9]  }
0x89: {  	s3 =	sld [smem:$0x3FFE];
	_ =	sdelay $0x1  }
0x8a: {  	s1 =	srdreg.scid  }
0x8b: {  	s0 =	sand.u32 $0x1, s1  }
0x8c: {  	s14 =	sshll.u32 s0, $0xA;
	s2 =	sadd.s32 s3, s2  }
0x8d: {  	s2 =	sadd.s32 s2, s14  }
0x8e: {  	[smem:$0x3FB8] =	sst s2  }
0x8f: {  	_ = 	snop  }
0x90: {  	s2 =	sld [smem:$0x3FD0];
	_ =	sdelay $0x2  }
0x91: {  	s15 =	simm.s32 $0xA;
	s4 =	simm.s32 $0x10  }
0x92: {  	[smem:s4], [sflag:s15] =	dma.local [hbm:s2], $0x1  }
0x93: {  	_ =	swait.eq [sflag:s15], $0x1  }
0x94: {  	[sflag:s15] =	ssyncset.done $0x0  }
0x95: {  	s16 =	sld [smem:$0x10];
	[sflag:s15] =	ssyncadd.s32 $0xFFFFFFFF  }
0x96: {  	s17 =	sld [smem:$0x11];
	(tm) =	ssettm $0x1  }
0x97: {  	s18 =	sld [smem:$0x3FFB];
	_ =	sdelay $0x3  }
0x98: {  	_ =	strace s18  }
0x99: {  	s4 =	sld [smem:$0x3FFC];
	_ =	sdelay $0x3  }
0x9a: {  	_ =	strace s4  }
0x9b: {  	s4 =	sld [smem:$0x3FFD];
	_ =	sdelay $0x3  }
0x9c: {  	_ =	strace s4  }
0x9d: {  	_ =	strace $0x8FFFFFFF  }
0x9e: {  	s19 =	sld [smem:$0x3FDB];
	_ =	sdelay $0x1  }
0x9f: {  	s5 =	simm.s32 $_scs_section_size  }
0xa0: {  	s6 =	simm.s32 $_size__tile_overlayer_lowered;
	s7 =	simm.s32 $_tile_overlayer_lowered  }
0xa1: {  	s22 =	simm.s32 $0x1BFF;
	s21 =	sshll.u32 s7, $0x1;
	s4 =	sadd.s32 s5, s19  }
0xa2: {  	s8 =	simm.s32 $0x0;
	s20 =	sshll.u32 s6, $0x1;
	s6 =	sadd.s32 s21, s4  }
0xa3: {  	[timem:s8], [sflag:s22] =	dma.local [hbm:s6], s20  }
0xa4: {  	_ =	swait.ge [sflag:s22], s20  }
0xa5: {  	s5 =	ssub.s32 $0x0, s20;
	[sflag:s22] =	ssyncset.done $0x0  }
0xa6: {  	[sflag:s22] =	ssyncadd.s32 s5;
	_ =	sdelay $0x1  }
0xa7: {  	s23 =	simm.s32 $0x1B8B  }
0xa8: {  	_ =	swait.ge [sflag:s23], $0x1  }
0xa9: {  	[sflag:s23] =	ssyncset.done $0x0  }
0xaa: {  	s25 =	simm.s32 $0x1B8E;
	s24 =	sld [smem:$0x3FFE];
	[sflag:s23] =	ssyncadd.s32 $0xFFFFFFFF  }
0xab: {  	s26 =	simm.s32 $execute0_lowered;
	[smem:$0x3FD2] =	sst s25  }
0xac: {  	s6 =	sshll.u32 s26, $0x1;
	_ =	strace $0x80000052;
	[dreg:$0x1] =	wrdreg $0xFFFFFFFF  }
0xad: {  	s28 =	simm.s32 $_size_execute0_lowered;
	s4 =	sadd.s32 s4, s6;
	[dreg:$0x0] =	wrdreg $0x0  }
0xae: {  	s6 =	sshll.u32 s28, $0x1;
	[dreg:$0x2] =	wrdreg s4  }
0xaf: {  	[dreg:$0x3] =	wrdreg s6  }
0xb0: {  	[dreg:$0x4] =	wrdreg $0xC0  }
0xb1: {  	_ =	task [dreg:s8], $0x5FFFF  }
0xb2: {  	[dreg:$0x1] =	wrdreg $0xFFFFFFFF  }
0xb3: {  	[dreg:$0x0] =	wrdreg $0x60  }
0xb4: {  	[dreg:$0x2] =	wrdreg s17  }
0xb5: {  	[dreg:$0x3] =	wrdreg s24  }
0xb6: {  	[dreg:$0x4] =	wrdreg s16  }
0xb7: {  	[dreg:$0x5] =	wrdreg $0xB8000  }
0xb8: {  	[dreg:$0x6] =	wrdreg $0x1F8000  }
0xb9: {  	[dreg:$0x7] =	wrdreg $0x9  }
0xba: {  	_ =	task.clear_ibuf [dreg:s8], $0x8FFFF;
	_ =	strace $0x90000052  }
0xbb: {  	s29 =	simm.s32 $0x9;
	_ =	strace $0x80000054  }
0xbc: {  	_ =	swait.ge [sflag:s29], $0x1  }
0xbd: {  	[sflag:s29] =	ssyncadd.s32 $0xFFFFFFFF  }
0xbe: {  	_ =	strace $0x90000054  }
0xbf: {  	_ =	sfence  }
0xc0: {  	s30 =	sld [smem:$0x0];
	_ =	sdelay $0x2  }
0xc1: {  	s31 =	sshll.u32 s1, $0xD;
	s1 =	sshrl.u32 s1, $0x2  }
0xc2: {  	s3 =	sand.u32 $0x4000, s31;
	s1 =	sadd.s32 s1, s30  }
0xc3: {  	s0 =	sor.u32 s3, s0;
	s1 =	sshll.u32 s1, $0x11  }
0xc4: {  	s0 =	sor.u32 s1, s0  }
0xc5: {  	s0 =	sadd.s32 $0x8F2B, s0  }
0xc6: {  	[sflag:s0] =	ssyncadd.remote.s32 $0x1  }
0xc7: {  	_ =	sfence.sel $0xFFFF  }
0xc8: {  	[dreg:$0x0] =	wrdreg $0xFFFFFFFF;
	(pc) =	sbr.abs _section_cstart, $3  }
0xc9: {  	[dreg:$0x1] =	wrdreg $0xFFFFFFFF  }
0xca: {  	_ =	task.clear_ibuf [dreg:s8], $0x2FFFF;
	_ =	strace $0x9FFFFFFF  }
0xcb: {  	(tm) =	ssettm $0x7FFFFFFF  }
tec
execute0_lowered:
.L_overlay_start_1:
0x0: {  	(tag) =	ssettag $0x1  }
0x1: {  	s1 =	rddreg [dreg:$0x0]  }
0x2: {  	s0 =	rddreg [dreg:$0x1]  }
0x3: {  	s2 =	rddreg [dreg:$0x2]  }
0x4: {  	s3 =	rddreg [dreg:$0x3]  }
0x5: {  	s4 =	rddreg [dreg:$0x4];
	s5 =	simm.s32 $0x0;
	s10 =	srdreg.scid  }
0x6: {  	s20 =	stileid.u32;
	s28 =	simm.s32 $0x7700;
	s29 =	simm.s32 $0x1  }
0x7: {  	s30 =	simm.s32 $0xB780;
	s31 =	simm.s32 $0x0;
	[smem:$0x7FF] =	sst s5  }
0x8: {  	s6 =	sadd.s32 $0x7400, s0;
	s7 =	sadd.s32 $0x14000, s0;
	s22 =	sadd.s32 $0x14600, s0  }
0x9: {  	s23 =	sadd.s32 $0x14C00, s0;
	s24 =	sadd.s32 $0x11800, s0;
	s11 =	sadd.s32 $0x11600, s0  }
0xa: {  	s8 =	sadd.s32 $0x3D200, s0;
	_ =	strace $0x80000053;
	[dreg:$0x6] =	wrdreg s7  }
0xb: {  	s9 =	sadd.s32 $0x65200, s0;
	s14 =	smul.u32 $0x50000, s20;
	[dreg:$0x7] =	wrdreg s22  }
0xc: {  	s10 =	sand.u32 $0x1, s10;
	s16 =	smul.u32 $0x280, s20;
	[dreg:$0x8] =	wrdreg s23  }
0xd: {  	s25 =	sshll.u32 s20, $0x6;
	s17 =	smul.u32 $0x2800, s20;
	[dreg:$0x9] =	wrdreg s24  }
0xe: {  	s7 =	sadd.s32 $0x15200, s0;
	s0 =	sadd.s32 $0x65800, s0;
	s12 =	ssub.s32 $0x2, s10  }
0xf: {  	s13 =	sshll.u32 s10, $0x4;
	s19 =	smul.u32 $0x28800, s10;
	p0 =	seq.s32 s10, $0x1  }
0x10: {  	s22 =	simm.s32 $0x2780;
	s23 =	simm.s32 $0x4F00;
	s24 =	simm.s32 $0x7680  }
0x11: {  	s15 =	sshrl.u32 s12, $0x1;
	s13 =	sor.u32 s20, s13;
	s14 =	sshrl.u32 s14, $0x2  }
0x12: {  	s21 =	sadd.s32 s16, s4;
	s26 =	sshrl.u32 s16, $0x3;
	s20 =	smul.u32 $0x2880, s20  }
0x13: {  	s7 =	smov.u32 @p0 s8;
	s9 =	smov.u32 @p0 s0;
	s12 =	ssub.s32 s12, s15  }
0x14: {  	s13 =	smul.u32 $0x2880, s13;
	s18 =	sadd.s32 s14, s3;
	s14 =	sor.u32 $0x1C02, s25  }
0x15: {  	s16 =	sadd.s32 s7, s17;
	s17 =	sadd.s32 s9, s26;
	s21 =	sshrl.u32 s21, $0x3  }
0x16: {  	s25 =	simm.s32 $0x80;
	s26 =	simm.s32 $0x7780;
	s15 =	smax.u32 s12, $0x1  }
0x17: {  	s0 =	sadd.s32 s20, s19;
	s19 =	sshrl.u32 s18, $0x3;
	s20 =	simm.s32 $0x2  }
.LBB2_1:
0x18: {  	s7 =	rddreg [dreg:$0x9]  }
0x19: {  	[spmem:s19], [sflag:s14] =	dma.local [hbm:s7], $0x2800  }
0x1a: {  	_ =	swait.ge [sflag:s20], $0x2800  }
0x1b: {  	[sflag:s20] =	ssyncset.done $0x0  }
0x1c: {  	[sflag:s20] =	ssyncadd.s32 $0xFFFFD800  }
0x1d: {  	[spmem:s21], [sflag:s14] =	dma.local [hbm:s11], $0x50  }
0x1e: {  	_ =	swait.ge [sflag:s20], $0x50  }
0x1f: {  	[sflag:s20] =	ssyncset.done $0x0  }
0x20: {  	s10 =	rddreg [dreg:$0x6];
	[sflag:s20] =	ssyncadd.s32 $0xFFFFFFB0  }
0x21: {  	[tilespmem:s5], [sflag:$0x2] =	stream.linear.gather [hbm4b:s10+s5], $0x2780, $0x38;
	[tilespmem:$0x1FA80] =	vst v63  }
0x22: {  	_ =	swait.ge [sflag:s20], $0x2780  }
0x23: {  	[sflag:s20] =	ssyncset.done $0x0  }
0x24: {  	s12 =	rddreg [dreg:$0x7];
	[sflag:s20] =	ssyncadd.s32 $0xFFFFD880  }
0x25: {  	[tilespmem:s22], [sflag:$0x2] =	stream.linear.gather [hbm4b:s12+s5], $0x2780, $0x38;
	[tilespmem:$0x1FA80] =	vst v63  }
0x26: {  	_ =	swait.ge [sflag:s20], $0x2780  }
0x27: {  	[sflag:s20] =	ssyncset.done $0x0  }
0x28: {  	s18 =	rddreg [dreg:$0x8];
	[sflag:s20] =	ssyncadd.s32 $0xFFFFD880  }
0x29: {  	[tilespmem:s23], [sflag:$0x2] =	stream.linear.gather [hbm4b:s18+s5], $0x2780, $0x38;
	[tilespmem:$0x1FA80] =	vst v63  }
0x2a: {  	_ =	swait.ge [sflag:s20], $0x2780  }
0x2b: {  	[sflag:s20] =	ssyncset.done $0x0  }
0x2c: {  	[sflag:s20] =	ssyncadd.s32 $0xFFFFD880  }
0x2d: {  	s12 =	simm.s32 $0x0;
	s18 =	smov.u32 s0;
	[bflag:$0x0] =	sbarrier.arrive $0xFFFF  }
.LBB2_2:
0x2e: {  	s7 =	sshll.u32 s12, $0x7  }
0x2f: {  	s7 =	sadd.s32 s13, s7  }
0x30: {  	s7 =	sshrl.u32 s7, $0x3  }
0x31: {  	s9 =	simm.s32 $0x0;
	s8 =	sadd.s32 s1, s7  }
0x32: {  	[tilespmem:s24], [sflag:$0x2] =	stream.linear.gather [hbm4b:s8+s9], $0x80, $0x38;
	[tilespmem:$0x1FA80] =	vst v63  }
0x33: {  	_ =	swait.ge [sflag:s20], $0x80  }
0x34: {  	[sflag:s20] =	ssyncset.done $0x0  }
0x35: {  	[sflag:s20] =	ssyncadd.s32 $0xFFFFFF80  }
0x36: {  	[tilespmem:s26], [sflag:$0x1] =	stream.indirect.gather [hbm4b:s2+s25], $0x80, s24, s25, $0xb8;
	[tilespmem:$0x1FA80] =	vst v63  }
0x37: {  	s7 =	sadd.s32 s6, s7  }
0x38: {  	[tilespmem:s28], [sflag:$0x2] =	stream.linear.gather [hbm4b:s7+s9], $0x80, $0x38;
	[tilespmem:$0x1FA80] =	vst v63  }
0x39: {  	_ =	swait.ge [sflag:s20], $0x80  }
0x3a: {  	[sflag:s20] =	ssyncset.done $0x0  }
0x3b: {  	s10 =	simm.s32 $0x0;
	[sflag:s20] =	ssyncadd.s32 $0xFFFFFF80  }
0x3c: {  	v0 =	vld [tilespmem:s10+$0x7700]  }
0x3d: {  	v1 =	vld [tilespmem:s10+$0x7680];
	_ =	sdelay $0x6  }
0x3e: {  	v2 =	vld.idx.msk [tilespmem:v0+s22+$0x0], $0xffff  }
0x3f: {  	v1 =	vld.idx.msk [tilespmem:v1+s5+$0x0], $0xffff;
	_ =	sdelay $0x4  }
0x40: {  	v0 =	vld.idx.msk [tilespmem:v0+s23+$0x0], $0xffff;
	v1 =	vadd.f32 v2, v1;
	_ =	sdelay $0x1  }
0x41: {  	v2 =	vmul.f32 $2.000000030e-01, v1  }
0x42: {  	vm0 =	vge.f32 v1, $0.0e+00  }
0x43: {  	v1 =	vsel vm0, v1, v2  }
0x44: {  	v0 =	vsub.f32 v1, v0;
	_ =	sdelay $0x1  }
0x45: {  	v0 =	vmul.f32 $1.442695020e+00, v0;
	_ =	sdelay $0x1  }
0x46: {  	(erf) = vpow2.f32 v0;
	_ =	sdelay $0x2  }
0x47: {  	s7 =	simm.s32 $0x10  }
0x48: {  	v0 =	vld [tilespmem:s7+$0x7700]  }
0x49: {  	v1 =	vld [tilespmem:s7+$0x7680];
	_ =	sdelay $0x3  }
0x4a: {  	p0 =	slt.u32 s18, $0x50910;
	v2 =	vpop (erf)  }
0x4b: {  	v2 =	vpsel !p0, $0x0, v2  }
0x4c: {  	[tilespmem:s10+$0xB780] =	vst v2  }
0x4d: {  	v2 =	vld.idx.msk [tilespmem:v0+s22+$0x0], $0xffff  }
0x4e: {  	v1 =	vld.idx.msk [tilespmem:v1+s5+$0x0], $0xffff;
	_ =	sdelay $0x4  }
0x4f: {  	v0 =	vld.idx.msk [tilespmem:v0+s23+$0x0], $0xffff;
	v1 =	vadd.f32 v2, v1;
	_ =	sdelay $0x1  }
0x50: {  	v2 =	vmul.f32 $2.000000030e-01, v1  }
0x51: {  	vm15 =	vge.f32 v1, $0.0e+00  }
0x52: {  	v1 =	vsel vm15, v1, v2  }
0x53: {  	v0 =	vsub.f32 v1, v0;
	_ =	sdelay $0x1  }
0x54: {  	v0 =	vmul.f32 $1.442695020e+00, v0;
	_ =	sdelay $0x1  }
0x55: {  	(erf) = vpow2.f32 v0;
	_ =	sdelay $0x2  }
0x56: {  	s10 =	simm.s32 $0x20  }
0x57: {  	s8 =	smov.u32 s18;
	s9 =	simm.s32 $0xC0;
	v0 =	vld [tilespmem:s10+$0x7700]  }
.LBB2_3:
0x58: {  	p0 =	sne.s32 s9, $0x1C0;
	v1 =	vld [tilespmem:s10+$0x7680];
	_ =	sdelay $0x2  }
0x59: {  	s8 =	sadd.s32 $0x10, s8  }
0x5a: {  	p1 =	slt.u32 s8, $0x50910;
	v2 =	vpop (erf)  }
0x5b: {  	v2 =	vpsel !p1, $0x0, v2  }
0x5c: {  	[tilespmem:s7+$0xB780] =	vst v2;
	s7 =	smov.u32 s10  }
0x5d: {  	v2 =	vld.idx.msk [tilespmem:v0+s22+$0x0], $0xffff  }
0x5e: {  	v1 =	vld.idx.msk [tilespmem:v1+s5+$0x0], $0xffff;
	_ =	sdelay $0x4  }
0x5f: {  	v0 =	vld.idx.msk [tilespmem:v0+s23+$0x0], $0xffff  }
0x60: {  	v1 =	vadd.f32 v2, v1;
	_ =	sdelay $0x1  }
0x61: {  	v2 =	vmul.f32 $2.000000030e-01, v1  }
0x62: {  	vm0 =	vge.f32 v1, $0.0e+00  }
0x63: {  	v1 =	vsel vm0, v1, v2  }
0x64: {  	v0 =	vsub.f32 v1, v0;
	_ =	sdelay $0x1  }
0x65: {  	v0 =	vmul.f32 $1.442695020e+00, v0;
	_ =	sdelay $0x1  }
.Ltmp0:
0x66: {  	(erf) = vpow2.f32 v0;
	(pc) =	sbr.rel @p0 .LBB2_3-.Ltmp0, $3  }
0x67: {  	_ =	sdelay $0x1  }
0x68: {  	s10 =	sshra.s32 s9, $0x2  }
0x69: {  	s9 =	sadd.s32 $0x40, s9;
	v0 =	vld [tilespmem:s10+$0x7700]  }
0x6a: {  	_ = 	snop  }
0x6b: {  	v1 =	vld [tilespmem:s10+$0x7680];
	_ =	sdelay $0x2  }
0x6c: {  	s8 =	sadd.s32 $0x10, s8  }
0x6d: {  	p0 =	slt.u32 s8, $0x50910;
	v2 =	vpop (erf)  }
0x6e: {  	v2 =	vpsel !p0, $0x0, v2  }
0x6f: {  	[tilespmem:s7+$0xB780] =	vst v2  }
0x70: {  	v2 =	vld.idx.msk [tilespmem:v0+s22+$0x0], $0xffff  }
0x71: {  	v1 =	vld.idx.msk [tilespmem:v1+s5+$0x0], $0xffff;
	_ =	sdelay $0x4  }
0x72: {  	v0 =	vld.idx.msk [tilespmem:v0+s23+$0x0], $0xffff;
	v1 =	vadd.f32 v2, v1;
	_ =	sdelay $0x1  }
0x73: {  	v2 =	vmul.f32 $2.000000030e-01, v1  }
0x74: {  	vm0 =	vge.f32 v1, $0.0e+00  }
0x75: {  	v1 =	vsel vm0, v1, v2  }
0x76: {  	v0 =	vsub.f32 v1, v0;
	_ =	sdelay $0x1  }
0x77: {  	v0 =	vmul.f32 $1.442695020e+00, v0;
	_ =	sdelay $0x1  }
0x78: {  	(erf) = vpow2.f32 v0;
	_ =	sdelay $0x7  }
0x79: {  	s8 =	sadd.s32 $0x10, s8  }
0x7a: {  	p6 =	slt.u32 s8, $0x50910;
	v0 =	vpop (erf)  }
0x7b: {  	s9 =	simm.s32 $0x0;
	v0 =	vpsel !p6, $0x0, v0  }
0x7c: {  	[tilespmem:s10+$0xB780] =	vst v0;
	v0 =	vmov s9  }
0x7d: {  	v0 =	vand.u32 $0xFFFFFFFE, v0  }
0x7e: {  	v1 =	vbroadcast v0, $0x0;
	_ =	sdelay $0x1  }
0x7f: {  	_ =	swait.ge [sflag:s29], $0x4000  }
0x80: {  	[sflag:s29] =	ssyncset.done $0x0  }
0x81: {  	s7 =	simm.s32 $0x7800;
	[sflag:s29] =	ssyncadd.s32 $0xFFFFC000  }
0x82: {  	v4 =	vld [tilespmem:s7+$0xFFFFFFF0]  }
0x83: {  	v5 =	vld.idx.msk [tilespmem:v1+s30+$0x0], $0xffff  }
0x84: {  	v6 =	vld [tilespmem:s7+$0xFFFFFF80]  }
0x85: {  	v7 =	vld [tilespmem:s7+$0xFFFFFFA0]  }
0x86: {  	v3 =	vld [tilespmem:s7+$0xFFFFFFB0]  }
0x87: {  	v2 =	vld [tilespmem:s7+$0xFFFFFFD0]  }
0x88: {  	v9 =	vld [tilespmem:s7+$0xFFFFFF90];
	v4 =	vmul.f32 v4, v5  }
0x89: {  	v8 =	vld [tilespmem:s7+$0xFFFFFFE0];
	v6 =	vmul.f32 v6, v5  }
0x8a: {  	v10 =	vld [tilespmem:s7+$0xFFFFFFC0];
	v7 =	vmul.f32 v7, v5;
	[tilespmem:s7+$0xFFFFFFF0] =	vst v4  }
0x8b: {  	v3 =	vmul.f32 v3, v5;
	[tilespmem:s7+$0xFFFFFF80] =	vst v6  }
0x8c: {  	s10 =	simm.s32 $0x1;
	v2 =	vmul.f32 v2, v5;
	[tilespmem:s7+$0xFFFFFFA0] =	vst v7  }
0x8d: {  	v4 =	vmul.f32 v9, v5;
	[tilespmem:s7+$0xFFFFFFB0] =	vst v3;
	v6 =	vmov s10  }
0x8e: {  	v0 =	vld [tilespmem:s7+$0x0];
	v3 =	vmul.f32 v8, v5;
	[tilespmem:s7+$0xFFFFFFD0] =	vst v2  }
0x8f: {  	v1 =	vld [tilespmem:s7+$0x10];
	v2 =	vmul.f32 v10, v5;
	[tilespmem:s7+$0xFFFFFF90] =	vst v4  }
0x90: {  	[tilespmem:s7+$0xFFFFFFE0] =	vst v3;
	v4 =	vld [tilespmem:s7+$0x30]  }
0x91: {  	[tilespmem:s7+$0xFFFFFFC0] =	vst v2;
	v3 =	vld [tilespmem:s7+$0x70]  }
0x92: {  	s8 =	simm.s32 $0x2;
	s9 =	simm.s32 $0x7800;
	v2 =	vld.idx.msk [tilespmem:v6+s30+$0x0], $0xffff  }
.LBB2_5:
0x93: {  	p0 =	slt.u32 s8, $0x7E  }
0x94: {  	v5 =	vld [tilespmem:s7+$0x20];
	s9 =	sadd.s32 $0x100, s9;
	s10 =	smov.u32 s8;
	s8 =	sadd.s32 $0x2, s8  }
0x95: {  	v6 =	vld [tilespmem:s7+$0x40]  }
0x96: {  	v7 =	vld [tilespmem:s7+$0x50]  }
0x97: {  	v8 =	vld [tilespmem:s7+$0x60];
	_ =	sdelay $0x1  }
0x98: {  	v0 =	vmul.f32 v0, v2;
	v1 =	vmul.f32 v1, v2  }
0x99: {  	v4 =	vmul.f32 v4, v2;
	v5 =	vmul.f32 v5, v2  }
0x9a: {  	v9 =	vmov s10;
	v6 =	vmul.f32 v6, v2;
	[tilespmem:s7+$0x0] =	vst v0;
	v7 =	vmul.f32 v7, v2  }
0x9b: {  	v9 =	vand.u32 $0xFFFFFFFE, v9;
	v0 =	vld [tilespmem:s9+$0x0];
	[tilespmem:s7+$0x30] =	vst v4;
	v4 =	vmul.f32 v8, v2;
	v2 =	vmul.f32 v3, v2  }
0x9c: {  	v3 =	vbroadcast v9, $0x0;
	[tilespmem:s7+$0x10] =	vst v1  }
0x9d: {  	[tilespmem:s7+$0x70] =	vst v2  }
0x9e: {  	v2 =	vld [tilespmem:s9+$0xFFFFFFD0];
	[tilespmem:s7+$0x20] =	vst v5  }
0x9f: {  	v5 =	vld [tilespmem:s9+$0xFFFFFFB0];
	[tilespmem:s7+$0x60] =	vst v4  }
0xa0: {  	v4 =	vld [tilespmem:s9+$0xFFFFFFE0];
	[tilespmem:s7+$0x40] =	vst v6  }
0xa1: {  	v6 =	vld [tilespmem:s9+$0xFFFFFFF0];
	[tilespmem:s7+$0x50] =	vst v7;
	s7 =	smov.u32 s9  }
0xa2: {  	v3 =	vld.idx.msk [tilespmem:v3+s30+$0x0], $0xffff  }
0xa3: {  	v7 =	vld [tilespmem:s9+$0xFFFFFF80]  }
0xa4: {  	v8 =	vld [tilespmem:s9+$0xFFFFFFA0]  }
0xa5: {  	v9 =	vld [tilespmem:s9+$0xFFFFFF90]  }
0xa6: {  	v10 =	vld [tilespmem:s9+$0xFFFFFFC0]  }
0xa7: {  	v1 =	vld [tilespmem:s9+$0x10]  }
0xa8: {  	v6 =	vmul.f32 v6, v3;
	v7 =	vmul.f32 v7, v3  }
0xa9: {  	v4 =	vmul.f32 v4, v3;
	v8 =	vmul.f32 v8, v3  }
0xaa: {  	v5 =	vmul.f32 v5, v3;
	v9 =	vmul.f32 v9, v3;
	[tilespmem:s9+$0xFFFFFFF0] =	vst v6  }
0xab: {  	v2 =	vmul.f32 v2, v3;
	[tilespmem:s9+$0xFFFFFF80] =	vst v7;
	v6 =	vmul.f32 v10, v3  }
0xac: {  	s10 =	sadd.s32 $0x1, s10;
	[tilespmem:s9+$0xFFFFFFA0] =	vst v8  }
0xad: {  	[tilespmem:s9+$0xFFFFFFB0] =	vst v5;
	v5 =	vmov s10  }
.Ltmp1:
0xae: {  	[tilespmem:s9+$0xFFFFFFD0] =	vst v2;
	(pc) =	sbr.rel @p0 .LBB2_5-.Ltmp1, $4  }
0xaf: {  	[tilespmem:s9+$0xFFFFFF90] =	vst v9  }
0xb0: {  	[tilespmem:s9+$0xFFFFFFE0] =	vst v4;
	v4 =	vld [tilespmem:s9+$0x30]  }
0xb1: {  	[tilespmem:s9+$0xFFFFFFC0] =	vst v6;
	v3 =	vld [tilespmem:s9+$0x70]  }
0xb2: {  	v2 =	vld.idx.msk [tilespmem:v5+s30+$0x0], $0xffff  }
0xb3: {  	_ =	sdelay $0x2  }
0xb4: {  	v5 =	vld [tilespmem:s7+$0x20]  }
0xb5: {  	v6 =	vld [tilespmem:s7+$0x60];
	v0 =	vmul.f32 v0, v2  }
0xb6: {  	v7 =	vld [tilespmem:s7+$0x40];
	v4 =	vmul.f32 v4, v2  }
0xb7: {  	v8 =	vld [tilespmem:s7+$0x50];
	v1 =	vmul.f32 v1, v2;
	[tilespmem:s7+$0x0] =	vst v0  }
0xb8: {  	v59 =	vmul.f32 v3, v2;
	[tilespmem:s7+$0x30] =	vst v4  }
0xb9: {  	v60 =	vmul.f32 v5, v2;
	[tilespmem:s7+$0x10] =	vst v1  }
0xba: {  	v61 =	vmul.f32 v6, v2;
	[tilespmem:s7+$0x70] =	vst v59  }
0xbb: {  	v62 =	vmul.f32 v7, v2;
	[tilespmem:s7+$0x20] =	vst v60  }
0xbc: {  	v63 =	vmul.f32 v8, v2;
	[tilespmem:s7+$0x60] =	vst v61  }
0xbd: {  	[tilespmem:s7+$0x40] =	vst v62  }
0xbe: {  	[tilespmem:s7+$0x50] =	vst v63  }
0xbf: {  	[spmem:s3] =	stream.indirect.scatter.add.f32 [tilespmem:s26], [sflag:$0x2], $0x80, s28, s25, $0xb8;
	[tilespmem:$0x1FA80] =	vst v63  }
0xc0: {  	s12 =	sadd.s32 $0x1, s12;
	_ =	swait.ge [sflag:s20], $0x4000  }
0xc1: {  	p0 =	sne.s32 s12, $0x51;
	[sflag:s20] =	ssyncset.done $0x0  }
.Ltmp2:
0xc2: {  	[sflag:s20] =	ssyncadd.s32 $0xFFFFC000;
	(pc) =	sbr.rel @p0 .LBB2_2-.Ltmp2, $4  }
0xc3: {  	[spmem:s4] =	stream.indirect.scatter.add.f32 [tilespmem:s30], [sflag:$0x2], $0x1, s28, s25, $0xb8;
	[tilespmem:$0x1FA80] =	vst v63  }
0xc4: {  	_ =	swait.ge [sflag:s20], $0x80  }
0xc5: {  	[sflag:s20] =	ssyncset.done $0x0  }
0xc6: {  	s18 =	sadd.s32 $0x80, s18;
	[sflag:s20] =	ssyncadd.s32 $0xFFFFFF80  }
0xc7: {  	[bflag:$0x0] =	sbarrier.arrive $0xFFFF  }
0xc8: {  	[hbm:s16], [sflag:s14] =	dma.local [spmem:s19], $0x2800  }
0xc9: {  	s31 =	sadd.s32 $0x1, s31;
	_ =	swait.ge [sflag:s20], $0x2800  }
0xca: {  	p0 =	sne.s32 s31, s15;
	[sflag:s20] =	ssyncset.done $0x0  }
.Ltmp3:
0xcb: {  	[sflag:s20] =	ssyncadd.s32 $0xFFFFD800;
	(pc) =	sbr.rel @p0 .LBB2_1-.Ltmp3, $4  }
0xcc: {  	[hbm:s17], [sflag:s14] =	dma.local [spmem:s21], $0x50  }
0xcd: {  	_ =	swait.ge [sflag:s20], $0x50  }
0xce: {  	[sflag:s20] =	ssyncset.done $0x0  }
0xcf: {  	[sflag:s20] =	ssyncadd.s32 $0xFFFFFFB0  }
0xd0: {  	_ =	sfence.sel $0x180000  }
0xd1: {  	[bflag:$0x0] =	sbarrier.arrive $0xFFFF  }
0xd2: {  	_ =	strace $0x90000053  }
0xd3: {  	s0 =	stileid.u32;
	[bflag:$0x2] =	sbarrier.arrive $0xFFFF  }
0xd4: {  	p0 =	sne.s32 s0, $0x0;
	s0 =	rddreg [dreg:$0x5]  }
0xd5: {  	s0 =	sadd.s32 @!p0 $0x100000, s0  }
0xd6: {  	[sflag:s0] =	ssyncadd.tile.s32 @!p0 $0x1;
	_ =	shalt  }
.Lfunc_end2:
_tile_overlayer_lowered:
.L_overlay_start_2:
0xd7: {  	(tag) =	ssettag $0x2  }
0xd8: {  	s0 =	rddreg [dreg:$0x0];
	s2 =	stileid.u32  }
0xd9: {  	s1 =	rddreg [dreg:$0x1];
	p0 =	sne.s32 s2, $0x0  }
0xda: {  	s3 =	rddreg [dreg:$0x2];
	[bflag:$0x3] =	sbarrier.arrive $0xFFFF;
	s2 =	simm.s32 @!p0 $0x1C02  }
0xdb: {  	[timem:s3], [sflag:s2] =	dma.local @!p0 [hbm:s0], s1  }
0xdc: {  	s0 =	simm.s32 @!p0 $0x2  }
0xdd: {  	_ =	swait.ge @!p0 [sflag:s0], s1  }
0xde: {  	s1 =	ssub.s32 @!p0 $0x0, s1;
	[sflag:s0] =	ssyncset.done @!p0 $0x0  }
0xdf: {  	[sflag:s0] =	ssyncadd.s32 @!p0 s1  }
0xe0: {  	[bflag:$0x3] =	sbarrier.arrive $0xFFFF  }
0xe1: {  	_ =	shalt  }

</sc_bundles>
